<compile_context>
chip_gen: v7x
topology: tpu7x:2x2x1
jax: 0.10.2.dev20260603
libtpu: 0.0.44.dev20260713+nightly
codegen_flags: <defaults>
</compile_context>

<pallas_src>
import functools

import jax
import jax.numpy as jnp
from jax import lax
from jax.experimental import pallas as pl
from jax.experimental.pallas import tpu as pltpu
from jax.experimental.pallas import tpu_sc as plsc

F32 = jnp.float32
I32 = jnp.int32

N_LOC = 10000
N_CLU = 1000
D = 128
RW = 8
TW = 16

NC = 2
NS = 16
NW = NC * NS
CHUNK = 128

LL_CHUNKS = 80
LL_EDGES_PAD = NW * LL_CHUNKS * CHUNK
LL_ROWS = 10240
LC_CHUNKS = 3
LC_EDGES_PAD = NW * LC_CHUNKS * CHUNK
CLU_ROWS = 1024
CC_CHUNKS = 4
CC_EDGES_PAD = NW * CC_CHUNKS * CHUNK



def _tc_gemm_body(split, x_ref, w_ref, b_ref, p_ref, r_ref):
    res = jnp.dot(x_ref[...], w_ref[...], preferred_element_type=F32)
    res = res + b_ref[...]
    p_ref[...] = res[:, :split]
    r_ref[...] = res[:, split:]


def _tc_gemm(x, w, b, n_rows, wp, wr):
    return pl.pallas_call(
        functools.partial(_tc_gemm_body, wp),
        out_shape=[jax.ShapeDtypeStruct((n_rows, wp), F32),
                   jax.ShapeDtypeStruct((n_rows, wr), F32)],
    )(x, w, b)


def _tc_cluster_body(xc_ref, cmt_ref, wx_ref, wc_ref, b_ref, z_ref, rc_ref):
    cm = jnp.max(cmt_ref[...], axis=0)
    res = jnp.dot(xc_ref[...], wx_ref[...], preferred_element_type=F32)
    res = res + jnp.dot(cm, wc_ref[...], preferred_element_type=F32)
    res = res + b_ref[...]
    z_ref[...] = res[:, :RW]
    rc_ref[...] = res[:, RW:]


def _tc_cluster(xc, cmt, wx, wc, b):
    return pl.pallas_call(
        _tc_cluster_body,
        out_shape=[jax.ShapeDtypeStruct((CLU_ROWS, RW), F32)] * 2,
    )(xc, cmt, wx, wc, b)


def _tc_final_body(a_ref, b_ref, rc_ref, w3_ref, b3_ref, o_ref):
    s = a_ref[...] + b_ref[...]
    cnt = s[:, 4:5]
    mean = s[:, :4] / jnp.maximum(cnt, 1.0)
    o = mean + rc_ref[...][:, :4]
    rows = lax.broadcasted_iota(I32, (CLU_ROWS, 4), 0)
    o = jnp.where(rows < N_CLU, o, -3.0e38)
    m = jnp.max(o, axis=0, keepdims=True)
    prod = m * w3_ref[...]
    o_ref[...] = jnp.sum(prod, axis=1, keepdims=True) + b3_ref[...]


def _tc_final(a2a, a2b, rc, w3t, b3m):
    return pl.pallas_call(
        _tc_final_body,
        out_shape=jax.ShapeDtypeStruct((1, 1), F32),
    )(a2a, a2b, rc, w3t, b3m)



_MESH = plsc.VectorSubcoreMesh(core_axis_name="c", subcore_axis_name="s")


def _make_scatter_add(n_chunks, tab_rows, table_rows, nt0=None, nt1=None):
    grp = min(4, n_chunks)
    nt = n_chunks // grp
    assert nt * grp == n_chunks
    if nt0 is None:
        nt0, nt1 = nt, nt
    assert nt0 + nt1 == 2 * nt
    nt_max = max(nt0, nt1)
    nslot = min(4, nt_max)
    nair = max(1, nslot // 2)
    assert nt0 % nslot == 0 and nt1 % nslot == 0
    zr = tab_rows // NS
    tr = table_rows // NS

    @functools.partial(
        pl.kernel,
        out_type=[jax.ShapeDtypeStruct((tab_rows, RW), F32)] * 2,
        mesh=_MESH,
        compiler_params=pltpu.CompilerParams(use_tc_tiling_on_sc=False,
                                         needs_layout_passes=False),
        scratch_types=(
            [pltpu.VMEM((nt_max, grp * CHUNK), I32)] * 2
            + [pltpu.VMEM((grp * CHUNK, RW), F32)] * nslot
            + [pltpu.VMEM_SHARED((tab_rows, RW), F32)]
            + [pltpu.VMEM_SHARED((table_rows, RW), F32)]
            + [pltpu.SemaphoreType.DMA] * (2 * nslot + 3)
        ),
    )
    def sck(table_hbm, zeros_hbm, src_hbm, dst_hbm, acc_a, acc_b, *rest):
        src_v, dst_v = rest[0], rest[1]
        bufs = rest[2:2 + nslot]
        acc_sh = rest[2 + nslot]
        tab_sh = rest[3 + nslot]
        gsem = rest[4 + nslot:4 + 2 * nslot]
        ssem = rest[4 + 2 * nslot:4 + 3 * nslot]
        isem = rest[4 + 3 * nslot]
        zsem = rest[5 + 3 * nslot]
        tsem = rest[6 + 3 * nslot]

        cid = lax.axis_index("c")
        sid = lax.axis_index("s")
        my_nt = jnp.where(cid == 0, nt0, nt1)
        base = jnp.where(cid == 0, sid * nt0, NS * nt0 + sid * nt1)

        ic0 = pltpu.async_copy(
            src_hbm.at[pl.ds(base, nt_max)], src_v, isem)
        ic1 = pltpu.async_copy(
            dst_hbm.at[pl.ds(base, nt_max)], dst_v, isem)
        zc = pltpu.async_copy(
            zeros_hbm.at[pl.ds(sid * zr, zr)],
            acc_sh.at[pl.ds(sid * zr, zr)], zsem)
        tc_ = pltpu.async_copy(
            table_hbm.at[pl.ds(sid * tr, tr)],
            tab_sh.at[pl.ds(sid * tr, tr)], tsem)
        ic0.wait()
        ic1.wait()
        zc.wait()
        tc_.wait()
        plsc.subcore_barrier()

        def gather(j, b):
            pltpu.async_copy(tab_sh.at[src_v.at[j]], bufs[b], gsem[b])

        def scatter(j, b):
            pltpu.async_copy(
                bufs[b], acc_sh.at[dst_v.at[j]], ssem[b], add=True)

        def wait_gather(b):
            pltpu.make_async_copy(
                tab_sh.at[src_v.at[0]], bufs[b], gsem[b]).wait()

        def wait_scatter(b):
            pltpu.make_async_copy(
                bufs[b], acc_sh.at[dst_v.at[0]], ssem[b]).wait()

        for b in range(nair):
            gather(b, b)

        def group(g, carry):
            for b in range(nslot):
                j = g * nslot + b
                wait_gather(b)
                scatter(j, b)
                bn = (b + nair) % nslot
                jn = j + nair

                @pl.when(jn >= nslot)
                def _():
                    wait_scatter(bn)

                @pl.when(jn < my_nt)
                def _():
                    gather(jn, bn)
            return carry

        lax.fori_loop(0, my_nt // nslot, group, 0)

        for b in range(nair, nslot):
            wait_scatter(b)

        plsc.subcore_barrier()

        @pl.when(cid == 0)
        def _():
            pltpu.sync_copy(
                acc_sh.at[pl.ds(sid * zr, zr)], acc_a.at[pl.ds(sid * zr, zr)])

        @pl.when(cid == 1)
        def _():
            pltpu.sync_copy(
                acc_sh.at[pl.ds(sid * zr, zr)], acc_b.at[pl.ds(sid * zr, zr)])

    return sck


_scatter_add_ll = _make_scatter_add(LL_CHUNKS, LL_ROWS, N_LOC,
                                    nt0=None, nt1=None)
_scatter_add_cc = _make_scatter_add(CC_CHUNKS, CLU_ROWS, CLU_ROWS)

_TAB_W = CLU_ROWS * TW
_LC_E = LC_EDGES_PAD // NW
_LX_R = LL_ROWS // NS


@functools.partial(
    pl.kernel,
    out_type=jax.ShapeDtypeStruct((NW, _TAB_W), F32),
    mesh=_MESH,
    compiler_params=pltpu.CompilerParams(use_tc_tiling_on_sc=False,
                                         needs_layout_passes=False),
    scratch_types=(
        [pltpu.VMEM((_LC_E,), I32)] * 2
        + [pltpu.VMEM((_LC_E, RW), F32)]
        + [pltpu.VMEM((_LX_R, RW), F32)] * 4
        + [pltpu.VMEM((_TAB_W,), F32)]
        + [pltpu.VMEM_SHARED((LL_ROWS, RW), F32)]
        + [pltpu.SemaphoreType.DMA] * 6
    ),
)
def _segmax_lc(acc_a, acc_b, r_hbm, zeros_hbm, src_hbm, dst_hbm, out_hbm,
               src_v, dst_v, g, a0, a1, r0, res, tab_v, locx_sh,
               s0, s1, s2, s3, s4, s5):
    cid = lax.axis_index("c")
    sid = lax.axis_index("s")
    wid = cid * NS + sid

    c0 = pltpu.async_copy(src_hbm.at[pl.ds(wid * _LC_E, _LC_E)], src_v, s0)
    c1 = pltpu.async_copy(dst_hbm.at[pl.ds(wid * _LC_E, _LC_E)], dst_v, s1)
    c2 = pltpu.async_copy(zeros_hbm, tab_v, s2)
    rs = pl.ds(sid * _LX_R, _LX_R)
    ca = pltpu.async_copy(acc_a.at[rs], a0, s3)
    cb = pltpu.async_copy(acc_b.at[rs], a1, s4)
    cr = pltpu.async_copy(r_hbm.at[rs], r0, s5)
    ca.wait()
    cb.wait()
    cr.wait()

    lanes = lax.iota(I32, 16)
    cols8 = jnp.bitwise_and(lanes, 7)
    hi8 = (lanes >= 8).astype(I32)

    def nbody(i, carry):
        rows2 = 2 * i + hi8
        sv = (plsc.load_gather(a0, [rows2, cols8])
              + plsc.load_gather(a1, [rows2, cols8]))
        cntv = jnp.where(lanes < 8, sv[7], sv[15])
        el = jnp.maximum(
            sv / jnp.maximum(cntv, 1.0)
            + plsc.load_gather(r0, [rows2, cols8]), 0.0)
        plsc.store_scatter(res, [rows2, cols8], el)
        return carry

    lax.fori_loop(0, _LX_R // 2, nbody, 0)
    pltpu.sync_copy(res, locx_sh.at[rs])
    c0.wait()
    plsc.subcore_barrier()

    pltpu.async_copy(locx_sh.at[src_v], g, s3).wait()
    c1.wait()
    c2.wait()

    def body(q, carry):
        dvec = dst_v[pl.ds(q * 16, 16)]
        for l in range(16):
            rows = jnp.full((16,), q * 16 + l, I32)
            el = plsc.load_gather(g, [rows, cols8])
            off = dvec[l] * TW
            tab_v[pl.ds(off, 16)] = jnp.maximum(tab_v[pl.ds(off, 16)], el)
        return carry

    lax.fori_loop(0, _LC_E // 16, body, 0)

    pltpu.sync_copy(tab_v, out_hbm.at[wid])



def _pad_edges(src, dst, total, pad_dst, width=CHUNK):
    n = src.shape[0]
    src = jnp.pad(src.astype(I32), (0, total - n))
    dst = jnp.pad(dst.astype(I32), (0, total - n), constant_values=pad_dst)
    return src.reshape(-1, width), dst

def kernel(x_locs, x_clusters, edge_ll, edge_lc_src, edge_lc_dst, edge_cc,
           W_l, W_r, b_l, W2_l, W2_r, b2, W3, b3):
    w1 = jnp.zeros((D, 2 * RW), F32)
    w1 = w1.at[:, 0:7].set(W_l).at[:, RW:RW + 7].set(W_r)
    b1 = jnp.zeros((1, 2 * RW), F32)
    b1 = b1.at[0, 7].set(1.0).at[0, RW:RW + 7].set(b_l)

    w2x = jnp.zeros((D, 2 * RW), F32)
    w2x = w2x.at[:, 0:4].set(W2_l[:D]).at[:, RW:RW + 4].set(W2_r[:D])
    w2c = jnp.zeros((TW, 2 * RW), F32)
    w2c = w2c.at[0:7, 0:4].set(W2_l[D:]).at[0:7, RW:RW + 4].set(W2_r[D:])
    b2v = jnp.zeros((1, 2 * RW), F32)
    b2v = b2v.at[0, 4].set(1.0).at[0, RW:RW + 4].set(b2)

    P, R = _tc_gemm(x_locs, w1, b1, N_LOC, RW, RW)

    src_ll, dst_ll = _pad_edges(edge_ll[0], edge_ll[1], LL_EDGES_PAD, N_LOC,
                                width=4 * CHUNK)
    acc_a, acc_b = _scatter_add_ll(
        P, jnp.zeros((LL_ROWS, RW), F32), src_ll,
        dst_ll.reshape(-1, 4 * CHUNK))

    src_lc = jnp.pad(edge_lc_src.astype(I32), (0, LC_EDGES_PAD - N_LOC))
    dst_lc = jnp.pad(edge_lc_dst.astype(I32), (0, LC_EDGES_PAD - N_LOC),
                     constant_values=N_CLU)
    r_pad = jnp.zeros((LL_ROWS, RW), F32).at[:N_LOC].set(R)
    tabs = _segmax_lc(acc_a, acc_b, r_pad, jnp.zeros((_TAB_W,), F32),
                      src_lc, dst_lc)
    cmt = tabs.reshape(NW, CLU_ROWS, TW)

    xc = jnp.zeros((CLU_ROWS, D), F32).at[:N_CLU].set(x_clusters)
    Z, Rc = _tc_cluster(xc, cmt, w2x, w2c, b2v)

    src_cc, dst_cc = _pad_edges(edge_cc[0], edge_cc[1], CC_EDGES_PAD, N_CLU,
                                width=4 * CHUNK)
    a2a, a2b = _scatter_add_cc(
        Z, jnp.zeros((CLU_ROWS, RW), F32), src_cc,
        dst_cc.reshape(-1, 4 * CHUNK))

    out = _tc_final(a2a, a2b, Rc, W3.reshape(1, 4), b3.reshape(1, 1))
    return out.reshape(1)

# --- scband reference (transcript-rebuilt; emitter-appended) ---
"""Pipeline reference for scband-loc-cluster-net-41188736369206 (READ-ONLY COPY).

The authoritative reference and input builder live on the scoring server;
editing this copy changes nothing except your own understanding.
"""

import jax, jax.numpy as jnp
import numpy as np

N_LOCS = 10000
N_CLUSTERS = 1000
D_FEAT = 128

def setup_inputs(seed: int = 0) -> dict:
    key = jax.random.key(seed)
    ks = jax.random.split(key, 16)
    x_locs = jax.random.normal(ks[0], (N_LOCS, D_FEAT), dtype=jnp.float32)
    x_clusters = jax.random.normal(ks[1], (N_CLUSTERS, D_FEAT), dtype=jnp.float32)
    edge_ll = jax.random.randint(ks[2], (2, 320000), 0, N_LOCS).astype(jnp.int64)
    edge_lc_src = jax.random.randint(ks[3], (10000,), 0, N_LOCS).astype(jnp.int64)
    edge_lc_dst = jax.random.randint(ks[4], (10000,), 0, N_CLUSTERS).astype(jnp.int64)
    edge_cc = jax.random.randint(ks[5], (2, 16000), 0, N_CLUSTERS).astype(jnp.int64)
    # LocEncoder SAGEConv((-1,-1), 7): lin_l (neighbor, with bias), lin_r (root, no bias)
    W_l = jax.random.normal(ks[6], (D_FEAT, 7), dtype=jnp.float32) * 0.05
    W_r = jax.random.normal(ks[7], (D_FEAT, 7), dtype=jnp.float32) * 0.05
    b_l = jax.random.normal(ks[8], (7,), dtype=jnp.float32) * 0.05
    # ClusterEncoder SAGEConv((-1,-1), 4) on concat(128+7)=135-dim cluster features
    W2_l = jax.random.normal(ks[9], (D_FEAT + 7, 4), dtype=jnp.float32) * 0.05
    W2_r = jax.random.normal(ks[10], (D_FEAT + 7, 4), dtype=jnp.float32) * 0.05
    b2 = jax.random.normal(ks[11], (4,), dtype=jnp.float32) * 0.05
    # Final Linear(4, 1)
    W3 = jax.random.normal(ks[12], (4, 1), dtype=jnp.float32) * 0.05
    b3 = jax.random.normal(ks[13], (1,), dtype=jnp.float32) * 0.05
    return {"x_locs": x_locs, "x_clusters": x_clusters, "edge_ll": edge_ll,
            "edge_lc_src": edge_lc_src, "edge_lc_dst": edge_lc_dst, "edge_cc": edge_cc,
            "W_l": W_l, "W_r": W_r, "b_l": b_l,
            "W2_l": W2_l, "W2_r": W2_r, "b2": b2, "W3": W3, "b3": b3}


def _sage_mean(x_src, x_dst, src, dst, Wl, Wr, b, num_dst):
    # PyG SAGEConv default: mean-aggregate neighbor msgs -> lin_l (+bias), plus root lin_r
    msg = jnp.take(x_src, src, axis=0)
    agg = jax.ops.segment_sum(msg, dst, num_segments=num_dst)
    cnt = jax.ops.segment_sum(jnp.ones((src.shape[0], 1), dtype=x_src.dtype), dst, num_segments=num_dst)
    mean = agg / jnp.maximum(cnt, 1.0)
    return mean @ Wl + b + x_dst @ Wr


def reference(x_locs, x_clusters, edge_ll, edge_lc_src, edge_lc_dst, edge_cc,
              W_l, W_r, b_l, W2_l, W2_r, b2, W3, b3):
    n_locs = x_locs.shape[0]
    n_clusters = x_clusters.shape[0]
    # --- LocEncoder: SAGEConv on locs-clusteredwith-locs, then ReLU ---
    loc_x = jax.nn.relu(_sage_mean(x_locs, x_locs, edge_ll[0], edge_ll[1], W_l, W_r, b_l, n_locs))
    # --- Loc2Cluster: SimpleConv(aggr='max') locs -> clusters, squeeze, concat ---
    cmsg = jnp.take(loc_x, edge_lc_src, axis=0)
    cmax = jax.ops.segment_max(cmsg, edge_lc_dst, num_segments=n_clusters)
    cmax = jnp.where(jnp.isfinite(cmax), cmax, 0.0)  # empty segments -> 0
    clu = jnp.concatenate([x_clusters, cmax], axis=-1)  # [n_clusters, 135]
    # --- ClusterEncoder: SAGEConv on clusters-near-clusters, then global max over nodes ---
    out = _sage_mean(clu, clu, edge_cc[0], edge_cc[1], W2_l, W2_r, b2, n_clusters)
    out = jnp.max(out, axis=0)  # [4]
    # --- Final Linear(4, 1) ---
    return out @ W3 + b3  # [1]

if __name__ == "__main__":
    import jax
    _d = setup_inputs()
    print(jax.jit(kernel)(*tuple(_d.values())))

</pallas_src>

<mosaic_0001>
#map = affine_map<(d0, d1) -> (0, 0)>
module attributes {stable_mosaic.version = 14 : i64} {
  func.func @sck(%arg0: i32, %arg1: i32, %arg2: memref<1024x8xf32, #tpu.memory_space<hbm>>, %arg3: memref<1024x8xf32, #tpu.memory_space<hbm>>, %arg4: memref<32x512xi32, #tpu.memory_space<hbm>>, %arg5: memref<32x512xi32, #tpu.memory_space<hbm>>, %arg6: memref<1024x8xf32, #tpu.memory_space<hbm>>, %arg7: memref<1024x8xf32, #tpu.memory_space<hbm>>, %arg8: memref<1x512xi32, #tpu.memory_space<vmem>>, %arg9: memref<1x512xi32, #tpu.memory_space<vmem>>, %arg10: memref<512x8xf32, #tpu.memory_space<vmem>>, %arg11: memref<1024x8xf32, #tpu.memory_space<vmem_shared>>, %arg12: memref<1024x8xf32, #tpu.memory_space<vmem_shared>>, %arg13: memref<!tpu.dma_semaphore, #tpu.memory_space<semaphore_mem>>, %arg14: memref<!tpu.dma_semaphore, #tpu.memory_space<semaphore_mem>>, %arg15: memref<!tpu.dma_semaphore, #tpu.memory_space<semaphore_mem>>, %arg16: memref<!tpu.dma_semaphore, #tpu.memory_space<semaphore_mem>>, %arg17: memref<!tpu.dma_semaphore, #tpu.memory_space<semaphore_mem>>) attributes {dimension_semantics = [#tpu.dimension_semantics<core_parallel>, #tpu.dimension_semantics<subcore_parallel>], iteration_bounds = array<i64: 2, 16>, scalar_prefetch = 0 : i64, scratch_operands = 10 : i64, tpu.core_type = #tpu.core_type<sc_vector_subcore>, window_params = [{transform_indices = #map}, {transform_indices = #map}, {transform_indices = #map}, {transform_indices = #map}, {transform_indices = #map}, {transform_indices = #map}]} {
    %eq3A = arith.constant 0 : i32
    %eq3A_0 = arith.cmpi eq, %arg0, %eq3A : i32
    %jit3A = arith.constant 1 : i32
    %jit3A_1 = arith.constant 1 : i32
    %select_n3A = arith.select %eq3A_0, %jit3A, %jit3A_1 : i32
    %eq3A_2 = arith.constant 0 : i32
    %eq3A_3 = arith.cmpi eq, %arg0, %eq3A_2 : i32
    %mul3A = arith.constant 1 : i32
    %mul3A_4 = arith.muli %arg1, %mul3A : i32
    %mul3A_5 = arith.constant 1 : i32
    %mul3A_6 = arith.muli %arg1, %mul3A_5 : i32
    %add3A = arith.constant 16 : i32
    %add3A_7 = arith.addi %add3A, %mul3A_6 : i32
    %select_n3A_8 = arith.select %eq3A_3, %mul3A_4, %add3A_7 : i32
    %dma_start3A = arith.constant 0 : i32
    %dma_start3A_9 = tpu.memref_slice %arg4[%select_n3A_8, %dma_start3A] : memref<32x512xi32, #tpu.memory_space<hbm>> -> memref<1x512xi32, #tpu.memory_space<hbm>>
    %dma_start3A_10 = arith.constant 0 : i32
    %dma_start3A_11 = tpu.memref_slice %arg4[%select_n3A_8, %dma_start3A_10] : memref<32x512xi32, #tpu.memory_space<hbm>> -> memref<1x512xi32, #tpu.memory_space<hbm>>
    tpu.enqueue_dma source(%dma_start3A_11 : memref<1x512xi32, #tpu.memory_space<hbm>>) target(%arg8 : memref<1x512xi32, #tpu.memory_space<vmem>>) target_semaphore(%arg15 : memref<!tpu.dma_semaphore, #tpu.memory_space<semaphore_mem>>)
    %dma_start3A_12 = arith.constant 0 : i32
    %dma_start3A_13 = tpu.memref_slice %arg5[%select_n3A_8, %dma_start3A_12] : memref<32x512xi32, #tpu.memory_space<hbm>> -> memref<1x512xi32, #tpu.memory_space<hbm>>
    %dma_start3A_14 = arith.constant 0 : i32
    %dma_start3A_15 = tpu.memref_slice %arg5[%select_n3A_8, %dma_start3A_14] : memref<32x512xi32, #tpu.memory_space<hbm>> -> memref<1x512xi32, #tpu.memory_space<hbm>>
    tpu.enqueue_dma source(%dma_start3A_15 : memref<1x512xi32, #tpu.memory_space<hbm>>) target(%arg9 : memref<1x512xi32, #tpu.memory_space<vmem>>) target_semaphore(%arg15 : memref<!tpu.dma_semaphore, #tpu.memory_space<semaphore_mem>>)
    %mul3A_16 = arith.constant 64 : i32
    %mul3A_17 = arith.muli %arg1, %mul3A_16 : i32
    %mul3A_18 = arith.constant 64 : i32
    %mul3A_19 = arith.muli %arg1, %mul3A_18 : i32
    %dma_start3A_20 = arith.constant 0 : i32
    %dma_start3A_21 = tpu.memref_slice %arg11[%mul3A_19, %dma_start3A_20] : memref<1024x8xf32, #tpu.memory_space<vmem_shared>> -> memref<64x8xf32, #tpu.memory_space<vmem_shared>>
    %dma_start3A_22 = arith.constant 0 : i32
    %dma_start3A_23 = tpu.memref_slice %arg3[%mul3A_17, %dma_start3A_22] : memref<1024x8xf32, #tpu.memory_space<hbm>> -> memref<64x8xf32, #tpu.memory_space<hbm>>
    tpu.enqueue_dma source(%dma_start3A_23 : memref<64x8xf32, #tpu.memory_space<hbm>>) target(%dma_start3A_21 : memref<64x8xf32, #tpu.memory_space<vmem_shared>>) target_semaphore(%arg16 : memref<!tpu.dma_semaphore, #tpu.memory_space<semaphore_mem>>)
    %mul3A_24 = arith.constant 64 : i32
    %mul3A_25 = arith.muli %arg1, %mul3A_24 : i32
    %mul3A_26 = arith.constant 64 : i32
    %mul3A_27 = arith.muli %arg1, %mul3A_26 : i32
    %dma_start3A_28 = arith.constant 0 : i32
    %dma_start3A_29 = tpu.memref_slice %arg12[%mul3A_27, %dma_start3A_28] : memref<1024x8xf32, #tpu.memory_space<vmem_shared>> -> memref<64x8xf32, #tpu.memory_space<vmem_shared>>
    %dma_start3A_30 = arith.constant 0 : i32
    %dma_start3A_31 = tpu.memref_slice %arg2[%mul3A_25, %dma_start3A_30] : memref<1024x8xf32, #tpu.memory_space<hbm>> -> memref<64x8xf32, #tpu.memory_space<hbm>>
    tpu.enqueue_dma source(%dma_start3A_31 : memref<64x8xf32, #tpu.memory_space<hbm>>) target(%dma_start3A_29 : memref<64x8xf32, #tpu.memory_space<vmem_shared>>) target_semaphore(%arg17 : memref<!tpu.dma_semaphore, #tpu.memory_space<semaphore_mem>>)
    %dma_wait3A = arith.constant 0 : i32
    %dma_wait3A_32 = tpu.memref_slice %arg4[%select_n3A_8, %dma_wait3A] : memref<32x512xi32, #tpu.memory_space<hbm>> -> memref<1x512xi32, #tpu.memory_space<hbm>>
    %dma_wait3A_33 = arith.constant 0 : i32
    %dma_wait3A_34 = tpu.memref_slice %arg4[%select_n3A_8, %dma_wait3A_33] : memref<32x512xi32, #tpu.memory_space<hbm>> -> memref<1x512xi32, #tpu.memory_space<hbm>>
    tpu.wait_dma2 semaphore(%arg15 : memref<!tpu.dma_semaphore, #tpu.memory_space<semaphore_mem>>) src(%dma_wait3A_34 : memref<1x512xi32, #tpu.memory_space<hbm>>) dst(%arg8 : memref<1x512xi32, #tpu.memory_space<vmem>>)
    %dma_wait3A_35 = arith.constant 0 : i32
    %dma_wait3A_36 = tpu.memref_slice %arg5[%select_n3A_8, %dma_wait3A_35] : memref<32x512xi32, #tpu.memory_space<hbm>> -> memref<1x512xi32, #tpu.memory_space<hbm>>
    %dma_wait3A_37 = arith.constant 0 : i32
    %dma_wait3A_38 = tpu.memref_slice %arg5[%select_n3A_8, %dma_wait3A_37] : memref<32x512xi32, #tpu.memory_space<hbm>> -> memref<1x512xi32, #tpu.memory_space<hbm>>
    tpu.wait_dma2 semaphore(%arg15 : memref<!tpu.dma_semaphore, #tpu.memory_space<semaphore_mem>>) src(%dma_wait3A_38 : memref<1x512xi32, #tpu.memory_space<hbm>>) dst(%arg9 : memref<1x512xi32, #tpu.memory_space<vmem>>)
    %dma_wait3A_39 = arith.constant 0 : i32
    %dma_wait3A_40 = tpu.memref_slice %arg11[%mul3A_19, %dma_wait3A_39] : memref<1024x8xf32, #tpu.memory_space<vmem_shared>> -> memref<64x8xf32, #tpu.memory_space<vmem_shared>>
    %dma_wait3A_41 = arith.constant 0 : i32
    %dma_wait3A_42 = tpu.memref_slice %arg3[%mul3A_17, %dma_wait3A_41] : memref<1024x8xf32, #tpu.memory_space<hbm>> -> memref<64x8xf32, #tpu.memory_space<hbm>>
    tpu.wait_dma2 semaphore(%arg16 : memref<!tpu.dma_semaphore, #tpu.memory_space<semaphore_mem>>) src(%dma_wait3A_42 : memref<64x8xf32, #tpu.memory_space<hbm>>) dst(%dma_wait3A_40 : memref<64x8xf32, #tpu.memory_space<vmem_shared>>)
    %dma_wait3A_43 = arith.constant 0 : i32
    %dma_wait3A_44 = tpu.memref_slice %arg12[%mul3A_27, %dma_wait3A_43] : memref<1024x8xf32, #tpu.memory_space<vmem_shared>> -> memref<64x8xf32, #tpu.memory_space<vmem_shared>>
    %dma_wait3A_45 = arith.constant 0 : i32
    %dma_wait3A_46 = tpu.memref_slice %arg2[%mul3A_25, %dma_wait3A_45] : memref<1024x8xf32, #tpu.memory_space<hbm>> -> memref<64x8xf32, #tpu.memory_space<hbm>>
    tpu.wait_dma2 semaphore(%arg17 : memref<!tpu.dma_semaphore, #tpu.memory_space<semaphore_mem>>) src(%dma_wait3A_46 : memref<64x8xf32, #tpu.memory_space<hbm>>) dst(%dma_wait3A_44 : memref<64x8xf32, #tpu.memory_space<vmem_shared>>)
    %barrier3A = arith.constant 0 : index
    tpu.barrier barrier_id(%barrier3A)
    %dma_start3A_47 = arith.constant 0 : i32
    %dma_start3A_48 = arith.constant 0 : i32
    %dma_start3A_49 = tpu.memref_slice %arg8[%dma_start3A_47, %dma_start3A_48] : memref<1x512xi32, #tpu.memory_space<vmem>> -> memref<1x512xi32, #tpu.memory_space<vmem>>
    %dma_start3A_50 = tpu.memref_squeeze %dma_start3A_49 : memref<1x512xi32, #tpu.memory_space<vmem>> -> memref<512xi32, #tpu.memory_space<vmem>>
    %dma_start3A_51 = arith.constant 0 : i32
    %dma_start3A_52 = arith.constant 0 : i32
    %dma_start3A_53 = tpu.memref_slice %arg12[%dma_start3A_51, %dma_start3A_52] : memref<1024x8xf32, #tpu.memory_space<vmem_shared>> -> memref<1024x8xf32, #tpu.memory_space<vmem_shared>>
    tpu.enqueue_indirect_dma source(%dma_start3A_53 : memref<1024x8xf32, #tpu.memory_space<vmem_shared>>) target(%arg10 : memref<512x8xf32, #tpu.memory_space<vmem>>) offsets(%dma_start3A_50 : memref<512xi32, #tpu.memory_space<vmem>>) semaphore(%arg13 : memref<!tpu.dma_semaphore, #tpu.memory_space<semaphore_mem>>)
    %jit3A_54 = arith.constant 1 : i32
    %div3A = arith.divsi %select_n3A, %jit3A_54 : i32
    %sign3A = arith.constant 0 : i32
    %sign3A_55 = arith.cmpi sgt, %select_n3A, %sign3A : i32
    %sign3A_56 = arith.extui %sign3A_55 : i1 to i32
    %sign3A_57 = arith.constant 0 : i32
    %sign3A_58 = arith.cmpi slt, %select_n3A, %sign3A_57 : i32
    %sign3A_59 = arith.extui %sign3A_58 : i1 to i32
    %sign3A_60 = arith.subi %sign3A_56, %sign3A_59 : i32
    %sign3A_61 = arith.constant 0 : i32
    %sign3A_62 = arith.cmpi sgt, %jit3A_54, %sign3A_61 : i32
    %sign3A_63 = arith.extui %sign3A_62 : i1 to i32
    %sign3A_64 = arith.constant 0 : i32
    %sign3A_65 = arith.cmpi slt, %jit3A_54, %sign3A_64 : i32
    %sign3A_66 = arith.extui %sign3A_65 : i1 to i32
    %sign3A_67 = arith.subi %sign3A_63, %sign3A_66 : i32
    %ne3A = arith.cmpi ne, %sign3A_60, %sign3A_67 : i32
    %rem3A = arith.remsi %select_n3A, %jit3A_54 : i32
    %ne3A_68 = arith.constant 0 : i32
    %ne3A_69 = arith.cmpi ne, %rem3A, %ne3A_68 : i32
    %and3A = arith.andi %ne3A, %ne3A_69 : i1
    %sub3A = arith.constant 1 : i32
    %sub3A_70 = arith.subi %div3A, %sub3A : i32
    %select_n3A_71 = arith.select %and3A, %sub3A_70, %div3A : i32
    %while3A = arith.constant 0 : i32
    %while3A_72 = arith.constant 0 : i32
    %while3A_73 = arith.subi %select_n3A_71, %while3A_72 : i32
    %while3A_74 = arith.addi %while3A_72, %while3A_73 : i32
    %while3A_75 = arith.constant 1 : i32
    %while3A_76 = arith.divsi %while3A_73, %while3A_75 : i32
    %while3A_77 = arith.muli %while3A_76, %while3A_75 : i32
    %while3A_78 = arith.addi %while3A_72, %while3A_77 : i32
    %while3A_79 = arith.constant 1 : i32
    scf.for %while3A_90 = %while3A_72 to %while3A_78 step %while3A_79  : i32 {
      %mul3A_91 = arith.constant 1 : i32
      %mul3A_92 = arith.muli %while3A_90, %mul3A_91 : i32
      %add3A_93 = arith.constant 0 : i32
      %add3A_94 = arith.addi %mul3A_92, %add3A_93 : i32
      %dma_wait3A_95 = arith.constant 0 : i32
      %dma_wait3A_96 = arith.constant 0 : i32
      %dma_wait3A_97 = tpu.memref_slice %arg8[%dma_wait3A_95, %dma_wait3A_96] : memref<1x512xi32, #tpu.memory_space<vmem>> -> memref<1x512xi32, #tpu.memory_space<vmem>>
      %dma_wait3A_98 = tpu.memref_squeeze %dma_wait3A_97 : memref<1x512xi32, #tpu.memory_space<vmem>> -> memref<512xi32, #tpu.memory_space<vmem>>
      %dma_wait3A_99 = arith.constant 0 : i32
      %dma_wait3A_100 = arith.constant 0 : i32
      %dma_wait3A_101 = tpu.memref_slice %arg12[%dma_wait3A_99, %dma_wait3A_100] : memref<1024x8xf32, #tpu.memory_space<vmem_shared>> -> memref<1024x8xf32, #tpu.memory_space<vmem_shared>>
      tpu.wait_indirect_dma semaphore(%arg13 : memref<!tpu.dma_semaphore, #tpu.memory_space<semaphore_mem>>) src(%dma_wait3A_101 : memref<1024x8xf32, #tpu.memory_space<vmem_shared>>) dst(%arg10 : memref<512x8xf32, #tpu.memory_space<vmem>>)
      %dma_start3A_102 = arith.constant 0 : i32
      %dma_start3A_103 = tpu.memref_slice %arg9[%add3A_94, %dma_start3A_102] : memref<1x512xi32, #tpu.memory_space<vmem>> -> memref<1x512xi32, #tpu.memory_space<vmem>>
      %dma_start3A_104 = tpu.memref_squeeze %dma_start3A_103 : memref<1x512xi32, #tpu.memory_space<vmem>> -> memref<512xi32, #tpu.memory_space<vmem>>
      %dma_start3A_105 = arith.constant 0 : i32
      %dma_start3A_106 = arith.constant 0 : i32
      %dma_start3A_107 = tpu.memref_slice %arg11[%dma_start3A_105, %dma_start3A_106] : memref<1024x8xf32, #tpu.memory_space<vmem_shared>> -> memref<1024x8xf32, #tpu.memory_space<vmem_shared>>
      tpu.enqueue_indirect_dma source(%arg10 : memref<512x8xf32, #tpu.memory_space<vmem>>) target(%dma_start3A_107 : memref<1024x8xf32, #tpu.memory_space<vmem_shared>>) offsets(%dma_start3A_104 : memref<512xi32, #tpu.memory_space<vmem>>) semaphore(%arg14 : memref<!tpu.dma_semaphore, #tpu.memory_space<semaphore_mem>>) {add = true}
      %add3A_108 = arith.constant 1 : i32
      %add3A_109 = arith.addi %add3A_94, %add3A_108 : i32
      %ge3A = arith.constant 1 : i32
      %ge3A_110 = arith.cmpi sge, %add3A_109, %ge3A : i32
      %convert_element_type3A_111 = arith.extui %ge3A_110 : i1 to i32
      %cond3A_112 = arith.constant 0 : i32
      %cond3A_113 = arith.cmpi ne, %convert_element_type3A_111, %cond3A_112 : i32
      scf.if %cond3A_113 {
        %dma_wait3A_117 = arith.constant 0 : i32
        %dma_wait3A_118 = arith.constant 0 : i32
        %dma_wait3A_119 = tpu.memref_slice %arg9[%dma_wait3A_117, %dma_wait3A_118] : memref<1x512xi32, #tpu.memory_space<vmem>> -> memref<1x512xi32, #tpu.memory_space<vmem>>
        %dma_wait3A_120 = tpu.memref_squeeze %dma_wait3A_119 : memref<1x512xi32, #tpu.memory_space<vmem>> -> memref<512xi32, #tpu.memory_space<vmem>>
        %dma_wait3A_121 = arith.constant 0 : i32
        %dma_wait3A_122 = arith.constant 0 : i32
        %dma_wait3A_123 = tpu.memref_slice %arg11[%dma_wait3A_121, %dma_wait3A_122] : memref<1024x8xf32, #tpu.memory_space<vmem_shared>> -> memref<1024x8xf32, #tpu.memory_space<vmem_shared>>
        tpu.wait_indirect_dma semaphore(%arg14 : memref<!tpu.dma_semaphore, #tpu.memory_space<semaphore_mem>>) src(%arg10 : memref<512x8xf32, #tpu.memory_space<vmem>>) dst(%dma_wait3A_123 : memref<1024x8xf32, #tpu.memory_space<vmem_shared>>)
      } else {
      }
      %lt3A = arith.cmpi slt, %add3A_109, %select_n3A : i32
      %convert_element_type3A_114 = arith.extui %lt3A : i1 to i32
      %cond3A_115 = arith.constant 0 : i32
      %cond3A_116 = arith.cmpi ne, %convert_element_type3A_114, %cond3A_115 : i32
      scf.if %cond3A_116 {
        %dma_start3A_117 = arith.constant 0 : i32
        %dma_start3A_118 = tpu.memref_slice %arg8[%add3A_109, %dma_start3A_117] : memref<1x512xi32, #tpu.memory_space<vmem>> -> memref<1x512xi32, #tpu.memory_space<vmem>>
        %dma_start3A_119 = tpu.memref_squeeze %dma_start3A_118 : memref<1x512xi32, #tpu.memory_space<vmem>> -> memref<512xi32, #tpu.memory_space<vmem>>
        %dma_start3A_120 = arith.constant 0 : i32
        %dma_start3A_121 = arith.constant 0 : i32
        %dma_start3A_122 = tpu.memref_slice %arg12[%dma_start3A_120, %dma_start3A_121] : memref<1024x8xf32, #tpu.memory_space<vmem_shared>> -> memref<1024x8xf32, #tpu.memory_space<vmem_shared>>
        tpu.enqueue_indirect_dma source(%dma_start3A_122 : memref<1024x8xf32, #tpu.memory_space<vmem_shared>>) target(%arg10 : memref<512x8xf32, #tpu.memory_space<vmem>>) offsets(%dma_start3A_119 : memref<512xi32, #tpu.memory_space<vmem>>) semaphore(%arg13 : memref<!tpu.dma_semaphore, #tpu.memory_space<semaphore_mem>>)
      } else {
      }
    }
    %while3A_80 = arith.constant 1 : i32
    scf.for %while3A_90 = %while3A_78 to %while3A_74 step %while3A_80  : i32 {
      %mul3A_91 = arith.constant 1 : i32
      %mul3A_92 = arith.muli %while3A_90, %mul3A_91 : i32
      %add3A_93 = arith.constant 0 : i32
      %add3A_94 = arith.addi %mul3A_92, %add3A_93 : i32
      %dma_wait3A_95 = arith.constant 0 : i32
      %dma_wait3A_96 = arith.constant 0 : i32
      %dma_wait3A_97 = tpu.memref_slice %arg8[%dma_wait3A_95, %dma_wait3A_96] : memref<1x512xi32, #tpu.memory_space<vmem>> -> memref<1x512xi32, #tpu.memory_space<vmem>>
      %dma_wait3A_98 = tpu.memref_squeeze %dma_wait3A_97 : memref<1x512xi32, #tpu.memory_space<vmem>> -> memref<512xi32, #tpu.memory_space<vmem>>
      %dma_wait3A_99 = arith.constant 0 : i32
      %dma_wait3A_100 = arith.constant 0 : i32
      %dma_wait3A_101 = tpu.memref_slice %arg12[%dma_wait3A_99, %dma_wait3A_100] : memref<1024x8xf32, #tpu.memory_space<vmem_shared>> -> memref<1024x8xf32, #tpu.memory_space<vmem_shared>>
      tpu.wait_indirect_dma semaphore(%arg13 : memref<!tpu.dma_semaphore, #tpu.memory_space<semaphore_mem>>) src(%dma_wait3A_101 : memref<1024x8xf32, #tpu.memory_space<vmem_shared>>) dst(%arg10 : memref<512x8xf32, #tpu.memory_space<vmem>>)
      %dma_start3A_102 = arith.constant 0 : i32
      %dma_start3A_103 = tpu.memref_slice %arg9[%add3A_94, %dma_start3A_102] : memref<1x512xi32, #tpu.memory_space<vmem>> -> memref<1x512xi32, #tpu.memory_space<vmem>>
      %dma_start3A_104 = tpu.memref_squeeze %dma_start3A_103 : memref<1x512xi32, #tpu.memory_space<vmem>> -> memref<512xi32, #tpu.memory_space<vmem>>
      %dma_start3A_105 = arith.constant 0 : i32
      %dma_start3A_106 = arith.constant 0 : i32
      %dma_start3A_107 = tpu.memref_slice %arg11[%dma_start3A_105, %dma_start3A_106] : memref<1024x8xf32, #tpu.memory_space<vmem_shared>> -> memref<1024x8xf32, #tpu.memory_space<vmem_shared>>
      tpu.enqueue_indirect_dma source(%arg10 : memref<512x8xf32, #tpu.memory_space<vmem>>) target(%dma_start3A_107 : memref<1024x8xf32, #tpu.memory_space<vmem_shared>>) offsets(%dma_start3A_104 : memref<512xi32, #tpu.memory_space<vmem>>) semaphore(%arg14 : memref<!tpu.dma_semaphore, #tpu.memory_space<semaphore_mem>>) {add = true}
      %add3A_108 = arith.constant 1 : i32
      %add3A_109 = arith.addi %add3A_94, %add3A_108 : i32
      %ge3A = arith.constant 1 : i32
      %ge3A_110 = arith.cmpi sge, %add3A_109, %ge3A : i32
      %convert_element_type3A_111 = arith.extui %ge3A_110 : i1 to i32
      %cond3A_112 = arith.constant 0 : i32
      %cond3A_113 = arith.cmpi ne, %convert_element_type3A_111, %cond3A_112 : i32
      scf.if %cond3A_113 {
        %dma_wait3A_117 = arith.constant 0 : i32
        %dma_wait3A_118 = arith.constant 0 : i32
        %dma_wait3A_119 = tpu.memref_slice %arg9[%dma_wait3A_117, %dma_wait3A_118] : memref<1x512xi32, #tpu.memory_space<vmem>> -> memref<1x512xi32, #tpu.memory_space<vmem>>
        %dma_wait3A_120 = tpu.memref_squeeze %dma_wait3A_119 : memref<1x512xi32, #tpu.memory_space<vmem>> -> memref<512xi32, #tpu.memory_space<vmem>>
        %dma_wait3A_121 = arith.constant 0 : i32
        %dma_wait3A_122 = arith.constant 0 : i32
        %dma_wait3A_123 = tpu.memref_slice %arg11[%dma_wait3A_121, %dma_wait3A_122] : memref<1024x8xf32, #tpu.memory_space<vmem_shared>> -> memref<1024x8xf32, #tpu.memory_space<vmem_shared>>
        tpu.wait_indirect_dma semaphore(%arg14 : memref<!tpu.dma_semaphore, #tpu.memory_space<semaphore_mem>>) src(%arg10 : memref<512x8xf32, #tpu.memory_space<vmem>>) dst(%dma_wait3A_123 : memref<1024x8xf32, #tpu.memory_space<vmem_shared>>)
      } else {
      }
      %lt3A = arith.cmpi slt, %add3A_109, %select_n3A : i32
      %convert_element_type3A_114 = arith.extui %lt3A : i1 to i32
      %cond3A_115 = arith.constant 0 : i32
      %cond3A_116 = arith.cmpi ne, %convert_element_type3A_114, %cond3A_115 : i32
      scf.if %cond3A_116 {
        %dma_start3A_117 = arith.constant 0 : i32
        %dma_start3A_118 = tpu.memref_slice %arg8[%add3A_109, %dma_start3A_117] : memref<1x512xi32, #tpu.memory_space<vmem>> -> memref<1x512xi32, #tpu.memory_space<vmem>>
        %dma_start3A_119 = tpu.memref_squeeze %dma_start3A_118 : memref<1x512xi32, #tpu.memory_space<vmem>> -> memref<512xi32, #tpu.memory_space<vmem>>
        %dma_start3A_120 = arith.constant 0 : i32
        %dma_start3A_121 = arith.constant 0 : i32
        %dma_start3A_122 = tpu.memref_slice %arg12[%dma_start3A_120, %dma_start3A_121] : memref<1024x8xf32, #tpu.memory_space<vmem_shared>> -> memref<1024x8xf32, #tpu.memory_space<vmem_shared>>
        tpu.enqueue_indirect_dma source(%dma_start3A_122 : memref<1024x8xf32, #tpu.memory_space<vmem_shared>>) target(%arg10 : memref<512x8xf32, #tpu.memory_space<vmem>>) offsets(%dma_start3A_119 : memref<512xi32, #tpu.memory_space<vmem>>) semaphore(%arg13 : memref<!tpu.dma_semaphore, #tpu.memory_space<semaphore_mem>>)
      } else {
      }
    }
    %barrier3A_81 = arith.constant 0 : index
    tpu.barrier barrier_id(%barrier3A_81)
    %eq3A_82 = arith.constant 0 : i32
    %eq3A_83 = arith.cmpi eq, %arg0, %eq3A_82 : i32
    %convert_element_type3A = arith.extui %eq3A_83 : i1 to i32
    %cond3A = arith.constant 0 : i32
    %cond3A_84 = arith.cmpi ne, %convert_element_type3A, %cond3A : i32
    scf.if %cond3A_84 {
      %mul3A_90 = arith.constant 64 : i32
      %mul3A_91 = arith.muli %arg1, %mul3A_90 : i32
      %mul3A_92 = arith.constant 64 : i32
      %mul3A_93 = arith.muli %arg1, %mul3A_92 : i32
      "tpu.region"() ({
        %run_scoped3A = tpu.sem_alloc : memref<!tpu.dma_semaphore, #tpu.memory_space<semaphore_mem>>
        %dma_start3A_94 = arith.constant 0 : i32
        %dma_start3A_95 = tpu.memref_slice %arg6[%mul3A_93, %dma_start3A_94] : memref<1024x8xf32, #tpu.memory_space<hbm>> -> memref<64x8xf32, #tpu.memory_space<hbm>>
        %dma_start3A_96 = arith.constant 0 : i32
        %dma_start3A_97 = tpu.memref_slice %arg11[%mul3A_91, %dma_start3A_96] : memref<1024x8xf32, #tpu.memory_space<vmem_shared>> -> memref<64x8xf32, #tpu.memory_space<vmem_shared>>
        tpu.enqueue_dma source(%dma_start3A_97 : memref<64x8xf32, #tpu.memory_space<vmem_shared>>) target(%dma_start3A_95 : memref<64x8xf32, #tpu.memory_space<hbm>>) target_semaphore(%run_scoped3A : memref<!tpu.dma_semaphore, #tpu.memory_space<semaphore_mem>>)
        %dma_wait3A_98 = arith.constant 0 : i32
        %dma_wait3A_99 = tpu.memref_slice %arg6[%mul3A_93, %dma_wait3A_98] : memref<1024x8xf32, #tpu.memory_space<hbm>> -> memref<64x8xf32, #tpu.memory_space<hbm>>
        %dma_wait3A_100 = arith.constant 0 : i32
        %dma_wait3A_101 = tpu.memref_slice %arg11[%mul3A_91, %dma_wait3A_100] : memref<1024x8xf32, #tpu.memory_space<vmem_shared>> -> memref<64x8xf32, #tpu.memory_space<vmem_shared>>
        tpu.wait_dma2 semaphore(%run_scoped3A : memref<!tpu.dma_semaphore, #tpu.memory_space<semaphore_mem>>) src(%dma_wait3A_101 : memref<64x8xf32, #tpu.memory_space<vmem_shared>>) dst(%dma_wait3A_99 : memref<64x8xf32, #tpu.memory_space<hbm>>)
        tpu.yield
      }) : () -> ()
    } else {
    }
    %eq3A_85 = arith.constant 1 : i32
    %eq3A_86 = arith.cmpi eq, %arg0, %eq3A_85 : i32
    %convert_element_type3A_87 = arith.extui %eq3A_86 : i1 to i32
    %cond3A_88 = arith.constant 0 : i32
    %cond3A_89 = arith.cmpi ne, %convert_element_type3A_87, %cond3A_88 : i32
    scf.if %cond3A_89 {
      %mul3A_90 = arith.constant 64 : i32
      %mul3A_91 = arith.muli %arg1, %mul3A_90 : i32
      %mul3A_92 = arith.constant 64 : i32
      %mul3A_93 = arith.muli %arg1, %mul3A_92 : i32
      "tpu.region"() ({
        %run_scoped3A = tpu.sem_alloc : memref<!tpu.dma_semaphore, #tpu.memory_space<semaphore_mem>>
        %dma_start3A_94 = arith.constant 0 : i32
        %dma_start3A_95 = tpu.memref_slice %arg7[%mul3A_93, %dma_start3A_94] : memref<1024x8xf32, #tpu.memory_space<hbm>> -> memref<64x8xf32, #tpu.memory_space<hbm>>
        %dma_start3A_96 = arith.constant 0 : i32
        %dma_start3A_97 = tpu.memref_slice %arg11[%mul3A_91, %dma_start3A_96] : memref<1024x8xf32, #tpu.memory_space<vmem_shared>> -> memref<64x8xf32, #tpu.memory_space<vmem_shared>>
        tpu.enqueue_dma source(%dma_start3A_97 : memref<64x8xf32, #tpu.memory_space<vmem_shared>>) target(%dma_start3A_95 : memref<64x8xf32, #tpu.memory_space<hbm>>) target_semaphore(%run_scoped3A : memref<!tpu.dma_semaphore, #tpu.memory_space<semaphore_mem>>)
        %dma_wait3A_98 = arith.constant 0 : i32
        %dma_wait3A_99 = tpu.memref_slice %arg7[%mul3A_93, %dma_wait3A_98] : memref<1024x8xf32, #tpu.memory_space<hbm>> -> memref<64x8xf32, #tpu.memory_space<hbm>>
        %dma_wait3A_100 = arith.constant 0 : i32
        %dma_wait3A_101 = tpu.memref_slice %arg11[%mul3A_91, %dma_wait3A_100] : memref<1024x8xf32, #tpu.memory_space<vmem_shared>> -> memref<64x8xf32, #tpu.memory_space<vmem_shared>>
        tpu.wait_dma2 semaphore(%run_scoped3A : memref<!tpu.dma_semaphore, #tpu.memory_space<semaphore_mem>>) src(%dma_wait3A_101 : memref<64x8xf32, #tpu.memory_space<vmem_shared>>) dst(%dma_wait3A_99 : memref<64x8xf32, #tpu.memory_space<hbm>>)
        tpu.yield
      }) : () -> ()
    } else {
    }
    return
  }
}

#map = affine_map<(d0, d1) -> (0, 0)>
module attributes {stable_mosaic.version = 14 : i64} {
  func.func @sck(%arg0: i32, %arg1: i32, %arg2: memref<10000x8xf32, #tpu.memory_space<hbm>>, %arg3: memref<10240x8xf32, #tpu.memory_space<hbm>>, %arg4: memref<640x512xi32, #tpu.memory_space<hbm>>, %arg5: memref<640x512xi32, #tpu.memory_space<hbm>>, %arg6: memref<10240x8xf32, #tpu.memory_space<hbm>>, %arg7: memref<10240x8xf32, #tpu.memory_space<hbm>>, %arg8: memref<20x512xi32, #tpu.memory_space<vmem>>, %arg9: memref<20x512xi32, #tpu.memory_space<vmem>>, %arg10: memref<512x8xf32, #tpu.memory_space<vmem>>, %arg11: memref<512x8xf32, #tpu.memory_space<vmem>>, %arg12: memref<512x8xf32, #tpu.memory_space<vmem>>, %arg13: memref<512x8xf32, #tpu.memory_space<vmem>>, %arg14: memref<10240x8xf32, #tpu.memory_space<vmem_shared>>, %arg15: memref<10000x8xf32, #tpu.memory_space<vmem_shared>>, %arg16: memref<!tpu.dma_semaphore, #tpu.memory_space<semaphore_mem>>, %arg17: memref<!tpu.dma_semaphore, #tpu.memory_space<semaphore_mem>>, %arg18: memref<!tpu.dma_semaphore, #tpu.memory_space<semaphore_mem>>, %arg19: memref<!tpu.dma_semaphore, #tpu.memory_space<semaphore_mem>>, %arg20: memref<!tpu.dma_semaphore, #tpu.memory_space<semaphore_mem>>, %arg21: memref<!tpu.dma_semaphore, #tpu.memory_space<semaphore_mem>>, %arg22: memref<!tpu.dma_semaphore, #tpu.memory_space<semaphore_mem>>, %arg23: memref<!tpu.dma_semaphore, #tpu.memory_space<semaphore_mem>>, %arg24: memref<!tpu.dma_semaphore, #tpu.memory_space<semaphore_mem>>, %arg25: memref<!tpu.dma_semaphore, #tpu.memory_space<semaphore_mem>>, %arg26: memref<!tpu.dma_semaphore, #tpu.memory_space<semaphore_mem>>) attributes {dimension_semantics = [#tpu.dimension_semantics<core_parallel>, #tpu.dimension_semantics<subcore_parallel>], iteration_bounds = array<i64: 2, 16>, scalar_prefetch = 0 : i64, scratch_operands = 19 : i64, tpu.core_type = #tpu.core_type<sc_vector_subcore>, window_params = [{transform_indices = #map}, {transform_indices = #map}, {transform_indices = #map}, {transform_indices = #map}, {transform_indices = #map}, {transform_indices = #map}]} {
    %eq3A = arith.constant 0 : i32
    %eq3A_0 = arith.cmpi eq, %arg0, %eq3A : i32
    %jit3A = arith.constant 20 : i32
    %jit3A_1 = arith.constant 20 : i32
    %select_n3A = arith.select %eq3A_0, %jit3A, %jit3A_1 : i32
    %eq3A_2 = arith.constant 0 : i32
    %eq3A_3 = arith.cmpi eq, %arg0, %eq3A_2 : i32
    %mul3A = arith.constant 20 : i32
    %mul3A_4 = arith.muli %arg1, %mul3A : i32
    %mul3A_5 = arith.constant 20 : i32
    %mul3A_6 = arith.muli %arg1, %mul3A_5 : i32
    %add3A = arith.constant 320 : i32
    %add3A_7 = arith.addi %add3A, %mul3A_6 : i32
    %select_n3A_8 = arith.select %eq3A_3, %mul3A_4, %add3A_7 : i32
    %dma_start3A = arith.constant 0 : i32
    %dma_start3A_9 = tpu.memref_slice %arg4[%select_n3A_8, %dma_start3A] : memref<640x512xi32, #tpu.memory_space<hbm>> -> memref<20x512xi32, #tpu.memory_space<hbm>>
    %dma_start3A_10 = arith.constant 0 : i32
    %dma_start3A_11 = tpu.memref_slice %arg4[%select_n3A_8, %dma_start3A_10] : memref<640x512xi32, #tpu.memory_space<hbm>> -> memref<20x512xi32, #tpu.memory_space<hbm>>
    tpu.enqueue_dma source(%dma_start3A_11 : memref<20x512xi32, #tpu.memory_space<hbm>>) target(%arg8 : memref<20x512xi32, #tpu.memory_space<vmem>>) target_semaphore(%arg24 : memref<!tpu.dma_semaphore, #tpu.memory_space<semaphore_mem>>)
    %dma_start3A_12 = arith.constant 0 : i32
    %dma_start3A_13 = tpu.memref_slice %arg5[%select_n3A_8, %dma_start3A_12] : memref<640x512xi32, #tpu.memory_space<hbm>> -> memref<20x512xi32, #tpu.memory_space<hbm>>
    %dma_start3A_14 = arith.constant 0 : i32
    %dma_start3A_15 = tpu.memref_slice %arg5[%select_n3A_8, %dma_start3A_14] : memref<640x512xi32, #tpu.memory_space<hbm>> -> memref<20x512xi32, #tpu.memory_space<hbm>>
    tpu.enqueue_dma source(%dma_start3A_15 : memref<20x512xi32, #tpu.memory_space<hbm>>) target(%arg9 : memref<20x512xi32, #tpu.memory_space<vmem>>) target_semaphore(%arg24 : memref<!tpu.dma_semaphore, #tpu.memory_space<semaphore_mem>>)
    %mul3A_16 = arith.constant 640 : i32
    %mul3A_17 = arith.muli %arg1, %mul3A_16 : i32
    %mul3A_18 = arith.constant 640 : i32
    %mul3A_19 = arith.muli %arg1, %mul3A_18 : i32
    %dma_start3A_20 = arith.constant 0 : i32
    %dma_start3A_21 = tpu.memref_slice %arg14[%mul3A_19, %dma_start3A_20] : memref<10240x8xf32, #tpu.memory_space<vmem_shared>> -> memref<640x8xf32, #tpu.memory_space<vmem_shared>>
    %dma_start3A_22 = arith.constant 0 : i32
    %dma_start3A_23 = tpu.memref_slice %arg3[%mul3A_17, %dma_start3A_22] : memref<10240x8xf32, #tpu.memory_space<hbm>> -> memref<640x8xf32, #tpu.memory_space<hbm>>
    tpu.enqueue_dma source(%dma_start3A_23 : memref<640x8xf32, #tpu.memory_space<hbm>>) target(%dma_start3A_21 : memref<640x8xf32, #tpu.memory_space<vmem_shared>>) target_semaphore(%arg25 : memref<!tpu.dma_semaphore, #tpu.memory_space<semaphore_mem>>)
    %mul3A_24 = arith.constant 625 : i32
    %mul3A_25 = arith.muli %arg1, %mul3A_24 : i32
    %mul3A_26 = arith.constant 625 : i32
    %mul3A_27 = arith.muli %arg1, %mul3A_26 : i32
    %dma_start3A_28 = arith.constant 0 : i32
    %dma_start3A_29 = tpu.memref_slice %arg15[%mul3A_27, %dma_start3A_28] : memref<10000x8xf32, #tpu.memory_space<vmem_shared>> -> memref<625x8xf32, #tpu.memory_space<vmem_shared>>
    %dma_start3A_30 = arith.constant 0 : i32
    %dma_start3A_31 = tpu.memref_slice %arg2[%mul3A_25, %dma_start3A_30] : memref<10000x8xf32, #tpu.memory_space<hbm>> -> memref<625x8xf32, #tpu.memory_space<hbm>>
    tpu.enqueue_dma source(%dma_start3A_31 : memref<625x8xf32, #tpu.memory_space<hbm>>) target(%dma_start3A_29 : memref<625x8xf32, #tpu.memory_space<vmem_shared>>) target_semaphore(%arg26 : memref<!tpu.dma_semaphore, #tpu.memory_space<semaphore_mem>>)
    %dma_wait3A = arith.constant 0 : i32
    %dma_wait3A_32 = tpu.memref_slice %arg4[%select_n3A_8, %dma_wait3A] : memref<640x512xi32, #tpu.memory_space<hbm>> -> memref<20x512xi32, #tpu.memory_space<hbm>>
    %dma_wait3A_33 = arith.constant 0 : i32
    %dma_wait3A_34 = tpu.memref_slice %arg4[%select_n3A_8, %dma_wait3A_33] : memref<640x512xi32, #tpu.memory_space<hbm>> -> memref<20x512xi32, #tpu.memory_space<hbm>>
    tpu.wait_dma2 semaphore(%arg24 : memref<!tpu.dma_semaphore, #tpu.memory_space<semaphore_mem>>) src(%dma_wait3A_34 : memref<20x512xi32, #tpu.memory_space<hbm>>) dst(%arg8 : memref<20x512xi32, #tpu.memory_space<vmem>>)
    %dma_wait3A_35 = arith.constant 0 : i32
    %dma_wait3A_36 = tpu.memref_slice %arg5[%select_n3A_8, %dma_wait3A_35] : memref<640x512xi32, #tpu.memory_space<hbm>> -> memref<20x512xi32, #tpu.memory_space<hbm>>
    %dma_wait3A_37 = arith.constant 0 : i32
    %dma_wait3A_38 = tpu.memref_slice %arg5[%select_n3A_8, %dma_wait3A_37] : memref<640x512xi32, #tpu.memory_space<hbm>> -> memref<20x512xi32, #tpu.memory_space<hbm>>
    tpu.wait_dma2 semaphore(%arg24 : memref<!tpu.dma_semaphore, #tpu.memory_space<semaphore_mem>>) src(%dma_wait3A_38 : memref<20x512xi32, #tpu.memory_space<hbm>>) dst(%arg9 : memref<20x512xi32, #tpu.memory_space<vmem>>)
    %dma_wait3A_39 = arith.constant 0 : i32
    %dma_wait3A_40 = tpu.memref_slice %arg14[%mul3A_19, %dma_wait3A_39] : memref<10240x8xf32, #tpu.memory_space<vmem_shared>> -> memref<640x8xf32, #tpu.memory_space<vmem_shared>>
    %dma_wait3A_41 = arith.constant 0 : i32
    %dma_wait3A_42 = tpu.memref_slice %arg3[%mul3A_17, %dma_wait3A_41] : memref<10240x8xf32, #tpu.memory_space<hbm>> -> memref<640x8xf32, #tpu.memory_space<hbm>>
    tpu.wait_dma2 semaphore(%arg25 : memref<!tpu.dma_semaphore, #tpu.memory_space<semaphore_mem>>) src(%dma_wait3A_42 : memref<640x8xf32, #tpu.memory_space<hbm>>) dst(%dma_wait3A_40 : memref<640x8xf32, #tpu.memory_space<vmem_shared>>)
    %dma_wait3A_43 = arith.constant 0 : i32
    %dma_wait3A_44 = tpu.memref_slice %arg15[%mul3A_27, %dma_wait3A_43] : memref<10000x8xf32, #tpu.memory_space<vmem_shared>> -> memref<625x8xf32, #tpu.memory_space<vmem_shared>>
    %dma_wait3A_45 = arith.constant 0 : i32
    %dma_wait3A_46 = tpu.memref_slice %arg2[%mul3A_25, %dma_wait3A_45] : memref<10000x8xf32, #tpu.memory_space<hbm>> -> memref<625x8xf32, #tpu.memory_space<hbm>>
    tpu.wait_dma2 semaphore(%arg26 : memref<!tpu.dma_semaphore, #tpu.memory_space<semaphore_mem>>) src(%dma_wait3A_46 : memref<625x8xf32, #tpu.memory_space<hbm>>) dst(%dma_wait3A_44 : memref<625x8xf32, #tpu.memory_space<vmem_shared>>)
    %barrier3A = arith.constant 0 : index
    tpu.barrier barrier_id(%barrier3A)
    %dma_start3A_47 = arith.constant 0 : i32
    %dma_start3A_48 = arith.constant 0 : i32
    %dma_start3A_49 = tpu.memref_slice %arg8[%dma_start3A_47, %dma_start3A_48] : memref<20x512xi32, #tpu.memory_space<vmem>> -> memref<1x512xi32, #tpu.memory_space<vmem>>
    %dma_start3A_50 = tpu.memref_squeeze %dma_start3A_49 : memref<1x512xi32, #tpu.memory_space<vmem>> -> memref<512xi32, #tpu.memory_space<vmem>>
    %dma_start3A_51 = arith.constant 0 : i32
    %dma_start3A_52 = arith.constant 0 : i32
    %dma_start3A_53 = tpu.memref_slice %arg15[%dma_start3A_51, %dma_start3A_52] : memref<10000x8xf32, #tpu.memory_space<vmem_shared>> -> memref<10000x8xf32, #tpu.memory_space<vmem_shared>>
    tpu.enqueue_indirect_dma source(%dma_start3A_53 : memref<10000x8xf32, #tpu.memory_space<vmem_shared>>) target(%arg10 : memref<512x8xf32, #tpu.memory_space<vmem>>) offsets(%dma_start3A_50 : memref<512xi32, #tpu.memory_space<vmem>>) semaphore(%arg16 : memref<!tpu.dma_semaphore, #tpu.memory_space<semaphore_mem>>)
    %dma_start3A_54 = arith.constant 1 : i32
    %dma_start3A_55 = arith.constant 0 : i32
    %dma_start3A_56 = tpu.memref_slice %arg8[%dma_start3A_54, %dma_start3A_55] : memref<20x512xi32, #tpu.memory_space<vmem>> -> memref<1x512xi32, #tpu.memory_space<vmem>>
    %dma_start3A_57 = tpu.memref_squeeze %dma_start3A_56 : memref<1x512xi32, #tpu.memory_space<vmem>> -> memref<512xi32, #tpu.memory_space<vmem>>
    %dma_start3A_58 = arith.constant 0 : i32
    %dma_start3A_59 = arith.constant 0 : i32
    %dma_start3A_60 = tpu.memref_slice %arg15[%dma_start3A_58, %dma_start3A_59] : memref<10000x8xf32, #tpu.memory_space<vmem_shared>> -> memref<10000x8xf32, #tpu.memory_space<vmem_shared>>
    tpu.enqueue_indirect_dma source(%dma_start3A_60 : memref<10000x8xf32, #tpu.memory_space<vmem_shared>>) target(%arg11 : memref<512x8xf32, #tpu.memory_space<vmem>>) offsets(%dma_start3A_57 : memref<512xi32, #tpu.memory_space<vmem>>) semaphore(%arg17 : memref<!tpu.dma_semaphore, #tpu.memory_space<semaphore_mem>>)
    %jit3A_61 = arith.constant 4 : i32
    %div3A = arith.divsi %select_n3A, %jit3A_61 : i32
    %sign3A = arith.constant 0 : i32
    %sign3A_62 = arith.cmpi sgt, %select_n3A, %sign3A : i32
    %sign3A_63 = arith.extui %sign3A_62 : i1 to i32
    %sign3A_64 = arith.constant 0 : i32
    %sign3A_65 = arith.cmpi slt, %select_n3A, %sign3A_64 : i32
    %sign3A_66 = arith.extui %sign3A_65 : i1 to i32
    %sign3A_67 = arith.subi %sign3A_63, %sign3A_66 : i32
    %sign3A_68 = arith.constant 0 : i32
    %sign3A_69 = arith.cmpi sgt, %jit3A_61, %sign3A_68 : i32
    %sign3A_70 = arith.extui %sign3A_69 : i1 to i32
    %sign3A_71 = arith.constant 0 : i32
    %sign3A_72 = arith.cmpi slt, %jit3A_61, %sign3A_71 : i32
    %sign3A_73 = arith.extui %sign3A_72 : i1 to i32
    %sign3A_74 = arith.subi %sign3A_70, %sign3A_73 : i32
    %ne3A = arith.cmpi ne, %sign3A_67, %sign3A_74 : i32
    %rem3A = arith.remsi %select_n3A, %jit3A_61 : i32
    %ne3A_75 = arith.constant 0 : i32
    %ne3A_76 = arith.cmpi ne, %rem3A, %ne3A_75 : i32
    %and3A = arith.andi %ne3A, %ne3A_76 : i1
    %sub3A = arith.constant 1 : i32
    %sub3A_77 = arith.subi %div3A, %sub3A : i32
    %select_n3A_78 = arith.select %and3A, %sub3A_77, %div3A : i32
    %while3A = arith.constant 0 : i32
    %while3A_79 = arith.constant 0 : i32
    %while3A_80 = arith.subi %select_n3A_78, %while3A_79 : i32
    %while3A_81 = arith.addi %while3A_79, %while3A_80 : i32
    %while3A_82 = arith.constant 1 : i32
    %while3A_83 = arith.divsi %while3A_80, %while3A_82 : i32
    %while3A_84 = arith.muli %while3A_83, %while3A_82 : i32
    %while3A_85 = arith.addi %while3A_79, %while3A_84 : i32
    %while3A_86 = arith.constant 1 : i32
    scf.for %while3A_111 = %while3A_79 to %while3A_85 step %while3A_86  : i32 {
      %mul3A_112 = arith.constant 4 : i32
      %mul3A_113 = arith.muli %while3A_111, %mul3A_112 : i32
      %add3A_114 = arith.constant 0 : i32
      %add3A_115 = arith.addi %mul3A_113, %add3A_114 : i32
      %dma_wait3A_116 = arith.constant 0 : i32
      %dma_wait3A_117 = arith.constant 0 : i32
      %dma_wait3A_118 = tpu.memref_slice %arg8[%dma_wait3A_116, %dma_wait3A_117] : memref<20x512xi32, #tpu.memory_space<vmem>> -> memref<1x512xi32, #tpu.memory_space<vmem>>
      %dma_wait3A_119 = tpu.memref_squeeze %dma_wait3A_118 : memref<1x512xi32, #tpu.memory_space<vmem>> -> memref<512xi32, #tpu.memory_space<vmem>>
      %dma_wait3A_120 = arith.constant 0 : i32
      %dma_wait3A_121 = arith.constant 0 : i32
      %dma_wait3A_122 = tpu.memref_slice %arg15[%dma_wait3A_120, %dma_wait3A_121] : memref<10000x8xf32, #tpu.memory_space<vmem_shared>> -> memref<10000x8xf32, #tpu.memory_space<vmem_shared>>
      tpu.wait_indirect_dma semaphore(%arg16 : memref<!tpu.dma_semaphore, #tpu.memory_space<semaphore_mem>>) src(%dma_wait3A_122 : memref<10000x8xf32, #tpu.memory_space<vmem_shared>>) dst(%arg10 : memref<512x8xf32, #tpu.memory_space<vmem>>)
      %dma_start3A_123 = arith.constant 0 : i32
      %dma_start3A_124 = tpu.memref_slice %arg9[%add3A_115, %dma_start3A_123] : memref<20x512xi32, #tpu.memory_space<vmem>> -> memref<1x512xi32, #tpu.memory_space<vmem>>
      %dma_start3A_125 = tpu.memref_squeeze %dma_start3A_124 : memref<1x512xi32, #tpu.memory_space<vmem>> -> memref<512xi32, #tpu.memory_space<vmem>>
      %dma_start3A_126 = arith.constant 0 : i32
      %dma_start3A_127 = arith.constant 0 : i32
      %dma_start3A_128 = tpu.memref_slice %arg14[%dma_start3A_126, %dma_start3A_127] : memref<10240x8xf32, #tpu.memory_space<vmem_shared>> -> memref<10240x8xf32, #tpu.memory_space<vmem_shared>>
      tpu.enqueue_indirect_dma source(%arg10 : memref<512x8xf32, #tpu.memory_space<vmem>>) target(%dma_start3A_128 : memref<10240x8xf32, #tpu.memory_space<vmem_shared>>) offsets(%dma_start3A_125 : memref<512xi32, #tpu.memory_space<vmem>>) semaphore(%arg20 : memref<!tpu.dma_semaphore, #tpu.memory_space<semaphore_mem>>) {add = true}
      %add3A_129 = arith.constant 2 : i32
      %add3A_130 = arith.addi %add3A_115, %add3A_129 : i32
      %ge3A = arith.constant 4 : i32
      %ge3A_131 = arith.cmpi sge, %add3A_130, %ge3A : i32
      %convert_element_type3A_132 = arith.extui %ge3A_131 : i1 to i32
      %cond3A_133 = arith.constant 0 : i32
      %cond3A_134 = arith.cmpi ne, %convert_element_type3A_132, %cond3A_133 : i32
      scf.if %cond3A_134 {
        %dma_wait3A_222 = arith.constant 0 : i32
        %dma_wait3A_223 = arith.constant 0 : i32
        %dma_wait3A_224 = tpu.memref_slice %arg9[%dma_wait3A_222, %dma_wait3A_223] : memref<20x512xi32, #tpu.memory_space<vmem>> -> memref<1x512xi32, #tpu.memory_space<vmem>>
        %dma_wait3A_225 = tpu.memref_squeeze %dma_wait3A_224 : memref<1x512xi32, #tpu.memory_space<vmem>> -> memref<512xi32, #tpu.memory_space<vmem>>
        %dma_wait3A_226 = arith.constant 0 : i32
        %dma_wait3A_227 = arith.constant 0 : i32
        %dma_wait3A_228 = tpu.memref_slice %arg14[%dma_wait3A_226, %dma_wait3A_227] : memref<10240x8xf32, #tpu.memory_space<vmem_shared>> -> memref<10240x8xf32, #tpu.memory_space<vmem_shared>>
        tpu.wait_indirect_dma semaphore(%arg22 : memref<!tpu.dma_semaphore, #tpu.memory_space<semaphore_mem>>) src(%arg12 : memref<512x8xf32, #tpu.memory_space<vmem>>) dst(%dma_wait3A_228 : memref<10240x8xf32, #tpu.memory_space<vmem_shared>>)
      } else {
      }
      %lt3A = arith.cmpi slt, %add3A_130, %select_n3A : i32
      %convert_element_type3A_135 = arith.extui %lt3A : i1 to i32
      %cond3A_136 = arith.constant 0 : i32
      %cond3A_137 = arith.cmpi ne, %convert_element_type3A_135, %cond3A_136 : i32
      scf.if %cond3A_137 {
        %dma_start3A_222 = arith.constant 0 : i32
        %dma_start3A_223 = tpu.memref_slice %arg8[%add3A_130, %dma_start3A_222] : memref<20x512xi32, #tpu.memory_space<vmem>> -> memref<1x512xi32, #tpu.memory_space<vmem>>
        %dma_start3A_224 = tpu.memref_squeeze %dma_start3A_223 : memref<1x512xi32, #tpu.memory_space<vmem>> -> memref<512xi32, #tpu.memory_space<vmem>>
        %dma_start3A_225 = arith.constant 0 : i32
        %dma_start3A_226 = arith.constant 0 : i32
        %dma_start3A_227 = tpu.memref_slice %arg15[%dma_start3A_225, %dma_start3A_226] : memref<10000x8xf32, #tpu.memory_space<vmem_shared>> -> memref<10000x8xf32, #tpu.memory_space<vmem_shared>>
        tpu.enqueue_indirect_dma source(%dma_start3A_227 : memref<10000x8xf32, #tpu.memory_space<vmem_shared>>) target(%arg12 : memref<512x8xf32, #tpu.memory_space<vmem>>) offsets(%dma_start3A_224 : memref<512xi32, #tpu.memory_space<vmem>>) semaphore(%arg18 : memref<!tpu.dma_semaphore, #tpu.memory_space<semaphore_mem>>)
      } else {
      }
      %mul3A_138 = arith.constant 4 : i32
      %mul3A_139 = arith.muli %while3A_111, %mul3A_138 : i32
      %add3A_140 = arith.constant 1 : i32
      %add3A_141 = arith.addi %mul3A_139, %add3A_140 : i32
      %dma_wait3A_142 = arith.constant 0 : i32
      %dma_wait3A_143 = arith.constant 0 : i32
      %dma_wait3A_144 = tpu.memref_slice %arg8[%dma_wait3A_142, %dma_wait3A_143] : memref<20x512xi32, #tpu.memory_space<vmem>> -> memref<1x512xi32, #tpu.memory_space<vmem>>
      %dma_wait3A_145 = tpu.memref_squeeze %dma_wait3A_144 : memref<1x512xi32, #tpu.memory_space<vmem>> -> memref<512xi32, #tpu.memory_space<vmem>>
      %dma_wait3A_146 = arith.constant 0 : i32
      %dma_wait3A_147 = arith.constant 0 : i32
      %dma_wait3A_148 = tpu.memref_slice %arg15[%dma_wait3A_146, %dma_wait3A_147] : memref<10000x8xf32, #tpu.memory_space<vmem_shared>> -> memref<10000x8xf32, #tpu.memory_space<vmem_shared>>
      tpu.wait_indirect_dma semaphore(%arg17 : memref<!tpu.dma_semaphore, #tpu.memory_space<semaphore_mem>>) src(%dma_wait3A_148 : memref<10000x8xf32, #tpu.memory_space<vmem_shared>>) dst(%arg11 : memref<512x8xf32, #tpu.memory_space<vmem>>)
      %dma_start3A_149 = arith.constant 0 : i32
      %dma_start3A_150 = tpu.memref_slice %arg9[%add3A_141, %dma_start3A_149] : memref<20x512xi32, #tpu.memory_space<vmem>> -> memref<1x512xi32, #tpu.memory_space<vmem>>
      %dma_start3A_151 = tpu.memref_squeeze %dma_start3A_150 : memref<1x512xi32, #tpu.memory_space<vmem>> -> memref<512xi32, #tpu.memory_space<vmem>>
      %dma_start3A_152 = arith.constant 0 : i32
      %dma_start3A_153 = arith.constant 0 : i32
      %dma_start3A_154 = tpu.memref_slice %arg14[%dma_start3A_152, %dma_start3A_153] : memref<10240x8xf32, #tpu.memory_space<vmem_shared>> -> memref<10240x8xf32, #tpu.memory_space<vmem_shared>>
      tpu.enqueue_indirect_dma source(%arg11 : memref<512x8xf32, #tpu.memory_space<vmem>>) target(%dma_start3A_154 : memref<10240x8xf32, #tpu.memory_space<vmem_shared>>) offsets(%dma_start3A_151 : memref<512xi32, #tpu.memory_space<vmem>>) semaphore(%arg21 : memref<!tpu.dma_semaphore, #tpu.memory_space<semaphore_mem>>) {add = true}
      %add3A_155 = arith.constant 2 : i32
      %add3A_156 = arith.addi %add3A_141, %add3A_155 : i32
      %ge3A_157 = arith.constant 4 : i32
      %ge3A_158 = arith.cmpi sge, %add3A_156, %ge3A_157 : i32
      %convert_element_type3A_159 = arith.extui %ge3A_158 : i1 to i32
      %cond3A_160 = arith.constant 0 : i32
      %cond3A_161 = arith.cmpi ne, %convert_element_type3A_159, %cond3A_160 : i32
      scf.if %cond3A_161 {
        %dma_wait3A_222 = arith.constant 0 : i32
        %dma_wait3A_223 = arith.constant 0 : i32
        %dma_wait3A_224 = tpu.memref_slice %arg9[%dma_wait3A_222, %dma_wait3A_223] : memref<20x512xi32, #tpu.memory_space<vmem>> -> memref<1x512xi32, #tpu.memory_space<vmem>>
        %dma_wait3A_225 = tpu.memref_squeeze %dma_wait3A_224 : memref<1x512xi32, #tpu.memory_space<vmem>> -> memref<512xi32, #tpu.memory_space<vmem>>
        %dma_wait3A_226 = arith.constant 0 : i32
        %dma_wait3A_227 = arith.constant 0 : i32
        %dma_wait3A_228 = tpu.memref_slice %arg14[%dma_wait3A_226, %dma_wait3A_227] : memref<10240x8xf32, #tpu.memory_space<vmem_shared>> -> memref<10240x8xf32, #tpu.memory_space<vmem_shared>>
        tpu.wait_indirect_dma semaphore(%arg23 : memref<!tpu.dma_semaphore, #tpu.memory_space<semaphore_mem>>) src(%arg13 : memref<512x8xf32, #tpu.memory_space<vmem>>) dst(%dma_wait3A_228 : memref<10240x8xf32, #tpu.memory_space<vmem_shared>>)
      } else {
      }
      %lt3A_162 = arith.cmpi slt, %add3A_156, %select_n3A : i32
      %convert_element_type3A_163 = arith.extui %lt3A_162 : i1 to i32
      %cond3A_164 = arith.constant 0 : i32
      %cond3A_165 = arith.cmpi ne, %convert_element_type3A_163, %cond3A_164 : i32
      scf.if %cond3A_165 {
        %dma_start3A_222 = arith.constant 0 : i32
        %dma_start3A_223 = tpu.memref_slice %arg8[%add3A_156, %dma_start3A_222] : memref<20x512xi32, #tpu.memory_space<vmem>> -> memref<1x512xi32, #tpu.memory_space<vmem>>
        %dma_start3A_224 = tpu.memref_squeeze %dma_start3A_223 : memref<1x512xi32, #tpu.memory_space<vmem>> -> memref<512xi32, #tpu.memory_space<vmem>>
        %dma_start3A_225 = arith.constant 0 : i32
        %dma_start3A_226 = arith.constant 0 : i32
        %dma_start3A_227 = tpu.memref_slice %arg15[%dma_start3A_225, %dma_start3A_226] : memref<10000x8xf32, #tpu.memory_space<vmem_shared>> -> memref<10000x8xf32, #tpu.memory_space<vmem_shared>>
        tpu.enqueue_indirect_dma source(%dma_start3A_227 : memref<10000x8xf32, #tpu.memory_space<vmem_shared>>) target(%arg13 : memref<512x8xf32, #tpu.memory_space<vmem>>) offsets(%dma_start3A_224 : memref<512xi32, #tpu.memory_space<vmem>>) semaphore(%arg19 : memref<!tpu.dma_semaphore, #tpu.memory_space<semaphore_mem>>)
      } else {
      }
      %mul3A_166 = arith.constant 4 : i32
      %mul3A_167 = arith.muli %while3A_111, %mul3A_166 : i32
      %add3A_168 = arith.constant 2 : i32
      %add3A_169 = arith.addi %mul3A_167, %add3A_168 : i32
      %dma_wait3A_170 = arith.constant 0 : i32
      %dma_wait3A_171 = arith.constant 0 : i32
      %dma_wait3A_172 = tpu.memref_slice %arg8[%dma_wait3A_170, %dma_wait3A_171] : memref<20x512xi32, #tpu.memory_space<vmem>> -> memref<1x512xi32, #tpu.memory_space<vmem>>
      %dma_wait3A_173 = tpu.memref_squeeze %dma_wait3A_172 : memref<1x512xi32, #tpu.memory_space<vmem>> -> memref<512xi32, #tpu.memory_space<vmem>>
      %dma_wait3A_174 = arith.constant 0 : i32
      %dma_wait3A_175 = arith.constant 0 : i32
      %dma_wait3A_176 = tpu.memref_slice %arg15[%dma_wait3A_174, %dma_wait3A_175] : memref<10000x8xf32, #tpu.memory_space<vmem_shared>> -> memref<10000x8xf32, #tpu.memory_space<vmem_shared>>
      tpu.wait_indirect_dma semaphore(%arg18 : memref<!tpu.dma_semaphore, #tpu.memory_space<semaphore_mem>>) src(%dma_wait3A_176 : memref<10000x8xf32, #tpu.memory_space<vmem_shared>>) dst(%arg12 : memref<512x8xf32, #tpu.memory_space<vmem>>)
      %dma_start3A_177 = arith.constant 0 : i32
      %dma_start3A_178 = tpu.memref_slice %arg9[%add3A_169, %dma_start3A_177] : memref<20x512xi32, #tpu.memory_space<vmem>> -> memref<1x512xi32, #tpu.memory_space<vmem>>
      %dma_start3A_179 = tpu.memref_squeeze %dma_start3A_178 : memref<1x512xi32, #tpu.memory_space<vmem>> -> memref<512xi32, #tpu.memory_space<vmem>>
      %dma_start3A_180 = arith.constant 0 : i32
      %dma_start3A_181 = arith.constant 0 : i32
      %dma_start3A_182 = tpu.memref_slice %arg14[%dma_start3A_180, %dma_start3A_181] : memref<10240x8xf32, #tpu.memory_space<vmem_shared>> -> memref<10240x8xf32, #tpu.memory_space<vmem_shared>>
      tpu.enqueue_indirect_dma source(%arg12 : memref<512x8xf32, #tpu.memory_space<vmem>>) target(%dma_start3A_182 : memref<10240x8xf32, #tpu.memory_space<vmem_shared>>) offsets(%dma_start3A_179 : memref<512xi32, #tpu.memory_space<vmem>>) semaphore(%arg22 : memref<!tpu.dma_semaphore, #tpu.memory_space<semaphore_mem>>) {add = true}
      %add3A_183 = arith.constant 2 : i32
      %add3A_184 = arith.addi %add3A_169, %add3A_183 : i32
      %ge3A_185 = arith.constant 4 : i32
      %ge3A_186 = arith.cmpi sge, %add3A_184, %ge3A_185 : i32
      %convert_element_type3A_187 = arith.extui %ge3A_186 : i1 to i32
      %cond3A_188 = arith.constant 0 : i32
      %cond3A_189 = arith.cmpi ne, %convert_element_type3A_187, %cond3A_188 : i32
      scf.if %cond3A_189 {
        %dma_wait3A_222 = arith.constant 0 : i32
        %dma_wait3A_223 = arith.constant 0 : i32
        %dma_wait3A_224 = tpu.memref_slice %arg9[%dma_wait3A_222, %dma_wait3A_223] : memref<20x512xi32, #tpu.memory_space<vmem>> -> memref<1x512xi32, #tpu.memory_space<vmem>>
        %dma_wait3A_225 = tpu.memref_squeeze %dma_wait3A_224 : memref<1x512xi32, #tpu.memory_space<vmem>> -> memref<512xi32, #tpu.memory_space<vmem>>
        %dma_wait3A_226 = arith.constant 0 : i32
        %dma_wait3A_227 = arith.constant 0 : i32
        %dma_wait3A_228 = tpu.memref_slice %arg14[%dma_wait3A_226, %dma_wait3A_227] : memref<10240x8xf32, #tpu.memory_space<vmem_shared>> -> memref<10240x8xf32, #tpu.memory_space<vmem_shared>>
        tpu.wait_indirect_dma semaphore(%arg20 : memref<!tpu.dma_semaphore, #tpu.memory_space<semaphore_mem>>) src(%arg10 : memref<512x8xf32, #tpu.memory_space<vmem>>) dst(%dma_wait3A_228 : memref<10240x8xf32, #tpu.memory_space<vmem_shared>>)
      } else {
      }
      %lt3A_190 = arith.cmpi slt, %add3A_184, %select_n3A : i32
      %convert_element_type3A_191 = arith.extui %lt3A_190 : i1 to i32
      %cond3A_192 = arith.constant 0 : i32
      %cond3A_193 = arith.cmpi ne, %convert_element_type3A_191, %cond3A_192 : i32
      scf.if %cond3A_193 {
        %dma_start3A_222 = arith.constant 0 : i32
        %dma_start3A_223 = tpu.memref_slice %arg8[%add3A_184, %dma_start3A_222] : memref<20x512xi32, #tpu.memory_space<vmem>> -> memref<1x512xi32, #tpu.memory_space<vmem>>
        %dma_start3A_224 = tpu.memref_squeeze %dma_start3A_223 : memref<1x512xi32, #tpu.memory_space<vmem>> -> memref<512xi32, #tpu.memory_space<vmem>>
        %dma_start3A_225 = arith.constant 0 : i32
        %dma_start3A_226 = arith.constant 0 : i32
        %dma_start3A_227 = tpu.memref_slice %arg15[%dma_start3A_225, %dma_start3A_226] : memref<10000x8xf32, #tpu.memory_space<vmem_shared>> -> memref<10000x8xf32, #tpu.memory_space<vmem_shared>>
        tpu.enqueue_indirect_dma source(%dma_start3A_227 : memref<10000x8xf32, #tpu.memory_space<vmem_shared>>) target(%arg10 : memref<512x8xf32, #tpu.memory_space<vmem>>) offsets(%dma_start3A_224 : memref<512xi32, #tpu.memory_space<vmem>>) semaphore(%arg16 : memref<!tpu.dma_semaphore, #tpu.memory_space<semaphore_mem>>)
      } else {
      }
      %mul3A_194 = arith.constant 4 : i32
      %mul3A_195 = arith.muli %while3A_111, %mul3A_194 : i32
      %add3A_196 = arith.constant 3 : i32
      %add3A_197 = arith.addi %mul3A_195, %add3A_196 : i32
      %dma_wait3A_198 = arith.constant 0 : i32
      %dma_wait3A_199 = arith.constant 0 : i32
      %dma_wait3A_200 = tpu.memref_slice %arg8[%dma_wait3A_198, %dma_wait3A_199] : memref<20x512xi32, #tpu.memory_space<vmem>> -> memref<1x512xi32, #tpu.memory_space<vmem>>
      %dma_wait3A_201 = tpu.memref_squeeze %dma_wait3A_200 : memref<1x512xi32, #tpu.memory_space<vmem>> -> memref<512xi32, #tpu.memory_space<vmem>>
      %dma_wait3A_202 = arith.constant 0 : i32
      %dma_wait3A_203 = arith.constant 0 : i32
      %dma_wait3A_204 = tpu.memref_slice %arg15[%dma_wait3A_202, %dma_wait3A_203] : memref<10000x8xf32, #tpu.memory_space<vmem_shared>> -> memref<10000x8xf32, #tpu.memory_space<vmem_shared>>
      tpu.wait_indirect_dma semaphore(%arg19 : memref<!tpu.dma_semaphore, #tpu.memory_space<semaphore_mem>>) src(%dma_wait3A_204 : memref<10000x8xf32, #tpu.memory_space<vmem_shared>>) dst(%arg13 : memref<512x8xf32, #tpu.memory_space<vmem>>)
      %dma_start3A_205 = arith.constant 0 : i32
      %dma_start3A_206 = tpu.memref_slice %arg9[%add3A_197, %dma_start3A_205] : memref<20x512xi32, #tpu.memory_space<vmem>> -> memref<1x512xi32, #tpu.memory_space<vmem>>
      %dma_start3A_207 = tpu.memref_squeeze %dma_start3A_206 : memref<1x512xi32, #tpu.memory_space<vmem>> -> memref<512xi32, #tpu.memory_space<vmem>>
      %dma_start3A_208 = arith.constant 0 : i32
      %dma_start3A_209 = arith.constant 0 : i32
      %dma_start3A_210 = tpu.memref_slice %arg14[%dma_start3A_208, %dma_start3A_209] : memref<10240x8xf32, #tpu.memory_space<vmem_shared>> -> memref<10240x8xf32, #tpu.memory_space<vmem_shared>>
      tpu.enqueue_indirect_dma source(%arg13 : memref<512x8xf32, #tpu.memory_space<vmem>>) target(%dma_start3A_210 : memref<10240x8xf32, #tpu.memory_space<vmem_shared>>) offsets(%dma_start3A_207 : memref<512xi32, #tpu.memory_space<vmem>>) semaphore(%arg23 : memref<!tpu.dma_semaphore, #tpu.memory_space<semaphore_mem>>) {add = true}
      %add3A_211 = arith.constant 2 : i32
      %add3A_212 = arith.addi %add3A_197, %add3A_211 : i32
      %ge3A_213 = arith.constant 4 : i32
      %ge3A_214 = arith.cmpi sge, %add3A_212, %ge3A_213 : i32
      %convert_element_type3A_215 = arith.extui %ge3A_214 : i1 to i32
      %cond3A_216 = arith.constant 0 : i32
      %cond3A_217 = arith.cmpi ne, %convert_element_type3A_215, %cond3A_216 : i32
      scf.if %cond3A_217 {
        %dma_wait3A_222 = arith.constant 0 : i32
        %dma_wait3A_223 = arith.constant 0 : i32
        %dma_wait3A_224 = tpu.memref_slice %arg9[%dma_wait3A_222, %dma_wait3A_223] : memref<20x512xi32, #tpu.memory_space<vmem>> -> memref<1x512xi32, #tpu.memory_space<vmem>>
        %dma_wait3A_225 = tpu.memref_squeeze %dma_wait3A_224 : memref<1x512xi32, #tpu.memory_space<vmem>> -> memref<512xi32, #tpu.memory_space<vmem>>
        %dma_wait3A_226 = arith.constant 0 : i32
        %dma_wait3A_227 = arith.constant 0 : i32
        %dma_wait3A_228 = tpu.memref_slice %arg14[%dma_wait3A_226, %dma_wait3A_227] : memref<10240x8xf32, #tpu.memory_space<vmem_shared>> -> memref<10240x8xf32, #tpu.memory_space<vmem_shared>>
        tpu.wait_indirect_dma semaphore(%arg21 : memref<!tpu.dma_semaphore, #tpu.memory_space<semaphore_mem>>) src(%arg11 : memref<512x8xf32, #tpu.memory_space<vmem>>) dst(%dma_wait3A_228 : memref<10240x8xf32, #tpu.memory_space<vmem_shared>>)
      } else {
      }
      %lt3A_218 = arith.cmpi slt, %add3A_212, %select_n3A : i32
      %convert_element_type3A_219 = arith.extui %lt3A_218 : i1 to i32
      %cond3A_220 = arith.constant 0 : i32
      %cond3A_221 = arith.cmpi ne, %convert_element_type3A_219, %cond3A_220 : i32
      scf.if %cond3A_221 {
        %dma_start3A_222 = arith.constant 0 : i32
        %dma_start3A_223 = tpu.memref_slice %arg8[%add3A_212, %dma_start3A_222] : memref<20x512xi32, #tpu.memory_space<vmem>> -> memref<1x512xi32, #tpu.memory_space<vmem>>
        %dma_start3A_224 = tpu.memref_squeeze %dma_start3A_223 : memref<1x512xi32, #tpu.memory_space<vmem>> -> memref<512xi32, #tpu.memory_space<vmem>>
        %dma_start3A_225 = arith.constant 0 : i32
        %dma_start3A_226 = arith.constant 0 : i32
        %dma_start3A_227 = tpu.memref_slice %arg15[%dma_start3A_225, %dma_start3A_226] : memref<10000x8xf32, #tpu.memory_space<vmem_shared>> -> memref<10000x8xf32, #tpu.memory_space<vmem_shared>>
        tpu.enqueue_indirect_dma source(%dma_start3A_227 : memref<10000x8xf32, #tpu.memory_space<vmem_shared>>) target(%arg11 : memref<512x8xf32, #tpu.memory_space<vmem>>) offsets(%dma_start3A_224 : memref<512xi32, #tpu.memory_space<vmem>>) semaphore(%arg17 : memref<!tpu.dma_semaphore, #tpu.memory_space<semaphore_mem>>)
      } else {
      }
    }
    %while3A_87 = arith.constant 1 : i32
    scf.for %while3A_111 = %while3A_85 to %while3A_81 step %while3A_87  : i32 {
      %mul3A_112 = arith.constant 4 : i32
      %mul3A_113 = arith.muli %while3A_111, %mul3A_112 : i32
      %add3A_114 = arith.constant 0 : i32
      %add3A_115 = arith.addi %mul3A_113, %add3A_114 : i32
      %dma_wait3A_116 = arith.constant 0 : i32
      %dma_wait3A_117 = arith.constant 0 : i32
      %dma_wait3A_118 = tpu.memref_slice %arg8[%dma_wait3A_116, %dma_wait3A_117] : memref<20x512xi32, #tpu.memory_space<vmem>> -> memref<1x512xi32, #tpu.memory_space<vmem>>
      %dma_wait3A_119 = tpu.memref_squeeze %dma_wait3A_118 : memref<1x512xi32, #tpu.memory_space<vmem>> -> memref<512xi32, #tpu.memory_space<vmem>>
      %dma_wait3A_120 = arith.constant 0 : i32
      %dma_wait3A_121 = arith.constant 0 : i32
      %dma_wait3A_122 = tpu.memref_slice %arg15[%dma_wait3A_120, %dma_wait3A_121] : memref<10000x8xf32, #tpu.memory_space<vmem_shared>> -> memref<10000x8xf32, #tpu.memory_space<vmem_shared>>
      tpu.wait_indirect_dma semaphore(%arg16 : memref<!tpu.dma_semaphore, #tpu.memory_space<semaphore_mem>>) src(%dma_wait3A_122 : memref<10000x8xf32, #tpu.memory_space<vmem_shared>>) dst(%arg10 : memref<512x8xf32, #tpu.memory_space<vmem>>)
      %dma_start3A_123 = arith.constant 0 : i32
      %dma_start3A_124 = tpu.memref_slice %arg9[%add3A_115, %dma_start3A_123] : memref<20x512xi32, #tpu.memory_space<vmem>> -> memref<1x512xi32, #tpu.memory_space<vmem>>
      %dma_start3A_125 = tpu.memref_squeeze %dma_start3A_124 : memref<1x512xi32, #tpu.memory_space<vmem>> -> memref<512xi32, #tpu.memory_space<vmem>>
      %dma_start3A_126 = arith.constant 0 : i32
      %dma_start3A_127 = arith.constant 0 : i32
      %dma_start3A_128 = tpu.memref_slice %arg14[%dma_start3A_126, %dma_start3A_127] : memref<10240x8xf32, #tpu.memory_space<vmem_shared>> -> memref<10240x8xf32, #tpu.memory_space<vmem_shared>>
      tpu.enqueue_indirect_dma source(%arg10 : memref<512x8xf32, #tpu.memory_space<vmem>>) target(%dma_start3A_128 : memref<10240x8xf32, #tpu.memory_space<vmem_shared>>) offsets(%dma_start3A_125 : memref<512xi32, #tpu.memory_space<vmem>>) semaphore(%arg20 : memref<!tpu.dma_semaphore, #tpu.memory_space<semaphore_mem>>) {add = true}
      %add3A_129 = arith.constant 2 : i32
      %add3A_130 = arith.addi %add3A_115, %add3A_129 : i32
      %ge3A = arith.constant 4 : i32
      %ge3A_131 = arith.cmpi sge, %add3A_130, %ge3A : i32
      %convert_element_type3A_132 = arith.extui %ge3A_131 : i1 to i32
      %cond3A_133 = arith.constant 0 : i32
      %cond3A_134 = arith.cmpi ne, %convert_element_type3A_132, %cond3A_133 : i32
      scf.if %cond3A_134 {
        %dma_wait3A_222 = arith.constant 0 : i32
        %dma_wait3A_223 = arith.constant 0 : i32
        %dma_wait3A_224 = tpu.memref_slice %arg9[%dma_wait3A_222, %dma_wait3A_223] : memref<20x512xi32, #tpu.memory_space<vmem>> -> memref<1x512xi32, #tpu.memory_space<vmem>>
        %dma_wait3A_225 = tpu.memref_squeeze %dma_wait3A_224 : memref<1x512xi32, #tpu.memory_space<vmem>> -> memref<512xi32, #tpu.memory_space<vmem>>
        %dma_wait3A_226 = arith.constant 0 : i32
        %dma_wait3A_227 = arith.constant 0 : i32
        %dma_wait3A_228 = tpu.memref_slice %arg14[%dma_wait3A_226, %dma_wait3A_227] : memref<10240x8xf32, #tpu.memory_space<vmem_shared>> -> memref<10240x8xf32, #tpu.memory_space<vmem_shared>>
        tpu.wait_indirect_dma semaphore(%arg22 : memref<!tpu.dma_semaphore, #tpu.memory_space<semaphore_mem>>) src(%arg12 : memref<512x8xf32, #tpu.memory_space<vmem>>) dst(%dma_wait3A_228 : memref<10240x8xf32, #tpu.memory_space<vmem_shared>>)
      } else {
      }
      %lt3A = arith.cmpi slt, %add3A_130, %select_n3A : i32
      %convert_element_type3A_135 = arith.extui %lt3A : i1 to i32
      %cond3A_136 = arith.constant 0 : i32
      %cond3A_137 = arith.cmpi ne, %convert_element_type3A_135, %cond3A_136 : i32
      scf.if %cond3A_137 {
        %dma_start3A_222 = arith.constant 0 : i32
        %dma_start3A_223 = tpu.memref_slice %arg8[%add3A_130, %dma_start3A_222] : memref<20x512xi32, #tpu.memory_space<vmem>> -> memref<1x512xi32, #tpu.memory_space<vmem>>
        %dma_start3A_224 = tpu.memref_squeeze %dma_start3A_223 : memref<1x512xi32, #tpu.memory_space<vmem>> -> memref<512xi32, #tpu.memory_space<vmem>>
        %dma_start3A_225 = arith.constant 0 : i32
        %dma_start3A_226 = arith.constant 0 : i32
        %dma_start3A_227 = tpu.memref_slice %arg15[%dma_start3A_225, %dma_start3A_226] : memref<10000x8xf32, #tpu.memory_space<vmem_shared>> -> memref<10000x8xf32, #tpu.memory_space<vmem_shared>>
        tpu.enqueue_indirect_dma source(%dma_start3A_227 : memref<10000x8xf32, #tpu.memory_space<vmem_shared>>) target(%arg12 : memref<512x8xf32, #tpu.memory_space<vmem>>) offsets(%dma_start3A_224 : memref<512xi32, #tpu.memory_space<vmem>>) semaphore(%arg18 : memref<!tpu.dma_semaphore, #tpu.memory_space<semaphore_mem>>)
      } else {
      }
      %mul3A_138 = arith.constant 4 : i32
      %mul3A_139 = arith.muli %while3A_111, %mul3A_138 : i32
      %add3A_140 = arith.constant 1 : i32
      %add3A_141 = arith.addi %mul3A_139, %add3A_140 : i32
      %dma_wait3A_142 = arith.constant 0 : i32
      %dma_wait3A_143 = arith.constant 0 : i32
      %dma_wait3A_144 = tpu.memref_slice %arg8[%dma_wait3A_142, %dma_wait3A_143] : memref<20x512xi32, #tpu.memory_space<vmem>> -> memref<1x512xi32, #tpu.memory_space<vmem>>
      %dma_wait3A_145 = tpu.memref_squeeze %dma_wait3A_144 : memref<1x512xi32, #tpu.memory_space<vmem>> -> memref<512xi32, #tpu.memory_space<vmem>>
      %dma_wait3A_146 = arith.constant 0 : i32
      %dma_wait3A_147 = arith.constant 0 : i32
      %dma_wait3A_148 = tpu.memref_slice %arg15[%dma_wait3A_146, %dma_wait3A_147] : memref<10000x8xf32, #tpu.memory_space<vmem_shared>> -> memref<10000x8xf32, #tpu.memory_space<vmem_shared>>
      tpu.wait_indirect_dma semaphore(%arg17 : memref<!tpu.dma_semaphore, #tpu.memory_space<semaphore_mem>>) src(%dma_wait3A_148 : memref<10000x8xf32, #tpu.memory_space<vmem_shared>>) dst(%arg11 : memref<512x8xf32, #tpu.memory_space<vmem>>)
      %dma_start3A_149 = arith.constant 0 : i32
      %dma_start3A_150 = tpu.memref_slice %arg9[%add3A_141, %dma_start3A_149] : memref<20x512xi32, #tpu.memory_space<vmem>> -> memref<1x512xi32, #tpu.memory_space<vmem>>
      %dma_start3A_151 = tpu.memref_squeeze %dma_start3A_150 : memref<1x512xi32, #tpu.memory_space<vmem>> -> memref<512xi32, #tpu.memory_space<vmem>>
      %dma_start3A_152 = arith.constant 0 : i32
      %dma_start3A_153 = arith.constant 0 : i32
      %dma_start3A_154 = tpu.memref_slice %arg14[%dma_start3A_152, %dma_start3A_153] : memref<10240x8xf32, #tpu.memory_space<vmem_shared>> -> memref<10240x8xf32, #tpu.memory_space<vmem_shared>>
      tpu.enqueue_indirect_dma source(%arg11 : memref<512x8xf32, #tpu.memory_space<vmem>>) target(%dma_start3A_154 : memref<10240x8xf32, #tpu.memory_space<vmem_shared>>) offsets(%dma_start3A_151 : memref<512xi32, #tpu.memory_space<vmem>>) semaphore(%arg21 : memref<!tpu.dma_semaphore, #tpu.memory_space<semaphore_mem>>) {add = true}
      %add3A_155 = arith.constant 2 : i32
      %add3A_156 = arith.addi %add3A_141, %add3A_155 : i32
      %ge3A_157 = arith.constant 4 : i32
      %ge3A_158 = arith.cmpi sge, %add3A_156, %ge3A_157 : i32
      %convert_element_type3A_159 = arith.extui %ge3A_158 : i1 to i32
      %cond3A_160 = arith.constant 0 : i32
      %cond3A_161 = arith.cmpi ne, %convert_element_type3A_159, %cond3A_160 : i32
      scf.if %cond3A_161 {
        %dma_wait3A_222 = arith.constant 0 : i32
        %dma_wait3A_223 = arith.constant 0 : i32
        %dma_wait3A_224 = tpu.memref_slice %arg9[%dma_wait3A_222, %dma_wait3A_223] : memref<20x512xi32, #tpu.memory_space<vmem>> -> memref<1x512xi32, #tpu.memory_space<vmem>>
        %dma_wait3A_225 = tpu.memref_squeeze %dma_wait3A_224 : memref<1x512xi32, #tpu.memory_space<vmem>> -> memref<512xi32, #tpu.memory_space<vmem>>
        %dma_wait3A_226 = arith.constant 0 : i32
        %dma_wait3A_227 = arith.constant 0 : i32
        %dma_wait3A_228 = tpu.memref_slice %arg14[%dma_wait3A_226, %dma_wait3A_227] : memref<10240x8xf32, #tpu.memory_space<vmem_shared>> -> memref<10240x8xf32, #tpu.memory_space<vmem_shared>>
        tpu.wait_indirect_dma semaphore(%arg23 : memref<!tpu.dma_semaphore, #tpu.memory_space<semaphore_mem>>) src(%arg13 : memref<512x8xf32, #tpu.memory_space<vmem>>) dst(%dma_wait3A_228 : memref<10240x8xf32, #tpu.memory_space<vmem_shared>>)
      } else {
      }
      %lt3A_162 = arith.cmpi slt, %add3A_156, %select_n3A : i32
      %convert_element_type3A_163 = arith.extui %lt3A_162 : i1 to i32
      %cond3A_164 = arith.constant 0 : i32
      %cond3A_165 = arith.cmpi ne, %convert_element_type3A_163, %cond3A_164 : i32
      scf.if %cond3A_165 {
        %dma_start3A_222 = arith.constant 0 : i32
        %dma_start3A_223 = tpu.memref_slice %arg8[%add3A_156, %dma_start3A_222] : memref<20x512xi32, #tpu.memory_space<vmem>> -> memref<1x512xi32, #tpu.memory_space<vmem>>
        %dma_start3A_224 = tpu.memref_squeeze %dma_start3A_223 : memref<1x512xi32, #tpu.memory_space<vmem>> -> memref<512xi32, #tpu.memory_space<vmem>>
        %dma_start3A_225 = arith.constant 0 : i32
        %dma_start3A_226 = arith.constant 0 : i32
        %dma_start3A_227 = tpu.memref_slice %arg15[%dma_start3A_225, %dma_start3A_226] : memref<10000x8xf32, #tpu.memory_space<vmem_shared>> -> memref<10000x8xf32, #tpu.memory_space<vmem_shared>>
        tpu.enqueue_indirect_dma source(%dma_start3A_227 : memref<10000x8xf32, #tpu.memory_space<vmem_shared>>) target(%arg13 : memref<512x8xf32, #tpu.memory_space<vmem>>) offsets(%dma_start3A_224 : memref<512xi32, #tpu.memory_space<vmem>>) semaphore(%arg19 : memref<!tpu.dma_semaphore, #tpu.memory_space<semaphore_mem>>)
      } else {
      }
      %mul3A_166 = arith.constant 4 : i32
      %mul3A_167 = arith.muli %while3A_111, %mul3A_166 : i32
      %add3A_168 = arith.constant 2 : i32
      %add3A_169 = arith.addi %mul3A_167, %add3A_168 : i32
      %dma_wait3A_170 = arith.constant 0 : i32
      %dma_wait3A_171 = arith.constant 0 : i32
      %dma_wait3A_172 = tpu.memref_slice %arg8[%dma_wait3A_170, %dma_wait3A_171] : memref<20x512xi32, #tpu.memory_space<vmem>> -> memref<1x512xi32, #tpu.memory_space<vmem>>
      %dma_wait3A_173 = tpu.memref_squeeze %dma_wait3A_172 : memref<1x512xi32, #tpu.memory_space<vmem>> -> memref<512xi32, #tpu.memory_space<vmem>>
      %dma_wait3A_174 = arith.constant 0 : i32
      %dma_wait3A_175 = arith.constant 0 : i32
      %dma_wait3A_176 = tpu.memref_slice %arg15[%dma_wait3A_174, %dma_wait3A_175] : memref<10000x8xf32, #tpu.memory_space<vmem_shared>> -> memref<10000x8xf32, #tpu.memory_space<vmem_shared>>
      tpu.wait_indirect_dma semaphore(%arg18 : memref<!tpu.dma_semaphore, #tpu.memory_space<semaphore_mem>>) src(%dma_wait3A_176 : memref<10000x8xf32, #tpu.memory_space<vmem_shared>>) dst(%arg12 : memref<512x8xf32, #tpu.memory_space<vmem>>)
      %dma_start3A_177 = arith.constant 0 : i32
      %dma_start3A_178 = tpu.memref_slice %arg9[%add3A_169, %dma_start3A_177] : memref<20x512xi32, #tpu.memory_space<vmem>> -> memref<1x512xi32, #tpu.memory_space<vmem>>
      %dma_start3A_179 = tpu.memref_squeeze %dma_start3A_178 : memref<1x512xi32, #tpu.memory_space<vmem>> -> memref<512xi32, #tpu.memory_space<vmem>>
      %dma_start3A_180 = arith.constant 0 : i32
      %dma_start3A_181 = arith.constant 0 : i32
      %dma_start3A_182 = tpu.memref_slice %arg14[%dma_start3A_180, %dma_start3A_181] : memref<10240x8xf32, #tpu.memory_space<vmem_shared>> -> memref<10240x8xf32, #tpu.memory_space<vmem_shared>>
      tpu.enqueue_indirect_dma source(%arg12 : memref<512x8xf32, #tpu.memory_space<vmem>>) target(%dma_start3A_182 : memref<10240x8xf32, #tpu.memory_space<vmem_shared>>) offsets(%dma_start3A_179 : memref<512xi32, #tpu.memory_space<vmem>>) semaphore(%arg22 : memref<!tpu.dma_semaphore, #tpu.memory_space<semaphore_mem>>) {add = true}
      %add3A_183 = arith.constant 2 : i32
      %add3A_184 = arith.addi %add3A_169, %add3A_183 : i32
      %ge3A_185 = arith.constant 4 : i32
      %ge3A_186 = arith.cmpi sge, %add3A_184, %ge3A_185 : i32
      %convert_element_type3A_187 = arith.extui %ge3A_186 : i1 to i32
      %cond3A_188 = arith.constant 0 : i32
      %cond3A_189 = arith.cmpi ne, %convert_element_type3A_187, %cond3A_188 : i32
      scf.if %cond3A_189 {
        %dma_wait3A_222 = arith.constant 0 : i32
        %dma_wait3A_223 = arith.constant 0 : i32
        %dma_wait3A_224 = tpu.memref_slice %arg9[%dma_wait3A_222, %dma_wait3A_223] : memref<20x512xi32, #tpu.memory_space<vmem>> -> memref<1x512xi32, #tpu.memory_space<vmem>>
        %dma_wait3A_225 = tpu.memref_squeeze %dma_wait3A_224 : memref<1x512xi32, #tpu.memory_space<vmem>> -> memref<512xi32, #tpu.memory_space<vmem>>
        %dma_wait3A_226 = arith.constant 0 : i32
        %dma_wait3A_227 = arith.constant 0 : i32
        %dma_wait3A_228 = tpu.memref_slice %arg14[%dma_wait3A_226, %dma_wait3A_227] : memref<10240x8xf32, #tpu.memory_space<vmem_shared>> -> memref<10240x8xf32, #tpu.memory_space<vmem_shared>>
        tpu.wait_indirect_dma semaphore(%arg20 : memref<!tpu.dma_semaphore, #tpu.memory_space<semaphore_mem>>) src(%arg10 : memref<512x8xf32, #tpu.memory_space<vmem>>) dst(%dma_wait3A_228 : memref<10240x8xf32, #tpu.memory_space<vmem_shared>>)
      } else {
      }
      %lt3A_190 = arith.cmpi slt, %add3A_184, %select_n3A : i32
      %convert_element_type3A_191 = arith.extui %lt3A_190 : i1 to i32
      %cond3A_192 = arith.constant 0 : i32
      %cond3A_193 = arith.cmpi ne, %convert_element_type3A_191, %cond3A_192 : i32
      scf.if %cond3A_193 {
        %dma_start3A_222 = arith.constant 0 : i32
        %dma_start3A_223 = tpu.memref_slice %arg8[%add3A_184, %dma_start3A_222] : memref<20x512xi32, #tpu.memory_space<vmem>> -> memref<1x512xi32, #tpu.memory_space<vmem>>
        %dma_start3A_224 = tpu.memref_squeeze %dma_start3A_223 : memref<1x512xi32, #tpu.memory_space<vmem>> -> memref<512xi32, #tpu.memory_space<vmem>>
        %dma_start3A_225 = arith.constant 0 : i32
        %dma_start3A_226 = arith.constant 0 : i32
        %dma_start3A_227 = tpu.memref_slice %arg15[%dma_start3A_225, %dma_start3A_226] : memref<10000x8xf32, #tpu.memory_space<vmem_shared>> -> memref<10000x8xf32, #tpu.memory_space<vmem_shared>>
        tpu.enqueue_indirect_dma source(%dma_start3A_227 : memref<10000x8xf32, #tpu.memory_space<vmem_shared>>) target(%arg10 : memref<512x8xf32, #tpu.memory_space<vmem>>) offsets(%dma_start3A_224 : memref<512xi32, #tpu.memory_space<vmem>>) semaphore(%arg16 : memref<!tpu.dma_semaphore, #tpu.memory_space<semaphore_mem>>)
      } else {
      }
      %mul3A_194 = arith.constant 4 : i32
      %mul3A_195 = arith.muli %while3A_111, %mul3A_194 : i32
      %add3A_196 = arith.constant 3 : i32
      %add3A_197 = arith.addi %mul3A_195, %add3A_196 : i32
      %dma_wait3A_198 = arith.constant 0 : i32
      %dma_wait3A_199 = arith.constant 0 : i32
      %dma_wait3A_200 = tpu.memref_slice %arg8[%dma_wait3A_198, %dma_wait3A_199] : memref<20x512xi32, #tpu.memory_space<vmem>> -> memref<1x512xi32, #tpu.memory_space<vmem>>
      %dma_wait3A_201 = tpu.memref_squeeze %dma_wait3A_200 : memref<1x512xi32, #tpu.memory_space<vmem>> -> memref<512xi32, #tpu.memory_space<vmem>>
      %dma_wait3A_202 = arith.constant 0 : i32
      %dma_wait3A_203 = arith.constant 0 : i32
      %dma_wait3A_204 = tpu.memref_slice %arg15[%dma_wait3A_202, %dma_wait3A_203] : memref<10000x8xf32, #tpu.memory_space<vmem_shared>> -> memref<10000x8xf32, #tpu.memory_space<vmem_shared>>
      tpu.wait_indirect_dma semaphore(%arg19 : memref<!tpu.dma_semaphore, #tpu.memory_space<semaphore_mem>>) src(%dma_wait3A_204 : memref<10000x8xf32, #tpu.memory_space<vmem_shared>>) dst(%arg13 : memref<512x8xf32, #tpu.memory_space<vmem>>)
      %dma_start3A_205 = arith.constant 0 : i32
      %dma_start3A_206 = tpu.memref_slice %arg9[%add3A_197, %dma_start3A_205] : memref<20x512xi32, #tpu.memory_space<vmem>> -> memref<1x512xi32, #tpu.memory_space<vmem>>
      %dma_start3A_207 = tpu.memref_squeeze %dma_start3A_206 : memref<1x512xi32, #tpu.memory_space<vmem>> -> memref<512xi32, #tpu.memory_space<vmem>>
      %dma_start3A_208 = arith.constant 0 : i32
      %dma_start3A_209 = arith.constant 0 : i32
      %dma_start3A_210 = tpu.memref_slice %arg14[%dma_start3A_208, %dma_start3A_209] : memref<10240x8xf32, #tpu.memory_space<vmem_shared>> -> memref<10240x8xf32, #tpu.memory_space<vmem_shared>>
      tpu.enqueue_indirect_dma source(%arg13 : memref<512x8xf32, #tpu.memory_space<vmem>>) target(%dma_start3A_210 : memref<10240x8xf32, #tpu.memory_space<vmem_shared>>) offsets(%dma_start3A_207 : memref<512xi32, #tpu.memory_space<vmem>>) semaphore(%arg23 : memref<!tpu.dma_semaphore, #tpu.memory_space<semaphore_mem>>) {add = true}
      %add3A_211 = arith.constant 2 : i32
      %add3A_212 = arith.addi %add3A_197, %add3A_211 : i32
      %ge3A_213 = arith.constant 4 : i32
      %ge3A_214 = arith.cmpi sge, %add3A_212, %ge3A_213 : i32
      %convert_element_type3A_215 = arith.extui %ge3A_214 : i1 to i32
      %cond3A_216 = arith.constant 0 : i32
      %cond3A_217 = arith.cmpi ne, %convert_element_type3A_215, %cond3A_216 : i32
      scf.if %cond3A_217 {
        %dma_wait3A_222 = arith.constant 0 : i32
        %dma_wait3A_223 = arith.constant 0 : i32
        %dma_wait3A_224 = tpu.memref_slice %arg9[%dma_wait3A_222, %dma_wait3A_223] : memref<20x512xi32, #tpu.memory_space<vmem>> -> memref<1x512xi32, #tpu.memory_space<vmem>>
        %dma_wait3A_225 = tpu.memref_squeeze %dma_wait3A_224 : memref<1x512xi32, #tpu.memory_space<vmem>> -> memref<512xi32, #tpu.memory_space<vmem>>
        %dma_wait3A_226 = arith.constant 0 : i32
        %dma_wait3A_227 = arith.constant 0 : i32
        %dma_wait3A_228 = tpu.memref_slice %arg14[%dma_wait3A_226, %dma_wait3A_227] : memref<10240x8xf32, #tpu.memory_space<vmem_shared>> -> memref<10240x8xf32, #tpu.memory_space<vmem_shared>>
        tpu.wait_indirect_dma semaphore(%arg21 : memref<!tpu.dma_semaphore, #tpu.memory_space<semaphore_mem>>) src(%arg11 : memref<512x8xf32, #tpu.memory_space<vmem>>) dst(%dma_wait3A_228 : memref<10240x8xf32, #tpu.memory_space<vmem_shared>>)
      } else {
      }
      %lt3A_218 = arith.cmpi slt, %add3A_212, %select_n3A : i32
      %convert_element_type3A_219 = arith.extui %lt3A_218 : i1 to i32
      %cond3A_220 = arith.constant 0 : i32
      %cond3A_221 = arith.cmpi ne, %convert_element_type3A_219, %cond3A_220 : i32
      scf.if %cond3A_221 {
        %dma_start3A_222 = arith.constant 0 : i32
        %dma_start3A_223 = tpu.memref_slice %arg8[%add3A_212, %dma_start3A_222] : memref<20x512xi32, #tpu.memory_space<vmem>> -> memref<1x512xi32, #tpu.memory_space<vmem>>
        %dma_start3A_224 = tpu.memref_squeeze %dma_start3A_223 : memref<1x512xi32, #tpu.memory_space<vmem>> -> memref<512xi32, #tpu.memory_space<vmem>>
        %dma_start3A_225 = arith.constant 0 : i32
        %dma_start3A_226 = arith.constant 0 : i32
        %dma_start3A_227 = tpu.memref_slice %arg15[%dma_start3A_225, %dma_start3A_226] : memref<10000x8xf32, #tpu.memory_space<vmem_shared>> -> memref<10000x8xf32, #tpu.memory_space<vmem_shared>>
        tpu.enqueue_indirect_dma source(%dma_start3A_227 : memref<10000x8xf32, #tpu.memory_space<vmem_shared>>) target(%arg11 : memref<512x8xf32, #tpu.memory_space<vmem>>) offsets(%dma_start3A_224 : memref<512xi32, #tpu.memory_space<vmem>>) semaphore(%arg17 : memref<!tpu.dma_semaphore, #tpu.memory_space<semaphore_mem>>)
      } else {
      }
    }
    %dma_wait3A_88 = arith.constant 0 : i32
    %dma_wait3A_89 = arith.constant 0 : i32
    %dma_wait3A_90 = tpu.memref_slice %arg9[%dma_wait3A_88, %dma_wait3A_89] : memref<20x512xi32, #tpu.memory_space<vmem>> -> memref<1x512xi32, #tpu.memory_space<vmem>>
    %dma_wait3A_91 = tpu.memref_squeeze %dma_wait3A_90 : memref<1x512xi32, #tpu.memory_space<vmem>> -> memref<512xi32, #tpu.memory_space<vmem>>
    %dma_wait3A_92 = arith.constant 0 : i32
    %dma_wait3A_93 = arith.constant 0 : i32
    %dma_wait3A_94 = tpu.memref_slice %arg14[%dma_wait3A_92, %dma_wait3A_93] : memref<10240x8xf32, #tpu.memory_space<vmem_shared>> -> memref<10240x8xf32, #tpu.memory_space<vmem_shared>>
    tpu.wait_indirect_dma semaphore(%arg22 : memref<!tpu.dma_semaphore, #tpu.memory_space<semaphore_mem>>) src(%arg12 : memref<512x8xf32, #tpu.memory_space<vmem>>) dst(%dma_wait3A_94 : memref<10240x8xf32, #tpu.memory_space<vmem_shared>>)
    %dma_wait3A_95 = arith.constant 0 : i32
    %dma_wait3A_96 = arith.constant 0 : i32
    %dma_wait3A_97 = tpu.memref_slice %arg9[%dma_wait3A_95, %dma_wait3A_96] : memref<20x512xi32, #tpu.memory_space<vmem>> -> memref<1x512xi32, #tpu.memory_space<vmem>>
    %dma_wait3A_98 = tpu.memref_squeeze %dma_wait3A_97 : memref<1x512xi32, #tpu.memory_space<vmem>> -> memref<512xi32, #tpu.memory_space<vmem>>
    %dma_wait3A_99 = arith.constant 0 : i32
    %dma_wait3A_100 = arith.constant 0 : i32
    %dma_wait3A_101 = tpu.memref_slice %arg14[%dma_wait3A_99, %dma_wait3A_100] : memref<10240x8xf32, #tpu.memory_space<vmem_shared>> -> memref<10240x8xf32, #tpu.memory_space<vmem_shared>>
    tpu.wait_indirect_dma semaphore(%arg23 : memref<!tpu.dma_semaphore, #tpu.memory_space<semaphore_mem>>) src(%arg13 : memref<512x8xf32, #tpu.memory_space<vmem>>) dst(%dma_wait3A_101 : memref<10240x8xf32, #tpu.memory_space<vmem_shared>>)
    %barrier3A_102 = arith.constant 0 : index
    tpu.barrier barrier_id(%barrier3A_102)
    %eq3A_103 = arith.constant 0 : i32
    %eq3A_104 = arith.cmpi eq, %arg0, %eq3A_103 : i32
    %convert_element_type3A = arith.extui %eq3A_104 : i1 to i32
    %cond3A = arith.constant 0 : i32
    %cond3A_105 = arith.cmpi ne, %convert_element_type3A, %cond3A : i32
    scf.if %cond3A_105 {
      %mul3A_111 = arith.constant 640 : i32
      %mul3A_112 = arith.muli %arg1, %mul3A_111 : i32
      %mul3A_113 = arith.constant 640 : i32
      %mul3A_114 = arith.muli %arg1, %mul3A_113 : i32
      "tpu.region"() ({
        %run_scoped3A = tpu.sem_alloc : memref<!tpu.dma_semaphore, #tpu.memory_space<semaphore_mem>>
        %dma_start3A_115 = arith.constant 0 : i32
        %dma_start3A_116 = tpu.memref_slice %arg6[%mul3A_114, %dma_start3A_115] : memref<10240x8xf32, #tpu.memory_space<hbm>> -> memref<640x8xf32, #tpu.memory_space<hbm>>
        %dma_start3A_117 = arith.constant 0 : i32
        %dma_start3A_118 = tpu.memref_slice %arg14[%mul3A_112, %dma_start3A_117] : memref<10240x8xf32, #tpu.memory_space<vmem_shared>> -> memref<640x8xf32, #tpu.memory_space<vmem_shared>>
        tpu.enqueue_dma source(%dma_start3A_118 : memref<640x8xf32, #tpu.memory_space<vmem_shared>>) target(%dma_start3A_116 : memref<640x8xf32, #tpu.memory_space<hbm>>) target_semaphore(%run_scoped3A : memref<!tpu.dma_semaphore, #tpu.memory_space<semaphore_mem>>)
        %dma_wait3A_119 = arith.constant 0 : i32
        %dma_wait3A_120 = tpu.memref_slice %arg6[%mul3A_114, %dma_wait3A_119] : memref<10240x8xf32, #tpu.memory_space<hbm>> -> memref<640x8xf32, #tpu.memory_space<hbm>>
        %dma_wait3A_121 = arith.constant 0 : i32
        %dma_wait3A_122 = tpu.memref_slice %arg14[%mul3A_112, %dma_wait3A_121] : memref<10240x8xf32, #tpu.memory_space<vmem_shared>> -> memref<640x8xf32, #tpu.memory_space<vmem_shared>>
        tpu.wait_dma2 semaphore(%run_scoped3A : memref<!tpu.dma_semaphore, #tpu.memory_space<semaphore_mem>>) src(%dma_wait3A_122 : memref<640x8xf32, #tpu.memory_space<vmem_shared>>) dst(%dma_wait3A_120 : memref<640x8xf32, #tpu.memory_space<hbm>>)
        tpu.yield
      }) : () -> ()
    } else {
    }
    %eq3A_106 = arith.constant 1 : i32
    %eq3A_107 = arith.cmpi eq, %arg0, %eq3A_106 : i32
    %convert_element_type3A_108 = arith.extui %eq3A_107 : i1 to i32
    %cond3A_109 = arith.constant 0 : i32
    %cond3A_110 = arith.cmpi ne, %convert_element_type3A_108, %cond3A_109 : i32
    scf.if %cond3A_110 {
      %mul3A_111 = arith.constant 640 : i32
      %mul3A_112 = arith.muli %arg1, %mul3A_111 : i32
      %mul3A_113 = arith.constant 640 : i32
      %mul3A_114 = arith.muli %arg1, %mul3A_113 : i32
      "tpu.region"() ({
        %run_scoped3A = tpu.sem_alloc : memref<!tpu.dma_semaphore, #tpu.memory_space<semaphore_mem>>
        %dma_start3A_115 = arith.constant 0 : i32
        %dma_start3A_116 = tpu.memref_slice %arg7[%mul3A_114, %dma_start3A_115] : memref<10240x8xf32, #tpu.memory_space<hbm>> -> memref<640x8xf32, #tpu.memory_space<hbm>>
        %dma_start3A_117 = arith.constant 0 : i32
        %dma_start3A_118 = tpu.memref_slice %arg14[%mul3A_112, %dma_start3A_117] : memref<10240x8xf32, #tpu.memory_space<vmem_shared>> -> memref<640x8xf32, #tpu.memory_space<vmem_shared>>
        tpu.enqueue_dma source(%dma_start3A_118 : memref<640x8xf32, #tpu.memory_space<vmem_shared>>) target(%dma_start3A_116 : memref<640x8xf32, #tpu.memory_space<hbm>>) target_semaphore(%run_scoped3A : memref<!tpu.dma_semaphore, #tpu.memory_space<semaphore_mem>>)
        %dma_wait3A_119 = arith.constant 0 : i32
        %dma_wait3A_120 = tpu.memref_slice %arg7[%mul3A_114, %dma_wait3A_119] : memref<10240x8xf32, #tpu.memory_space<hbm>> -> memref<640x8xf32, #tpu.memory_space<hbm>>
        %dma_wait3A_121 = arith.constant 0 : i32
        %dma_wait3A_122 = tpu.memref_slice %arg14[%mul3A_112, %dma_wait3A_121] : memref<10240x8xf32, #tpu.memory_space<vmem_shared>> -> memref<640x8xf32, #tpu.memory_space<vmem_shared>>
        tpu.wait_dma2 semaphore(%run_scoped3A : memref<!tpu.dma_semaphore, #tpu.memory_space<semaphore_mem>>) src(%dma_wait3A_122 : memref<640x8xf32, #tpu.memory_space<vmem_shared>>) dst(%dma_wait3A_120 : memref<640x8xf32, #tpu.memory_space<hbm>>)
        tpu.yield
      }) : () -> ()
    } else {
    }
    return
  }
}

#map = affine_map<(d0, d1) -> (0, 0)>
#map1 = affine_map<(d0, d1) -> (0)>
module attributes {stable_mosaic.version = 14 : i64} {
  func.func @_segmax_lc(%arg0: i32, %arg1: i32, %arg2: memref<10240x8xf32, #tpu.memory_space<hbm>>, %arg3: memref<10240x8xf32, #tpu.memory_space<hbm>>, %arg4: memref<10240x8xf32, #tpu.memory_space<hbm>>, %arg5: memref<16384xf32, #tpu.memory_space<hbm>>, %arg6: memref<12288xi32, #tpu.memory_space<hbm>>, %arg7: memref<12288xi32, #tpu.memory_space<hbm>>, %arg8: memref<32x16384xf32, #tpu.memory_space<hbm>>, %arg9: memref<384xi32, #tpu.memory_space<vmem>>, %arg10: memref<384xi32, #tpu.memory_space<vmem>>, %arg11: memref<384x8xf32, #tpu.memory_space<vmem>>, %arg12: memref<640x8xf32, #tpu.memory_space<vmem>>, %arg13: memref<640x8xf32, #tpu.memory_space<vmem>>, %arg14: memref<640x8xf32, #tpu.memory_space<vmem>>, %arg15: memref<640x8xf32, #tpu.memory_space<vmem>>, %arg16: memref<16384xf32, #tpu.memory_space<vmem>>, %arg17: memref<10240x8xf32, #tpu.memory_space<vmem_shared>>, %arg18: memref<!tpu.dma_semaphore, #tpu.memory_space<semaphore_mem>>, %arg19: memref<!tpu.dma_semaphore, #tpu.memory_space<semaphore_mem>>, %arg20: memref<!tpu.dma_semaphore, #tpu.memory_space<semaphore_mem>>, %arg21: memref<!tpu.dma_semaphore, #tpu.memory_space<semaphore_mem>>, %arg22: memref<!tpu.dma_semaphore, #tpu.memory_space<semaphore_mem>>, %arg23: memref<!tpu.dma_semaphore, #tpu.memory_space<semaphore_mem>>) attributes {dimension_semantics = [#tpu.dimension_semantics<core_parallel>, #tpu.dimension_semantics<subcore_parallel>], iteration_bounds = array<i64: 2, 16>, scalar_prefetch = 0 : i64, scratch_operands = 15 : i64, tpu.core_type = #tpu.core_type<sc_vector_subcore>, window_params = [{transform_indices = #map}, {transform_indices = #map}, {transform_indices = #map}, {transform_indices = #map1}, {transform_indices = #map1}, {transform_indices = #map1}, {transform_indices = #map}]} {
    %mul3A = arith.constant 16 : i32
    %mul3A_0 = arith.muli %arg0, %mul3A : i32
    %add3A = arith.addi %mul3A_0, %arg1 : i32
    %mul3A_1 = arith.constant 384 : i32
    %mul3A_2 = arith.muli %add3A, %mul3A_1 : i32
    %dma_start3A = tpu.memref_slice %arg6[%mul3A_2] : memref<12288xi32, #tpu.memory_space<hbm>> -> memref<384xi32, #tpu.memory_space<hbm>>
    %dma_start3A_3 = tpu.memref_slice %arg6[%mul3A_2] : memref<12288xi32, #tpu.memory_space<hbm>> -> memref<384xi32, #tpu.memory_space<hbm>>
    tpu.enqueue_dma source(%dma_start3A_3 : memref<384xi32, #tpu.memory_space<hbm>>) target(%arg9 : memref<384xi32, #tpu.memory_space<vmem>>) target_semaphore(%arg18 : memref<!tpu.dma_semaphore, #tpu.memory_space<semaphore_mem>>)
    %mul3A_4 = arith.constant 384 : i32
    %mul3A_5 = arith.muli %add3A, %mul3A_4 : i32
    %dma_start3A_6 = tpu.memref_slice %arg7[%mul3A_5] : memref<12288xi32, #tpu.memory_space<hbm>> -> memref<384xi32, #tpu.memory_space<hbm>>
    %dma_start3A_7 = tpu.memref_slice %arg7[%mul3A_5] : memref<12288xi32, #tpu.memory_space<hbm>> -> memref<384xi32, #tpu.memory_space<hbm>>
    tpu.enqueue_dma source(%dma_start3A_7 : memref<384xi32, #tpu.memory_space<hbm>>) target(%arg10 : memref<384xi32, #tpu.memory_space<vmem>>) target_semaphore(%arg19 : memref<!tpu.dma_semaphore, #tpu.memory_space<semaphore_mem>>)
    tpu.enqueue_dma source(%arg5 : memref<16384xf32, #tpu.memory_space<hbm>>) target(%arg16 : memref<16384xf32, #tpu.memory_space<vmem>>) target_semaphore(%arg20 : memref<!tpu.dma_semaphore, #tpu.memory_space<semaphore_mem>>)
    %mul3A_8 = arith.constant 640 : i32
    %mul3A_9 = arith.muli %arg1, %mul3A_8 : i32
    %dma_start3A_10 = arith.constant 0 : i32
    %dma_start3A_11 = tpu.memref_slice %arg2[%mul3A_9, %dma_start3A_10] : memref<10240x8xf32, #tpu.memory_space<hbm>> -> memref<640x8xf32, #tpu.memory_space<hbm>>
    %dma_start3A_12 = arith.constant 0 : i32
    %dma_start3A_13 = tpu.memref_slice %arg2[%mul3A_9, %dma_start3A_12] : memref<10240x8xf32, #tpu.memory_space<hbm>> -> memref<640x8xf32, #tpu.memory_space<hbm>>
    tpu.enqueue_dma source(%dma_start3A_13 : memref<640x8xf32, #tpu.memory_space<hbm>>) target(%arg12 : memref<640x8xf32, #tpu.memory_space<vmem>>) target_semaphore(%arg21 : memref<!tpu.dma_semaphore, #tpu.memory_space<semaphore_mem>>)
    %dma_start3A_14 = arith.constant 0 : i32
    %dma_start3A_15 = tpu.memref_slice %arg3[%mul3A_9, %dma_start3A_14] : memref<10240x8xf32, #tpu.memory_space<hbm>> -> memref<640x8xf32, #tpu.memory_space<hbm>>
    %dma_start3A_16 = arith.constant 0 : i32
    %dma_start3A_17 = tpu.memref_slice %arg3[%mul3A_9, %dma_start3A_16] : memref<10240x8xf32, #tpu.memory_space<hbm>> -> memref<640x8xf32, #tpu.memory_space<hbm>>
    tpu.enqueue_dma source(%dma_start3A_17 : memref<640x8xf32, #tpu.memory_space<hbm>>) target(%arg13 : memref<640x8xf32, #tpu.memory_space<vmem>>) target_semaphore(%arg22 : memref<!tpu.dma_semaphore, #tpu.memory_space<semaphore_mem>>)
    %dma_start3A_18 = arith.constant 0 : i32
    %dma_start3A_19 = tpu.memref_slice %arg4[%mul3A_9, %dma_start3A_18] : memref<10240x8xf32, #tpu.memory_space<hbm>> -> memref<640x8xf32, #tpu.memory_space<hbm>>
    %dma_start3A_20 = arith.constant 0 : i32
    %dma_start3A_21 = tpu.memref_slice %arg4[%mul3A_9, %dma_start3A_20] : memref<10240x8xf32, #tpu.memory_space<hbm>> -> memref<640x8xf32, #tpu.memory_space<hbm>>
    tpu.enqueue_dma source(%dma_start3A_21 : memref<640x8xf32, #tpu.memory_space<hbm>>) target(%arg14 : memref<640x8xf32, #tpu.memory_space<vmem>>) target_semaphore(%arg23 : memref<!tpu.dma_semaphore, #tpu.memory_space<semaphore_mem>>)
    %dma_wait3A = arith.constant 0 : i32
    %dma_wait3A_22 = tpu.memref_slice %arg2[%mul3A_9, %dma_wait3A] : memref<10240x8xf32, #tpu.memory_space<hbm>> -> memref<640x8xf32, #tpu.memory_space<hbm>>
    %dma_wait3A_23 = arith.constant 0 : i32
    %dma_wait3A_24 = tpu.memref_slice %arg2[%mul3A_9, %dma_wait3A_23] : memref<10240x8xf32, #tpu.memory_space<hbm>> -> memref<640x8xf32, #tpu.memory_space<hbm>>
    tpu.wait_dma2 semaphore(%arg21 : memref<!tpu.dma_semaphore, #tpu.memory_space<semaphore_mem>>) src(%dma_wait3A_24 : memref<640x8xf32, #tpu.memory_space<hbm>>) dst(%arg12 : memref<640x8xf32, #tpu.memory_space<vmem>>)
    %dma_wait3A_25 = arith.constant 0 : i32
    %dma_wait3A_26 = tpu.memref_slice %arg3[%mul3A_9, %dma_wait3A_25] : memref<10240x8xf32, #tpu.memory_space<hbm>> -> memref<640x8xf32, #tpu.memory_space<hbm>>
    %dma_wait3A_27 = arith.constant 0 : i32
    %dma_wait3A_28 = tpu.memref_slice %arg3[%mul3A_9, %dma_wait3A_27] : memref<10240x8xf32, #tpu.memory_space<hbm>> -> memref<640x8xf32, #tpu.memory_space<hbm>>
    tpu.wait_dma2 semaphore(%arg22 : memref<!tpu.dma_semaphore, #tpu.memory_space<semaphore_mem>>) src(%dma_wait3A_28 : memref<640x8xf32, #tpu.memory_space<hbm>>) dst(%arg13 : memref<640x8xf32, #tpu.memory_space<vmem>>)
    %dma_wait3A_29 = arith.constant 0 : i32
    %dma_wait3A_30 = tpu.memref_slice %arg4[%mul3A_9, %dma_wait3A_29] : memref<10240x8xf32, #tpu.memory_space<hbm>> -> memref<640x8xf32, #tpu.memory_space<hbm>>
    %dma_wait3A_31 = arith.constant 0 : i32
    %dma_wait3A_32 = tpu.memref_slice %arg4[%mul3A_9, %dma_wait3A_31] : memref<10240x8xf32, #tpu.memory_space<hbm>> -> memref<640x8xf32, #tpu.memory_space<hbm>>
    tpu.wait_dma2 semaphore(%arg23 : memref<!tpu.dma_semaphore, #tpu.memory_space<semaphore_mem>>) src(%dma_wait3A_32 : memref<640x8xf32, #tpu.memory_space<hbm>>) dst(%arg14 : memref<640x8xf32, #tpu.memory_space<vmem>>)
    %iota3A = tpu.iota {dimensions = array<i32: 0>} : vector<16xi32>
    %and3A = arith.constant 7 : i32
    %and3A_33 = vector.broadcast %and3A : i32 to vector<16xi32>
    %and3A_34 = arith.andi %iota3A, %and3A_33 : vector<16xi32>
    %ge3A = arith.constant 8 : i32
    %ge3A_35 = vector.broadcast %ge3A : i32 to vector<16xi32>
    %ge3A_36 = arith.cmpi sge, %iota3A, %ge3A_35 : vector<16xi32>
    %convert_element_type3A = arith.extui %ge3A_36 : vector<16xi1> to vector<16xi32>
    %scan3A = arith.constant 0 : i32
    %scan3A_37 = arith.constant 0 : i32
    %scan3A_38 = arith.constant 320 : i32
    %scan3A_39 = arith.addi %scan3A_37, %scan3A_38 : i32
    %scan3A_40 = arith.constant 1 : i32
    scf.for %scan3A_58 = %scan3A_37 to %scan3A_39 step %scan3A_40  : i32 {
      %mul3A_59 = arith.constant 2 : i32
      %mul3A_60 = arith.muli %mul3A_59, %scan3A_58 : i32
      %add3A_61 = vector.broadcast %mul3A_60 : i32 to vector<16xi32>
      %add3A_62 = arith.addi %add3A_61, %convert_element_type3A : vector<16xi32>
      %gather3A = tpu.vector_load_idx %arg12[%add3A_62, %and3A_34] : memref<640x8xf32, #tpu.memory_space<vmem>>[vector<16xi32>, vector<16xi32>], vector<16xf32>,
      %gather3A_63 = tpu.vector_load_idx %arg13[%add3A_62, %and3A_34] : memref<640x8xf32, #tpu.memory_space<vmem>>[vector<16xi32>, vector<16xi32>], vector<16xf32>,
      %add3A_64 = arith.addf %gather3A, %gather3A_63 : vector<16xf32>
      %lt3A = arith.constant 8 : i32
      %lt3A_65 = vector.broadcast %lt3A : i32 to vector<16xi32>
      %lt3A_66 = arith.cmpi slt, %iota3A, %lt3A_65 : vector<16xi32>
      %slice3A = vector.extract_strided_slice %add3A_64 {offsets = [7], sizes = [1], strides = [1]} : vector<16xf32> to vector<1xf32>
      %squeeze3A = vector.extract %slice3A[0] : f32 from vector<1xf32>
      %slice3A_67 = vector.extract_strided_slice %add3A_64 {offsets = [15], sizes = [1], strides = [1]} : vector<16xf32> to vector<1xf32>
      %squeeze3A_68 = vector.extract %slice3A_67[0] : f32 from vector<1xf32>
      %broadcast_in_dim3A = vector.broadcast %squeeze3A : f32 to vector<16xf32>
      %broadcast_in_dim3A_69 = vector.broadcast %squeeze3A_68 : f32 to vector<16xf32>
      %select_n3A = arith.select %lt3A_66, %broadcast_in_dim3A, %broadcast_in_dim3A_69 : vector<16xi1>, vector<16xf32>
      %max3A = arith.constant 1.000000e+00 : f32
      %max3A_70 = vector.broadcast %max3A : f32 to vector<16xf32>
      %max3A_71 = arith.maximumf %select_n3A, %max3A_70 : vector<16xf32>
      %div3A = arith.divf %add3A_64, %max3A_71 : vector<16xf32>
      %gather3A_72 = tpu.vector_load_idx %arg14[%add3A_62, %and3A_34] : memref<640x8xf32, #tpu.memory_space<vmem>>[vector<16xi32>, vector<16xi32>], vector<16xf32>,
      %add3A_73 = arith.addf %div3A, %gather3A_72 : vector<16xf32>
      %max3A_74 = arith.constant 0.000000e+00 : f32
      %max3A_75 = vector.broadcast %max3A_74 : f32 to vector<16xf32>
      %max3A_76 = arith.maximumf %add3A_73, %max3A_75 : vector<16xf32>
      tpu.vector_store_idx %arg15[%add3A_62, %and3A_34], %max3A_76 : memref<640x8xf32, #tpu.memory_space<vmem>>[vector<16xi32>, vector<16xi32>], vector<16xf32>,
    }
    %scan3A_41 = arith.constant 320 : i32
    "tpu.region"() ({
      %run_scoped3A = tpu.sem_alloc : memref<!tpu.dma_semaphore, #tpu.memory_space<semaphore_mem>>
      %dma_start3A_58 = arith.constant 0 : i32
      %dma_start3A_59 = tpu.memref_slice %arg17[%mul3A_9, %dma_start3A_58] : memref<10240x8xf32, #tpu.memory_space<vmem_shared>> -> memref<640x8xf32, #tpu.memory_space<vmem_shared>>
      %dma_start3A_60 = arith.constant 0 : i32
      %dma_start3A_61 = tpu.memref_slice %arg17[%mul3A_9, %dma_start3A_60] : memref<10240x8xf32, #tpu.memory_space<vmem_shared>> -> memref<640x8xf32, #tpu.memory_space<vmem_shared>>
      tpu.enqueue_dma source(%arg15 : memref<640x8xf32, #tpu.memory_space<vmem>>) target(%dma_start3A_61 : memref<640x8xf32, #tpu.memory_space<vmem_shared>>) target_semaphore(%run_scoped3A : memref<!tpu.dma_semaphore, #tpu.memory_space<semaphore_mem>>)
      %dma_wait3A_62 = arith.constant 0 : i32
      %dma_wait3A_63 = tpu.memref_slice %arg17[%mul3A_9, %dma_wait3A_62] : memref<10240x8xf32, #tpu.memory_space<vmem_shared>> -> memref<640x8xf32, #tpu.memory_space<vmem_shared>>
      %dma_wait3A_64 = arith.constant 0 : i32
      %dma_wait3A_65 = tpu.memref_slice %arg17[%mul3A_9, %dma_wait3A_64] : memref<10240x8xf32, #tpu.memory_space<vmem_shared>> -> memref<640x8xf32, #tpu.memory_space<vmem_shared>>
      tpu.wait_dma2 semaphore(%run_scoped3A : memref<!tpu.dma_semaphore, #tpu.memory_space<semaphore_mem>>) src(%arg15 : memref<640x8xf32, #tpu.memory_space<vmem>>) dst(%dma_wait3A_65 : memref<640x8xf32, #tpu.memory_space<vmem_shared>>)
      tpu.yield
    }) : () -> ()
    %dma_wait3A_42 = tpu.memref_slice %arg6[%mul3A_2] : memref<12288xi32, #tpu.memory_space<hbm>> -> memref<384xi32, #tpu.memory_space<hbm>>
    %dma_wait3A_43 = tpu.memref_slice %arg6[%mul3A_2] : memref<12288xi32, #tpu.memory_space<hbm>> -> memref<384xi32, #tpu.memory_space<hbm>>
    tpu.wait_dma2 semaphore(%arg18 : memref<!tpu.dma_semaphore, #tpu.memory_space<semaphore_mem>>) src(%dma_wait3A_43 : memref<384xi32, #tpu.memory_space<hbm>>) dst(%arg9 : memref<384xi32, #tpu.memory_space<vmem>>)
    %barrier3A = arith.constant 0 : index
    tpu.barrier barrier_id(%barrier3A)
    %dma_start3A_44 = arith.constant 0 : i32
    %dma_start3A_45 = arith.constant 0 : i32
    %dma_start3A_46 = tpu.memref_slice %arg17[%dma_start3A_44, %dma_start3A_45] : memref<10240x8xf32, #tpu.memory_space<vmem_shared>> -> memref<10240x8xf32, #tpu.memory_space<vmem_shared>>
    tpu.enqueue_indirect_dma source(%dma_start3A_46 : memref<10240x8xf32, #tpu.memory_space<vmem_shared>>) target(%arg11 : memref<384x8xf32, #tpu.memory_space<vmem>>) offsets(%arg9 : memref<384xi32, #tpu.memory_space<vmem>>) semaphore(%arg21 : memref<!tpu.dma_semaphore, #tpu.memory_space<semaphore_mem>>)
    %dma_wait3A_47 = arith.constant 0 : i32
    %dma_wait3A_48 = arith.constant 0 : i32
    %dma_wait3A_49 = tpu.memref_slice %arg17[%dma_wait3A_47, %dma_wait3A_48] : memref<10240x8xf32, #tpu.memory_space<vmem_shared>> -> memref<10240x8xf32, #tpu.memory_space<vmem_shared>>
    tpu.wait_indirect_dma semaphore(%arg21 : memref<!tpu.dma_semaphore, #tpu.memory_space<semaphore_mem>>) src(%dma_wait3A_49 : memref<10240x8xf32, #tpu.memory_space<vmem_shared>>) dst(%arg11 : memref<384x8xf32, #tpu.memory_space<vmem>>)
    %dma_wait3A_50 = tpu.memref_slice %arg7[%mul3A_5] : memref<12288xi32, #tpu.memory_space<hbm>> -> memref<384xi32, #tpu.memory_space<hbm>>
    %dma_wait3A_51 = tpu.memref_slice %arg7[%mul3A_5] : memref<12288xi32, #tpu.memory_space<hbm>> -> memref<384xi32, #tpu.memory_space<hbm>>
    tpu.wait_dma2 semaphore(%arg19 : memref<!tpu.dma_semaphore, #tpu.memory_space<semaphore_mem>>) src(%dma_wait3A_51 : memref<384xi32, #tpu.memory_space<hbm>>) dst(%arg10 : memref<384xi32, #tpu.memory_space<vmem>>)
    tpu.wait_dma2 semaphore(%arg20 : memref<!tpu.dma_semaphore, #tpu.memory_space<semaphore_mem>>) src(%arg5 : memref<16384xf32, #tpu.memory_space<hbm>>) dst(%arg16 : memref<16384xf32, #tpu.memory_space<vmem>>)
    %scan3A_52 = arith.constant 0 : i32
    %scan3A_53 = arith.constant 0 : i32
    %scan3A_54 = arith.constant 24 : i32
    %scan3A_55 = arith.addi %scan3A_53, %scan3A_54 : i32
    %scan3A_56 = arith.constant 1 : i32
    scf.for %scan3A_58 = %scan3A_53 to %scan3A_55 step %scan3A_56  : i32 {
      %mul3A_59 = arith.constant 16 : i32
      %mul3A_60 = arith.muli %scan3A_58, %mul3A_59 : i32
      %get3A = arith.index_cast %mul3A_60 : i32 to index
      %get3A_61 = tpu.vector_load %arg10[%get3A] {strides = array<i32>} : memref<384xi32, #tpu.memory_space<vmem>>, vector<16xi32>,
      %mul3A_62 = arith.constant 16 : i32
      %mul3A_63 = arith.muli %scan3A_58, %mul3A_62 : i32
      %add3A_64 = arith.constant 0 : i32
      %add3A_65 = arith.addi %mul3A_63, %add3A_64 : i32
      %broadcast_in_dim3A = vector.broadcast %add3A_65 : i32 to vector<16xi32>
      %gather3A = tpu.vector_load_idx %arg11[%broadcast_in_dim3A, %and3A_34] : memref<384x8xf32, #tpu.memory_space<vmem>>[vector<16xi32>, vector<16xi32>], vector<16xf32>,
      %slice3A = vector.extract_strided_slice %get3A_61 {offsets = [0], sizes = [1], strides = [1]} : vector<16xi32> to vector<1xi32>
      %squeeze3A = vector.extract %slice3A[0] : i32 from vector<1xi32>
      %mul3A_66 = arith.constant 16 : i32
      %mul3A_67 = arith.muli %squeeze3A, %mul3A_66 : i32
      %get3A_68 = arith.index_cast %mul3A_67 : i32 to index
      %get3A_69 = tpu.vector_load %arg16[%get3A_68] {strides = array<i32>} : memref<16384xf32, #tpu.memory_space<vmem>>, vector<16xf32>,
      %max3A = arith.maximumf %get3A_69, %gather3A : vector<16xf32>
      %swap3A = arith.index_cast %mul3A_67 : i32 to index
      %swap3A_70 = tpu.vector_load %arg16[%swap3A] {strides = array<i32>} : memref<16384xf32, #tpu.memory_space<vmem>>, vector<16xf32>,
      tpu.vector_store %arg16[%swap3A], %max3A {strides = array<i32>} : memref<16384xf32, #tpu.memory_space<vmem>>, vector<16xf32>,
      %mul3A_71 = arith.constant 16 : i32
      %mul3A_72 = arith.muli %scan3A_58, %mul3A_71 : i32
      %add3A_73 = arith.constant 1 : i32
      %add3A_74 = arith.addi %mul3A_72, %add3A_73 : i32
      %broadcast_in_dim3A_75 = vector.broadcast %add3A_74 : i32 to vector<16xi32>
      %gather3A_76 = tpu.vector_load_idx %arg11[%broadcast_in_dim3A_75, %and3A_34] : memref<384x8xf32, #tpu.memory_space<vmem>>[vector<16xi32>, vector<16xi32>], vector<16xf32>,
      %slice3A_77 = vector.extract_strided_slice %get3A_61 {offsets = [1], sizes = [1], strides = [1]} : vector<16xi32> to vector<1xi32>
      %squeeze3A_78 = vector.extract %slice3A_77[0] : i32 from vector<1xi32>
      %mul3A_79 = arith.constant 16 : i32
      %mul3A_80 = arith.muli %squeeze3A_78, %mul3A_79 : i32
      %get3A_81 = arith.index_cast %mul3A_80 : i32 to index
      %get3A_82 = tpu.vector_load %arg16[%get3A_81] {strides = array<i32>} : memref<16384xf32, #tpu.memory_space<vmem>>, vector<16xf32>,
      %max3A_83 = arith.maximumf %get3A_82, %gather3A_76 : vector<16xf32>
      %swap3A_84 = arith.index_cast %mul3A_80 : i32 to index
      %swap3A_85 = tpu.vector_load %arg16[%swap3A_84] {strides = array<i32>} : memref<16384xf32, #tpu.memory_space<vmem>>, vector<16xf32>,
      tpu.vector_store %arg16[%swap3A_84], %max3A_83 {strides = array<i32>} : memref<16384xf32, #tpu.memory_space<vmem>>, vector<16xf32>,
      %mul3A_86 = arith.constant 16 : i32
      %mul3A_87 = arith.muli %scan3A_58, %mul3A_86 : i32
      %add3A_88 = arith.constant 2 : i32
      %add3A_89 = arith.addi %mul3A_87, %add3A_88 : i32
      %broadcast_in_dim3A_90 = vector.broadcast %add3A_89 : i32 to vector<16xi32>
      %gather3A_91 = tpu.vector_load_idx %arg11[%broadcast_in_dim3A_90, %and3A_34] : memref<384x8xf32, #tpu.memory_space<vmem>>[vector<16xi32>, vector<16xi32>], vector<16xf32>,
      %slice3A_92 = vector.extract_strided_slice %get3A_61 {offsets = [2], sizes = [1], strides = [1]} : vector<16xi32> to vector<1xi32>
      %squeeze3A_93 = vector.extract %slice3A_92[0] : i32 from vector<1xi32>
      %mul3A_94 = arith.constant 16 : i32
      %mul3A_95 = arith.muli %squeeze3A_93, %mul3A_94 : i32
      %get3A_96 = arith.index_cast %mul3A_95 : i32 to index
      %get3A_97 = tpu.vector_load %arg16[%get3A_96] {strides = array<i32>} : memref<16384xf32, #tpu.memory_space<vmem>>, vector<16xf32>,
      %max3A_98 = arith.maximumf %get3A_97, %gather3A_91 : vector<16xf32>
      %swap3A_99 = arith.index_cast %mul3A_95 : i32 to index
      %swap3A_100 = tpu.vector_load %arg16[%swap3A_99] {strides = array<i32>} : memref<16384xf32, #tpu.memory_space<vmem>>, vector<16xf32>,
      tpu.vector_store %arg16[%swap3A_99], %max3A_98 {strides = array<i32>} : memref<16384xf32, #tpu.memory_space<vmem>>, vector<16xf32>,
      %mul3A_101 = arith.constant 16 : i32
      %mul3A_102 = arith.muli %scan3A_58, %mul3A_101 : i32
      %add3A_103 = arith.constant 3 : i32
      %add3A_104 = arith.addi %mul3A_102, %add3A_103 : i32
      %broadcast_in_dim3A_105 = vector.broadcast %add3A_104 : i32 to vector<16xi32>
      %gather3A_106 = tpu.vector_load_idx %arg11[%broadcast_in_dim3A_105, %and3A_34] : memref<384x8xf32, #tpu.memory_space<vmem>>[vector<16xi32>, vector<16xi32>], vector<16xf32>,
      %slice3A_107 = vector.extract_strided_slice %get3A_61 {offsets = [3], sizes = [1], strides = [1]} : vector<16xi32> to vector<1xi32>
      %squeeze3A_108 = vector.extract %slice3A_107[0] : i32 from vector<1xi32>
      %mul3A_109 = arith.constant 16 : i32
      %mul3A_110 = arith.muli %squeeze3A_108, %mul3A_109 : i32
      %get3A_111 = arith.index_cast %mul3A_110 : i32 to index
      %get3A_112 = tpu.vector_load %arg16[%get3A_111] {strides = array<i32>} : memref<16384xf32, #tpu.memory_space<vmem>>, vector<16xf32>,
      %max3A_113 = arith.maximumf %get3A_112, %gather3A_106 : vector<16xf32>
      %swap3A_114 = arith.index_cast %mul3A_110 : i32 to index
      %swap3A_115 = tpu.vector_load %arg16[%swap3A_114] {strides = array<i32>} : memref<16384xf32, #tpu.memory_space<vmem>>, vector<16xf32>,
      tpu.vector_store %arg16[%swap3A_114], %max3A_113 {strides = array<i32>} : memref<16384xf32, #tpu.memory_space<vmem>>, vector<16xf32>,
      %mul3A_116 = arith.constant 16 : i32
      %mul3A_117 = arith.muli %scan3A_58, %mul3A_116 : i32
      %add3A_118 = arith.constant 4 : i32
      %add3A_119 = arith.addi %mul3A_117, %add3A_118 : i32
      %broadcast_in_dim3A_120 = vector.broadcast %add3A_119 : i32 to vector<16xi32>
      %gather3A_121 = tpu.vector_load_idx %arg11[%broadcast_in_dim3A_120, %and3A_34] : memref<384x8xf32, #tpu.memory_space<vmem>>[vector<16xi32>, vector<16xi32>], vector<16xf32>,
      %slice3A_122 = vector.extract_strided_slice %get3A_61 {offsets = [4], sizes = [1], strides = [1]} : vector<16xi32> to vector<1xi32>
      %squeeze3A_123 = vector.extract %slice3A_122[0] : i32 from vector<1xi32>
      %mul3A_124 = arith.constant 16 : i32
      %mul3A_125 = arith.muli %squeeze3A_123, %mul3A_124 : i32
      %get3A_126 = arith.index_cast %mul3A_125 : i32 to index
      %get3A_127 = tpu.vector_load %arg16[%get3A_126] {strides = array<i32>} : memref<16384xf32, #tpu.memory_space<vmem>>, vector<16xf32>,
      %max3A_128 = arith.maximumf %get3A_127, %gather3A_121 : vector<16xf32>
      %swap3A_129 = arith.index_cast %mul3A_125 : i32 to index
      %swap3A_130 = tpu.vector_load %arg16[%swap3A_129] {strides = array<i32>} : memref<16384xf32, #tpu.memory_space<vmem>>, vector<16xf32>,
      tpu.vector_store %arg16[%swap3A_129], %max3A_128 {strides = array<i32>} : memref<16384xf32, #tpu.memory_space<vmem>>, vector<16xf32>,
      %mul3A_131 = arith.constant 16 : i32
      %mul3A_132 = arith.muli %scan3A_58, %mul3A_131 : i32
      %add3A_133 = arith.constant 5 : i32
      %add3A_134 = arith.addi %mul3A_132, %add3A_133 : i32
      %broadcast_in_dim3A_135 = vector.broadcast %add3A_134 : i32 to vector<16xi32>
      %gather3A_136 = tpu.vector_load_idx %arg11[%broadcast_in_dim3A_135, %and3A_34] : memref<384x8xf32, #tpu.memory_space<vmem>>[vector<16xi32>, vector<16xi32>], vector<16xf32>,
      %slice3A_137 = vector.extract_strided_slice %get3A_61 {offsets = [5], sizes = [1], strides = [1]} : vector<16xi32> to vector<1xi32>
      %squeeze3A_138 = vector.extract %slice3A_137[0] : i32 from vector<1xi32>
      %mul3A_139 = arith.constant 16 : i32
      %mul3A_140 = arith.muli %squeeze3A_138, %mul3A_139 : i32
      %get3A_141 = arith.index_cast %mul3A_140 : i32 to index
      %get3A_142 = tpu.vector_load %arg16[%get3A_141] {strides = array<i32>} : memref<16384xf32, #tpu.memory_space<vmem>>, vector<16xf32>,
      %max3A_143 = arith.maximumf %get3A_142, %gather3A_136 : vector<16xf32>
      %swap3A_144 = arith.index_cast %mul3A_140 : i32 to index
      %swap3A_145 = tpu.vector_load %arg16[%swap3A_144] {strides = array<i32>} : memref<16384xf32, #tpu.memory_space<vmem>>, vector<16xf32>,
      tpu.vector_store %arg16[%swap3A_144], %max3A_143 {strides = array<i32>} : memref<16384xf32, #tpu.memory_space<vmem>>, vector<16xf32>,
      %mul3A_146 = arith.constant 16 : i32
      %mul3A_147 = arith.muli %scan3A_58, %mul3A_146 : i32
      %add3A_148 = arith.constant 6 : i32
      %add3A_149 = arith.addi %mul3A_147, %add3A_148 : i32
      %broadcast_in_dim3A_150 = vector.broadcast %add3A_149 : i32 to vector<16xi32>
      %gather3A_151 = tpu.vector_load_idx %arg11[%broadcast_in_dim3A_150, %and3A_34] : memref<384x8xf32, #tpu.memory_space<vmem>>[vector<16xi32>, vector<16xi32>], vector<16xf32>,
      %slice3A_152 = vector.extract_strided_slice %get3A_61 {offsets = [6], sizes = [1], strides = [1]} : vector<16xi32> to vector<1xi32>
      %squeeze3A_153 = vector.extract %slice3A_152[0] : i32 from vector<1xi32>
      %mul3A_154 = arith.constant 16 : i32
      %mul3A_155 = arith.muli %squeeze3A_153, %mul3A_154 : i32
      %get3A_156 = arith.index_cast %mul3A_155 : i32 to index
      %get3A_157 = tpu.vector_load %arg16[%get3A_156] {strides = array<i32>} : memref<16384xf32, #tpu.memory_space<vmem>>, vector<16xf32>,
      %max3A_158 = arith.maximumf %get3A_157, %gather3A_151 : vector<16xf32>
      %swap3A_159 = arith.index_cast %mul3A_155 : i32 to index
      %swap3A_160 = tpu.vector_load %arg16[%swap3A_159] {strides = array<i32>} : memref<16384xf32, #tpu.memory_space<vmem>>, vector<16xf32>,
      tpu.vector_store %arg16[%swap3A_159], %max3A_158 {strides = array<i32>} : memref<16384xf32, #tpu.memory_space<vmem>>, vector<16xf32>,
      %mul3A_161 = arith.constant 16 : i32
      %mul3A_162 = arith.muli %scan3A_58, %mul3A_161 : i32
      %add3A_163 = arith.constant 7 : i32
      %add3A_164 = arith.addi %mul3A_162, %add3A_163 : i32
      %broadcast_in_dim3A_165 = vector.broadcast %add3A_164 : i32 to vector<16xi32>
      %gather3A_166 = tpu.vector_load_idx %arg11[%broadcast_in_dim3A_165, %and3A_34] : memref<384x8xf32, #tpu.memory_space<vmem>>[vector<16xi32>, vector<16xi32>], vector<16xf32>,
      %slice3A_167 = vector.extract_strided_slice %get3A_61 {offsets = [7], sizes = [1], strides = [1]} : vector<16xi32> to vector<1xi32>
      %squeeze3A_168 = vector.extract %slice3A_167[0] : i32 from vector<1xi32>
      %mul3A_169 = arith.constant 16 : i32
      %mul3A_170 = arith.muli %squeeze3A_168, %mul3A_169 : i32
      %get3A_171 = arith.index_cast %mul3A_170 : i32 to index
      %get3A_172 = tpu.vector_load %arg16[%get3A_171] {strides = array<i32>} : memref<16384xf32, #tpu.memory_space<vmem>>, vector<16xf32>,
      %max3A_173 = arith.maximumf %get3A_172, %gather3A_166 : vector<16xf32>
      %swap3A_174 = arith.index_cast %mul3A_170 : i32 to index
      %swap3A_175 = tpu.vector_load %arg16[%swap3A_174] {strides = array<i32>} : memref<16384xf32, #tpu.memory_space<vmem>>, vector<16xf32>,
      tpu.vector_store %arg16[%swap3A_174], %max3A_173 {strides = array<i32>} : memref<16384xf32, #tpu.memory_space<vmem>>, vector<16xf32>,
      %mul3A_176 = arith.constant 16 : i32
      %mul3A_177 = arith.muli %scan3A_58, %mul3A_176 : i32
      %add3A_178 = arith.constant 8 : i32
      %add3A_179 = arith.addi %mul3A_177, %add3A_178 : i32
      %broadcast_in_dim3A_180 = vector.broadcast %add3A_179 : i32 to vector<16xi32>
      %gather3A_181 = tpu.vector_load_idx %arg11[%broadcast_in_dim3A_180, %and3A_34] : memref<384x8xf32, #tpu.memory_space<vmem>>[vector<16xi32>, vector<16xi32>], vector<16xf32>,
      %slice3A_182 = vector.extract_strided_slice %get3A_61 {offsets = [8], sizes = [1], strides = [1]} : vector<16xi32> to vector<1xi32>
      %squeeze3A_183 = vector.extract %slice3A_182[0] : i32 from vector<1xi32>
      %mul3A_184 = arith.constant 16 : i32
      %mul3A_185 = arith.muli %squeeze3A_183, %mul3A_184 : i32
      %get3A_186 = arith.index_cast %mul3A_185 : i32 to index
      %get3A_187 = tpu.vector_load %arg16[%get3A_186] {strides = array<i32>} : memref<16384xf32, #tpu.memory_space<vmem>>, vector<16xf32>,
      %max3A_188 = arith.maximumf %get3A_187, %gather3A_181 : vector<16xf32>
      %swap3A_189 = arith.index_cast %mul3A_185 : i32 to index
      %swap3A_190 = tpu.vector_load %arg16[%swap3A_189] {strides = array<i32>} : memref<16384xf32, #tpu.memory_space<vmem>>, vector<16xf32>,
      tpu.vector_store %arg16[%swap3A_189], %max3A_188 {strides = array<i32>} : memref<16384xf32, #tpu.memory_space<vmem>>, vector<16xf32>,
      %mul3A_191 = arith.constant 16 : i32
      %mul3A_192 = arith.muli %scan3A_58, %mul3A_191 : i32
      %add3A_193 = arith.constant 9 : i32
      %add3A_194 = arith.addi %mul3A_192, %add3A_193 : i32
      %broadcast_in_dim3A_195 = vector.broadcast %add3A_194 : i32 to vector<16xi32>
      %gather3A_196 = tpu.vector_load_idx %arg11[%broadcast_in_dim3A_195, %and3A_34] : memref<384x8xf32, #tpu.memory_space<vmem>>[vector<16xi32>, vector<16xi32>], vector<16xf32>,
      %slice3A_197 = vector.extract_strided_slice %get3A_61 {offsets = [9], sizes = [1], strides = [1]} : vector<16xi32> to vector<1xi32>
      %squeeze3A_198 = vector.extract %slice3A_197[0] : i32 from vector<1xi32>
      %mul3A_199 = arith.constant 16 : i32
      %mul3A_200 = arith.muli %squeeze3A_198, %mul3A_199 : i32
      %get3A_201 = arith.index_cast %mul3A_200 : i32 to index
      %get3A_202 = tpu.vector_load %arg16[%get3A_201] {strides = array<i32>} : memref<16384xf32, #tpu.memory_space<vmem>>, vector<16xf32>,
      %max3A_203 = arith.maximumf %get3A_202, %gather3A_196 : vector<16xf32>
      %swap3A_204 = arith.index_cast %mul3A_200 : i32 to index
      %swap3A_205 = tpu.vector_load %arg16[%swap3A_204] {strides = array<i32>} : memref<16384xf32, #tpu.memory_space<vmem>>, vector<16xf32>,
      tpu.vector_store %arg16[%swap3A_204], %max3A_203 {strides = array<i32>} : memref<16384xf32, #tpu.memory_space<vmem>>, vector<16xf32>,
      %mul3A_206 = arith.constant 16 : i32
      %mul3A_207 = arith.muli %scan3A_58, %mul3A_206 : i32
      %add3A_208 = arith.constant 10 : i32
      %add3A_209 = arith.addi %mul3A_207, %add3A_208 : i32
      %broadcast_in_dim3A_210 = vector.broadcast %add3A_209 : i32 to vector<16xi32>
      %gather3A_211 = tpu.vector_load_idx %arg11[%broadcast_in_dim3A_210, %and3A_34] : memref<384x8xf32, #tpu.memory_space<vmem>>[vector<16xi32>, vector<16xi32>], vector<16xf32>,
      %slice3A_212 = vector.extract_strided_slice %get3A_61 {offsets = [10], sizes = [1], strides = [1]} : vector<16xi32> to vector<1xi32>
      %squeeze3A_213 = vector.extract %slice3A_212[0] : i32 from vector<1xi32>
      %mul3A_214 = arith.constant 16 : i32
      %mul3A_215 = arith.muli %squeeze3A_213, %mul3A_214 : i32
      %get3A_216 = arith.index_cast %mul3A_215 : i32 to index
      %get3A_217 = tpu.vector_load %arg16[%get3A_216] {strides = array<i32>} : memref<16384xf32, #tpu.memory_space<vmem>>, vector<16xf32>,
      %max3A_218 = arith.maximumf %get3A_217, %gather3A_211 : vector<16xf32>
      %swap3A_219 = arith.index_cast %mul3A_215 : i32 to index
      %swap3A_220 = tpu.vector_load %arg16[%swap3A_219] {strides = array<i32>} : memref<16384xf32, #tpu.memory_space<vmem>>, vector<16xf32>,
      tpu.vector_store %arg16[%swap3A_219], %max3A_218 {strides = array<i32>} : memref<16384xf32, #tpu.memory_space<vmem>>, vector<16xf32>,
      %mul3A_221 = arith.constant 16 : i32
      %mul3A_222 = arith.muli %scan3A_58, %mul3A_221 : i32
      %add3A_223 = arith.constant 11 : i32
      %add3A_224 = arith.addi %mul3A_222, %add3A_223 : i32
      %broadcast_in_dim3A_225 = vector.broadcast %add3A_224 : i32 to vector<16xi32>
      %gather3A_226 = tpu.vector_load_idx %arg11[%broadcast_in_dim3A_225, %and3A_34] : memref<384x8xf32, #tpu.memory_space<vmem>>[vector<16xi32>, vector<16xi32>], vector<16xf32>,
      %slice3A_227 = vector.extract_strided_slice %get3A_61 {offsets = [11], sizes = [1], strides = [1]} : vector<16xi32> to vector<1xi32>
      %squeeze3A_228 = vector.extract %slice3A_227[0] : i32 from vector<1xi32>
      %mul3A_229 = arith.constant 16 : i32
      %mul3A_230 = arith.muli %squeeze3A_228, %mul3A_229 : i32
      %get3A_231 = arith.index_cast %mul3A_230 : i32 to index
      %get3A_232 = tpu.vector_load %arg16[%get3A_231] {strides = array<i32>} : memref<16384xf32, #tpu.memory_space<vmem>>, vector<16xf32>,
      %max3A_233 = arith.maximumf %get3A_232, %gather3A_226 : vector<16xf32>
      %swap3A_234 = arith.index_cast %mul3A_230 : i32 to index
      %swap3A_235 = tpu.vector_load %arg16[%swap3A_234] {strides = array<i32>} : memref<16384xf32, #tpu.memory_space<vmem>>, vector<16xf32>,
      tpu.vector_store %arg16[%swap3A_234], %max3A_233 {strides = array<i32>} : memref<16384xf32, #tpu.memory_space<vmem>>, vector<16xf32>,
      %mul3A_236 = arith.constant 16 : i32
      %mul3A_237 = arith.muli %scan3A_58, %mul3A_236 : i32
      %add3A_238 = arith.constant 12 : i32
      %add3A_239 = arith.addi %mul3A_237, %add3A_238 : i32
      %broadcast_in_dim3A_240 = vector.broadcast %add3A_239 : i32 to vector<16xi32>
      %gather3A_241 = tpu.vector_load_idx %arg11[%broadcast_in_dim3A_240, %and3A_34] : memref<384x8xf32, #tpu.memory_space<vmem>>[vector<16xi32>, vector<16xi32>], vector<16xf32>,
      %slice3A_242 = vector.extract_strided_slice %get3A_61 {offsets = [12], sizes = [1], strides = [1]} : vector<16xi32> to vector<1xi32>
      %squeeze3A_243 = vector.extract %slice3A_242[0] : i32 from vector<1xi32>
      %mul3A_244 = arith.constant 16 : i32
      %mul3A_245 = arith.muli %squeeze3A_243, %mul3A_244 : i32
      %get3A_246 = arith.index_cast %mul3A_245 : i32 to index
      %get3A_247 = tpu.vector_load %arg16[%get3A_246] {strides = array<i32>} : memref<16384xf32, #tpu.memory_space<vmem>>, vector<16xf32>,
      %max3A_248 = arith.maximumf %get3A_247, %gather3A_241 : vector<16xf32>
      %swap3A_249 = arith.index_cast %mul3A_245 : i32 to index
      %swap3A_250 = tpu.vector_load %arg16[%swap3A_249] {strides = array<i32>} : memref<16384xf32, #tpu.memory_space<vmem>>, vector<16xf32>,
      tpu.vector_store %arg16[%swap3A_249], %max3A_248 {strides = array<i32>} : memref<16384xf32, #tpu.memory_space<vmem>>, vector<16xf32>,
      %mul3A_251 = arith.constant 16 : i32
      %mul3A_252 = arith.muli %scan3A_58, %mul3A_251 : i32
      %add3A_253 = arith.constant 13 : i32
      %add3A_254 = arith.addi %mul3A_252, %add3A_253 : i32
      %broadcast_in_dim3A_255 = vector.broadcast %add3A_254 : i32 to vector<16xi32>
      %gather3A_256 = tpu.vector_load_idx %arg11[%broadcast_in_dim3A_255, %and3A_34] : memref<384x8xf32, #tpu.memory_space<vmem>>[vector<16xi32>, vector<16xi32>], vector<16xf32>,
      %slice3A_257 = vector.extract_strided_slice %get3A_61 {offsets = [13], sizes = [1], strides = [1]} : vector<16xi32> to vector<1xi32>
      %squeeze3A_258 = vector.extract %slice3A_257[0] : i32 from vector<1xi32>
      %mul3A_259 = arith.constant 16 : i32
      %mul3A_260 = arith.muli %squeeze3A_258, %mul3A_259 : i32
      %get3A_261 = arith.index_cast %mul3A_260 : i32 to index
      %get3A_262 = tpu.vector_load %arg16[%get3A_261] {strides = array<i32>} : memref<16384xf32, #tpu.memory_space<vmem>>, vector<16xf32>,
      %max3A_263 = arith.maximumf %get3A_262, %gather3A_256 : vector<16xf32>
      %swap3A_264 = arith.index_cast %mul3A_260 : i32 to index
      %swap3A_265 = tpu.vector_load %arg16[%swap3A_264] {strides = array<i32>} : memref<16384xf32, #tpu.memory_space<vmem>>, vector<16xf32>,
      tpu.vector_store %arg16[%swap3A_264], %max3A_263 {strides = array<i32>} : memref<16384xf32, #tpu.memory_space<vmem>>, vector<16xf32>,
      %mul3A_266 = arith.constant 16 : i32
      %mul3A_267 = arith.muli %scan3A_58, %mul3A_266 : i32
      %add3A_268 = arith.constant 14 : i32
      %add3A_269 = arith.addi %mul3A_267, %add3A_268 : i32
      %broadcast_in_dim3A_270 = vector.broadcast %add3A_269 : i32 to vector<16xi32>
      %gather3A_271 = tpu.vector_load_idx %arg11[%broadcast_in_dim3A_270, %and3A_34] : memref<384x8xf32, #tpu.memory_space<vmem>>[vector<16xi32>, vector<16xi32>], vector<16xf32>,
      %slice3A_272 = vector.extract_strided_slice %get3A_61 {offsets = [14], sizes = [1], strides = [1]} : vector<16xi32> to vector<1xi32>
      %squeeze3A_273 = vector.extract %slice3A_272[0] : i32 from vector<1xi32>
      %mul3A_274 = arith.constant 16 : i32
      %mul3A_275 = arith.muli %squeeze3A_273, %mul3A_274 : i32
      %get3A_276 = arith.index_cast %mul3A_275 : i32 to index
      %get3A_277 = tpu.vector_load %arg16[%get3A_276] {strides = array<i32>} : memref<16384xf32, #tpu.memory_space<vmem>>, vector<16xf32>,
      %max3A_278 = arith.maximumf %get3A_277, %gather3A_271 : vector<16xf32>
      %swap3A_279 = arith.index_cast %mul3A_275 : i32 to index
      %swap3A_280 = tpu.vector_load %arg16[%swap3A_279] {strides = array<i32>} : memref<16384xf32, #tpu.memory_space<vmem>>, vector<16xf32>,
      tpu.vector_store %arg16[%swap3A_279], %max3A_278 {strides = array<i32>} : memref<16384xf32, #tpu.memory_space<vmem>>, vector<16xf32>,
      %mul3A_281 = arith.constant 16 : i32
      %mul3A_282 = arith.muli %scan3A_58, %mul3A_281 : i32
      %add3A_283 = arith.constant 15 : i32
      %add3A_284 = arith.addi %mul3A_282, %add3A_283 : i32
      %broadcast_in_dim3A_285 = vector.broadcast %add3A_284 : i32 to vector<16xi32>
      %gather3A_286 = tpu.vector_load_idx %arg11[%broadcast_in_dim3A_285, %and3A_34] : memref<384x8xf32, #tpu.memory_space<vmem>>[vector<16xi32>, vector<16xi32>], vector<16xf32>,
      %slice3A_287 = vector.extract_strided_slice %get3A_61 {offsets = [15], sizes = [1], strides = [1]} : vector<16xi32> to vector<1xi32>
      %squeeze3A_288 = vector.extract %slice3A_287[0] : i32 from vector<1xi32>
      %mul3A_289 = arith.constant 16 : i32
      %mul3A_290 = arith.muli %squeeze3A_288, %mul3A_289 : i32
      %get3A_291 = arith.index_cast %mul3A_290 : i32 to index
      %get3A_292 = tpu.vector_load %arg16[%get3A_291] {strides = array<i32>} : memref<16384xf32, #tpu.memory_space<vmem>>, vector<16xf32>,
      %max3A_293 = arith.maximumf %get3A_292, %gather3A_286 : vector<16xf32>
      %swap3A_294 = arith.index_cast %mul3A_290 : i32 to index
      %swap3A_295 = tpu.vector_load %arg16[%swap3A_294] {strides = array<i32>} : memref<16384xf32, #tpu.memory_space<vmem>>, vector<16xf32>,
      tpu.vector_store %arg16[%swap3A_294], %max3A_293 {strides = array<i32>} : memref<16384xf32, #tpu.memory_space<vmem>>, vector<16xf32>,
    }
    %scan3A_57 = arith.constant 24 : i32
    "tpu.region"() ({
      %run_scoped3A = tpu.sem_alloc : memref<!tpu.dma_semaphore, #tpu.memory_space<semaphore_mem>>
      %dma_start3A_58 = arith.constant 0 : i32
      %dma_start3A_59 = tpu.memref_slice %arg8[%add3A, %dma_start3A_58] : memref<32x16384xf32, #tpu.memory_space<hbm>> -> memref<1x16384xf32, #tpu.memory_space<hbm>>
      %dma_start3A_60 = tpu.memref_squeeze %dma_start3A_59 : memref<1x16384xf32, #tpu.memory_space<hbm>> -> memref<16384xf32, #tpu.memory_space<hbm>>
      %dma_start3A_61 = arith.constant 0 : i32
      %dma_start3A_62 = tpu.memref_slice %arg8[%add3A, %dma_start3A_61] : memref<32x16384xf32, #tpu.memory_space<hbm>> -> memref<1x16384xf32, #tpu.memory_space<hbm>>
      %dma_start3A_63 = tpu.memref_squeeze %dma_start3A_62 : memref<1x16384xf32, #tpu.memory_space<hbm>> -> memref<16384xf32, #tpu.memory_space<hbm>>
      tpu.enqueue_dma source(%arg16 : memref<16384xf32, #tpu.memory_space<vmem>>) target(%dma_start3A_63 : memref<16384xf32, #tpu.memory_space<hbm>>) target_semaphore(%run_scoped3A : memref<!tpu.dma_semaphore, #tpu.memory_space<semaphore_mem>>)
      %dma_wait3A_64 = arith.constant 0 : i32
      %dma_wait3A_65 = tpu.memref_slice %arg8[%add3A, %dma_wait3A_64] : memref<32x16384xf32, #tpu.memory_space<hbm>> -> memref<1x16384xf32, #tpu.memory_space<hbm>>
      %dma_wait3A_66 = tpu.memref_squeeze %dma_wait3A_65 : memref<1x16384xf32, #tpu.memory_space<hbm>> -> memref<16384xf32, #tpu.memory_space<hbm>>
      %dma_wait3A_67 = arith.constant 0 : i32
      %dma_wait3A_68 = tpu.memref_slice %arg8[%add3A, %dma_wait3A_67] : memref<32x16384xf32, #tpu.memory_space<hbm>> -> memref<1x16384xf32, #tpu.memory_space<hbm>>
      %dma_wait3A_69 = tpu.memref_squeeze %dma_wait3A_68 : memref<1x16384xf32, #tpu.memory_space<hbm>> -> memref<16384xf32, #tpu.memory_space<hbm>>
      tpu.wait_dma2 semaphore(%run_scoped3A : memref<!tpu.dma_semaphore, #tpu.memory_space<semaphore_mem>>) src(%arg16 : memref<16384xf32, #tpu.memory_space<vmem>>) dst(%dma_wait3A_69 : memref<16384xf32, #tpu.memory_space<hbm>>)
      tpu.yield
    }) : () -> ()
    return
  }
}

module attributes {stable_mosaic.version = 14 : i64} {
  func.func @_tc_gemm_body(%arg0: memref<10000x128xf32, #tpu.memory_space<vmem>>, %arg1: memref<128x16xf32, #tpu.memory_space<vmem>>, %arg2: memref<1x16xf32, #tpu.memory_space<vmem>>, %arg3: memref<10000x8xf32, #tpu.memory_space<vmem>>, %arg4: memref<10000x8xf32, #tpu.memory_space<vmem>>) attributes {dimension_semantics = [], scalar_prefetch = 0 : i64, scratch_operands = 0 : i64, tpu.core_type = #tpu.core_type<tc>} {
    %get3A = arith.constant 0 : index
    %get3A_0 = arith.constant 0 : index
    %get3A_1 = vector.load %arg0[%get3A, %get3A_0] : memref<10000x128xf32, #tpu.memory_space<vmem>>, vector<10000x128xf32>
    %get3A_2 = arith.constant 0 : index
    %get3A_3 = arith.constant 0 : index
    %get3A_4 = vector.load %arg1[%get3A_2, %get3A_3] : memref<128x16xf32, #tpu.memory_space<vmem>>, vector<128x16xf32>
    %dot_general3A = arith.constant dense<0.000000e+00> : vector<10000x16xf32>
    %dot_general3A_5 = tpu.matmul %get3A_1, %get3A_4, %dot_general3A {dimension_numbers = #tpu.dot_dimension_numbers<[1], [0], [0], [1], [0, 0, 1, 1], [], []>, transpose_lhs_hint = false} : vector<10000x128xf32>, vector<128x16xf32>, vector<10000x16xf32> -> vector<10000x16xf32>
    %get3A_6 = arith.constant 0 : index
    %get3A_7 = arith.constant 0 : index
    %get3A_8 = vector.load %arg2[%get3A_6, %get3A_7] : memref<1x16xf32, #tpu.memory_space<vmem>>, vector<1x16xf32>
    %add3A = vector.broadcast %get3A_8 : vector<1x16xf32> to vector<10000x16xf32>
    %add3A_9 = arith.addf %dot_general3A_5, %add3A : vector<10000x16xf32>
    %slice3A = vector.extract_strided_slice %add3A_9 {offsets = [0, 0], sizes = [10000, 8], strides = [1, 1]} : vector<10000x16xf32> to vector<10000x8xf32>
    %swap3A = arith.constant 0 : index
    %swap3A_10 = arith.constant 0 : index
    %swap3A_11 = vector.load %arg3[%swap3A, %swap3A_10] : memref<10000x8xf32, #tpu.memory_space<vmem>>, vector<10000x8xf32>
    tpu.vector_store %arg3[%swap3A, %swap3A_10], %slice3A {strides = array<i32>} : memref<10000x8xf32, #tpu.memory_space<vmem>>, vector<10000x8xf32>,
    %slice3A_12 = vector.extract_strided_slice %add3A_9 {offsets = [0, 8], sizes = [10000, 8], strides = [1, 1]} : vector<10000x16xf32> to vector<10000x8xf32>
    %swap3A_13 = arith.constant 0 : index
    %swap3A_14 = arith.constant 0 : index
    %swap3A_15 = vector.load %arg4[%swap3A_13, %swap3A_14] : memref<10000x8xf32, #tpu.memory_space<vmem>>, vector<10000x8xf32>
    tpu.vector_store %arg4[%swap3A_13, %swap3A_14], %slice3A_12 {strides = array<i32>} : memref<10000x8xf32, #tpu.memory_space<vmem>>, vector<10000x8xf32>,
    return
  }
}

module attributes {stable_mosaic.version = 14 : i64} {
  func.func @_tc_cluster_body(%arg0: memref<1024x128xf32, #tpu.memory_space<vmem>>, %arg1: memref<32x1024x16xf32, #tpu.memory_space<vmem>>, %arg2: memref<128x16xf32, #tpu.memory_space<vmem>>, %arg3: memref<16x16xf32, #tpu.memory_space<vmem>>, %arg4: memref<1x16xf32, #tpu.memory_space<vmem>>, %arg5: memref<1024x8xf32, #tpu.memory_space<vmem>>, %arg6: memref<1024x8xf32, #tpu.memory_space<vmem>>) attributes {dimension_semantics = [], scalar_prefetch = 0 : i64, scratch_operands = 0 : i64, tpu.core_type = #tpu.core_type<tc>} {
    %get3A = arith.constant 0 : index
    %get3A_0 = arith.constant 0 : index
    %get3A_1 = arith.constant 0 : index
    %get3A_2 = vector.load %arg1[%get3A, %get3A_0, %get3A_1] : memref<32x1024x16xf32, #tpu.memory_space<vmem>>, vector<32x1024x16xf32>
    %reduce_max3A = arith.constant dense<0xFF800000> : vector<1024x16xf32>
    %reduce_max3A_3 = vector.multi_reduction <maximumf>, %get3A_2, %reduce_max3A [0] : vector<32x1024x16xf32> to vector<1024x16xf32>
    %get3A_4 = arith.constant 0 : index
    %get3A_5 = arith.constant 0 : index
    %get3A_6 = vector.load %arg0[%get3A_4, %get3A_5] : memref<1024x128xf32, #tpu.memory_space<vmem>>, vector<1024x128xf32>
    %get3A_7 = arith.constant 0 : index
    %get3A_8 = arith.constant 0 : index
    %get3A_9 = vector.load %arg2[%get3A_7, %get3A_8] : memref<128x16xf32, #tpu.memory_space<vmem>>, vector<128x16xf32>
    %dot_general3A = arith.constant dense<0.000000e+00> : vector<1024x16xf32>
    %dot_general3A_10 = tpu.matmul %get3A_6, %get3A_9, %dot_general3A {dimension_numbers = #tpu.dot_dimension_numbers<[1], [0], [0], [1], [0, 0, 1, 1], [], []>, transpose_lhs_hint = false} : vector<1024x128xf32>, vector<128x16xf32>, vector<1024x16xf32> -> vector<1024x16xf32>
    %get3A_11 = arith.constant 0 : index
    %get3A_12 = arith.constant 0 : index
    %get3A_13 = vector.load %arg3[%get3A_11, %get3A_12] : memref<16x16xf32, #tpu.memory_space<vmem>>, vector<16x16xf32>
    %dot_general3A_14 = arith.constant dense<0.000000e+00> : vector<1024x16xf32>
    %dot_general3A_15 = tpu.matmul %reduce_max3A_3, %get3A_13, %dot_general3A_14 {dimension_numbers = #tpu.dot_dimension_numbers<[1], [0], [0], [1], [0, 0, 1, 1], [], []>, transpose_lhs_hint = false} : vector<1024x16xf32>, vector<16x16xf32>, vector<1024x16xf32> -> vector<1024x16xf32>
    %add3A = arith.addf %dot_general3A_10, %dot_general3A_15 : vector<1024x16xf32>
    %get3A_16 = arith.constant 0 : index
    %get3A_17 = arith.constant 0 : index
    %get3A_18 = vector.load %arg4[%get3A_16, %get3A_17] : memref<1x16xf32, #tpu.memory_space<vmem>>, vector<1x16xf32>
    %add3A_19 = vector.broadcast %get3A_18 : vector<1x16xf32> to vector<1024x16xf32>
    %add3A_20 = arith.addf %add3A, %add3A_19 : vector<1024x16xf32>
    %slice3A = vector.extract_strided_slice %add3A_20 {offsets = [0, 0], sizes = [1024, 8], strides = [1, 1]} : vector<1024x16xf32> to vector<1024x8xf32>
    %swap3A = arith.constant 0 : index
    %swap3A_21 = arith.constant 0 : index
    %swap3A_22 = vector.load %arg5[%swap3A, %swap3A_21] : memref<1024x8xf32, #tpu.memory_space<vmem>>, vector<1024x8xf32>
    tpu.vector_store %arg5[%swap3A, %swap3A_21], %slice3A {strides = array<i32>} : memref<1024x8xf32, #tpu.memory_space<vmem>>, vector<1024x8xf32>,
    %slice3A_23 = vector.extract_strided_slice %add3A_20 {offsets = [0, 8], sizes = [1024, 8], strides = [1, 1]} : vector<1024x16xf32> to vector<1024x8xf32>
    %swap3A_24 = arith.constant 0 : index
    %swap3A_25 = arith.constant 0 : index
    %swap3A_26 = vector.load %arg6[%swap3A_24, %swap3A_25] : memref<1024x8xf32, #tpu.memory_space<vmem>>, vector<1024x8xf32>
    tpu.vector_store %arg6[%swap3A_24, %swap3A_25], %slice3A_23 {strides = array<i32>} : memref<1024x8xf32, #tpu.memory_space<vmem>>, vector<1024x8xf32>,
    return
  }
}

module attributes {stable_mosaic.version = 14 : i64} {
  func.func @_tc_final_body(%arg0: memref<1024x8xf32, #tpu.memory_space<vmem>>, %arg1: memref<1024x8xf32, #tpu.memory_space<vmem>>, %arg2: memref<1024x8xf32, #tpu.memory_space<vmem>>, %arg3: memref<1x4xf32, #tpu.memory_space<vmem>>, %arg4: memref<1x1xf32, #tpu.memory_space<vmem>>, %arg5: memref<1x1xf32, #tpu.memory_space<vmem>>) attributes {dimension_semantics = [], scalar_prefetch = 0 : i64, scratch_operands = 0 : i64, tpu.core_type = #tpu.core_type<tc>} {
    %get3A = arith.constant 0 : index
    %get3A_0 = arith.constant 0 : index
    %get3A_1 = vector.load %arg0[%get3A, %get3A_0] : memref<1024x8xf32, #tpu.memory_space<vmem>>, vector<1024x8xf32>
    %get3A_2 = arith.constant 0 : index
    %get3A_3 = arith.constant 0 : index
    %get3A_4 = vector.load %arg1[%get3A_2, %get3A_3] : memref<1024x8xf32, #tpu.memory_space<vmem>>, vector<1024x8xf32>
    %add3A = arith.addf %get3A_1, %get3A_4 : vector<1024x8xf32>
    %slice3A = vector.extract_strided_slice %add3A {offsets = [0, 4], sizes = [1024, 1], strides = [1, 1]} : vector<1024x8xf32> to vector<1024x1xf32>
    %slice3A_5 = vector.extract_strided_slice %add3A {offsets = [0, 0], sizes = [1024, 4], strides = [1, 1]} : vector<1024x8xf32> to vector<1024x4xf32>
    %max3A = arith.constant 1.000000e+00 : f32
    %max3A_6 = vector.broadcast %max3A : f32 to vector<1024x1xf32>
    %max3A_7 = arith.maximumf %slice3A, %max3A_6 : vector<1024x1xf32>
    %div3A = vector.broadcast %max3A_7 : vector<1024x1xf32> to vector<1024x4xf32>
    %div3A_8 = arith.divf %slice3A_5, %div3A : vector<1024x4xf32>
    %get3A_9 = arith.constant 0 : index
    %get3A_10 = arith.constant 0 : index
    %get3A_11 = vector.load %arg2[%get3A_9, %get3A_10] : memref<1024x8xf32, #tpu.memory_space<vmem>>, vector<1024x8xf32>
    %slice3A_12 = vector.extract_strided_slice %get3A_11 {offsets = [0, 0], sizes = [1024, 4], strides = [1, 1]} : vector<1024x8xf32> to vector<1024x4xf32>
    %add3A_13 = arith.addf %div3A_8, %slice3A_12 : vector<1024x4xf32>
    %iota3A = tpu.iota {dimensions = array<i32: 0>} : vector<1024x4xi32>
    %lt3A = arith.constant 1000 : i32
    %lt3A_14 = vector.broadcast %lt3A : i32 to vector<1024x4xi32>
    %lt3A_15 = arith.cmpi slt, %iota3A, %lt3A_14 : vector<1024x4xi32>
    %jit3A = arith.constant -3.000000e+38 : f32
    %broadcast_in_dim3A = vector.broadcast %jit3A : f32 to vector<1024x4xf32>
    %select_n3A = arith.select %lt3A_15, %add3A_13, %broadcast_in_dim3A : vector<1024x4xi1>, vector<1024x4xf32>
    %reduce_max3A = arith.constant dense<0xFF800000> : vector<4xf32>
    %reduce_max3A_16 = vector.multi_reduction <maximumf>, %select_n3A, %reduce_max3A [0] : vector<1024x4xf32> to vector<4xf32>
    %broadcast_in_dim3A_17 = vector.shape_cast %reduce_max3A_16 : vector<4xf32> to vector<1x4xf32>
    %get3A_18 = arith.constant 0 : index
    %get3A_19 = arith.constant 0 : index
    %get3A_20 = vector.load %arg3[%get3A_18, %get3A_19] : memref<1x4xf32, #tpu.memory_space<vmem>>, vector<1x4xf32>
    %mul3A = arith.mulf %broadcast_in_dim3A_17, %get3A_20 : vector<1x4xf32>
    %reduce_sum3A = arith.constant dense<0.000000e+00> : vector<1xf32>
    %reduce_sum3A_21 = vector.multi_reduction <add>, %mul3A, %reduce_sum3A [1] : vector<1x4xf32> to vector<1xf32>
    %broadcast_in_dim3A_22 = vector.shape_cast %reduce_sum3A_21 : vector<1xf32> to vector<1x1xf32>
    %get3A_23 = arith.constant 0 : index
    %get3A_24 = arith.constant 0 : index
    %get3A_25 = vector.load %arg4[%get3A_23, %get3A_24] : memref<1x1xf32, #tpu.memory_space<vmem>>, vector<1x1xf32>
    %add3A_26 = arith.addf %broadcast_in_dim3A_22, %get3A_25 : vector<1x1xf32>
    %swap3A = arith.constant 0 : index
    %swap3A_27 = arith.constant 0 : index
    %swap3A_28 = vector.load %arg5[%swap3A, %swap3A_27] : memref<1x1xf32, #tpu.memory_space<vmem>>, vector<1x1xf32>
    tpu.vector_store %arg5[%swap3A, %swap3A_27], %add3A_26 {strides = array<i32>} : memref<1x1xf32, #tpu.memory_space<vmem>>, vector<1x1xf32>,
    return
  }
}

</mosaic_0001>

<sc_bundles>
// kernel: kernel.11.cloned.1.call-start
scs
__scs_entry_jumppad:
0x0: {  	(pc) =	sbr.rel $0x88, $3  }
0x1: {  	(tag) =	ssettag $0x0;
	lr =	simm.s32 $0x1  }
0x2: {  	[smem:$0x3F93] =	sst lr;
	_ =	strace $0xD0000000  }
0x3: {  	_ = 	snop  }
0x4: {  	_ = 	snop  }
0x5: {  	_ = 	snop  }
0x6: {  	_ = 	snop  }
0x7: {  	_ = 	snop  }
__scs_overlays_trampoline_lowered:
0x8: {  	[smem:$0x3FA2] =	sst s0  }
0x9: {  	[smem:$0x3FA3] =	sst s1  }
0xa: {  	[smem:$0x3FA4] =	sst s2  }
0xb: {  	[smem:$0x3FA5] =	sst s3  }
0xc: {  	[smem:$0x3FA6] =	sst s4  }
0xd: {  	[smem:$0x3FA7] =	sst s5  }
0xe: {  	[smem:$0x3FA8] =	sst s6  }
0xf: {  	[smem:$0x3FA9] =	sst s7  }
0x10: {  	[smem:$0x3FAA] =	sst s8  }
0x11: {  	[smem:$0x3FAB] =	sst s9;
	s0 =	simm.s32 @!p0 $0x0  }
0x12: {  	s1 =	sld [smem:$0x3F91];
	s0 =	simm.s32 @p0 $0x1  }
0x13: {  	[smem:$0x3FAC] =	sst s0;
	s0 =	simm.s32 @!p1 $0x0  }
0x14: {  	s2 =	sld [smem:$0x3F90];
	s0 =	simm.s32 @p1 $0x1  }
0x15: {  	[smem:$0x3FAD] =	sst s0;
	s0 =	simm.s32 @!p2 $0x0  }
0x16: {  	s3 =	sld [smem:$0x3FDB];
	s0 =	simm.s32 @p2 $0x1  }
0x17: {  	s4 =	simm.s32 $0x1BF5;
	[smem:$0x3FAF] =	sst s0  }
0x18: {  	s0 =	sld [smem:$0x3F92];
	_ =	swait.ge [sflag:s4], $0x0  }
0x19: {  	s7 =	sld [smem:$0x3F93]  }
0x1a: {  	s8 =	sadd.s32 $0xFFFFE003, lr  }
0x1b: {  	s9 =	sadd.s32 $0xFFFFFEF7, lr;
	s5 =	simm.s32 $0xFFFFFFFF;
	p2 =	slt.u32 s8, $0xFFFFF086  }
0x1c: {  	p1 =	slt.u32 s9, $0xF7A;
	s5 =	simm.s32 @!p2 $0x0  }
0x1d: {  	s5 =	simm.s32 @p1 $0x1;
	p0 =	seq.s32 s7, s2  }
0x1e: {  	s7 =	smul.u32 @!p0 $0xF7A, s2;
	p2 =	seq.s32 @!p0 s5, $0x0  }
0x1f: {  	s9 =	smul.u32 $0xF7A, s1;
	s8 =	simm.s32 @!p0 $0x1BF5;
	p2 =	por !p2, p0  }
0x20: {  	[sflag:s8] =	ssyncset.s32 @!p0 $0xFFFFF086;
	s6 =	sadd.s32 @!p0 s3, s7;
	s7 =	simm.s32 @!p0 $0x108  }
0x21: {  	s3 =	sadd.s32 s3, s9;
	s6 =	sadd.s32 @!p0 $0x88, s6;
	s7 =	simm.s32 @p2 $0x1082  }
0x22: {  	[simem:s7], [sflag:s8] =	dma.local @!p0 [hbm:s6], $0xF7A  }
0x23: {  	s9 =	sor.u32 $0xD0000000, s2;
	s6 =	simm.s32 $0x108;
	_ =	swait.ge @!p0 [sflag:s8], $0x0  }
0x24: {  	s3 =	sadd.s32 $0x88, s3;
	s6 =	simm.s32 @!p1 $0x1082;
	[sflag:s4] =	ssyncset.s32 $0xFFFFF086  }
0x25: {  	[simem:s6], [sflag:s4] =	dma.local [hbm:s3], $0xF7A  }
0x26: {  	[smem:$0x3F93] =	sst s1;
	(tag) =	ssettag s2;
	_ =	strace s9  }
0x27: {  	s1 =	sld [smem:$0x3FA3]  }
0x28: {  	s2 =	sld [smem:$0x3FA4]  }
0x29: {  	s4 =	sld [smem:$0x3FA6]  }
0x2a: {  	p0 =	seq.s32 s5, $0x0;
	s5 =	sld [smem:$0x3FA7]  }
0x2b: {  	s6 =	sld [smem:$0x3FA8]  }
0x2c: {  	s7 =	sld [smem:$0x3FA9]  }
0x2d: {  	s3 =	simm.s32 $0x108;
	s8 =	sld [smem:$0x3FAA]  }
0x2e: {  	s3 =	simm.s32 @!p0 $0x1082;
	s9 =	sld [smem:$0x3FAB]  }
0x2f: {  	lr =	sadd.s32 s0, s3;
	s0 =	sld [smem:$0x3FA2]  }
0x30: {  	s3 =	sld [smem:$0x3FA5]  }
0x31: {  	[smem:$0x3FAE] =	sst s10  }
0x32: {  	s10 =	sld [smem:$0x3FAC];
	_ =	sdelay $0x3  }
0x33: {  	p0 =	seq.s32 s10, $0x1;
	s10 =	sld [smem:$0x3FAE];
	_ =	sdelay $0x3  }
0x34: {  	[smem:$0x3FAE] =	sst s10  }
0x35: {  	s10 =	sld [smem:$0x3FAD];
	_ =	sdelay $0x3  }
0x36: {  	p1 =	seq.s32 s10, $0x1;
	s10 =	sld [smem:$0x3FAE];
	_ =	sdelay $0x3  }
0x37: {  	[smem:$0x3FAE] =	sst s10  }
0x38: {  	s10 =	sld [smem:$0x3FAF]  }
0x39: {  	_ = 	snop;
	(pc) =	sbr.ind lr, $3  }
0x3a: {  	_ = 	snop  }
0x3b: {  	_ = 	snop  }
0x3c: {  	p2 =	seq.s32 s10, $0x1;
	s10 =	sld [smem:$0x3FAE]  }
0x3d: {  	_ =	shalt  }
0x3e: {  	_ =	shalt  }
0x3f: {  	_ =	shalt  }
0x40: {  	_ =	shalt  }
0x41: {  	_ =	shalt  }
0x42: {  	_ =	shalt  }
0x43: {  	_ =	shalt  }
0x44: {  	_ =	shalt  }
0x45: {  	_ =	shalt  }
0x46: {  	_ =	shalt  }
0x47: {  	_ =	shalt  }
0x48: {  	_ =	shalt  }
0x49: {  	_ =	shalt  }
0x4a: {  	_ =	shalt  }
0x4b: {  	_ =	shalt  }
0x4c: {  	_ =	shalt  }
0x4d: {  	_ =	shalt  }
0x4e: {  	_ =	shalt  }
0x4f: {  	_ =	shalt  }
0x50: {  	_ =	shalt  }
0x51: {  	_ =	shalt  }
0x52: {  	_ =	shalt  }
0x53: {  	_ =	shalt  }
0x54: {  	_ =	shalt  }
0x55: {  	_ =	shalt  }
0x56: {  	_ =	shalt  }
0x57: {  	_ =	shalt  }
0x58: {  	_ =	shalt  }
0x59: {  	_ =	shalt  }
0x5a: {  	_ =	shalt  }
0x5b: {  	_ =	shalt  }
0x5c: {  	_ =	shalt  }
0x5d: {  	_ =	shalt  }
0x5e: {  	_ =	shalt  }
0x5f: {  	_ =	shalt  }
0x60: {  	_ =	shalt  }
0x61: {  	_ =	shalt  }
0x62: {  	_ =	shalt  }
0x63: {  	_ =	shalt  }
0x64: {  	_ =	shalt  }
0x65: {  	_ =	shalt  }
0x66: {  	_ =	shalt  }
0x67: {  	_ =	shalt  }
0x68: {  	_ =	shalt  }
0x69: {  	_ =	shalt  }
0x6a: {  	_ =	shalt  }
0x6b: {  	_ =	shalt  }
0x6c: {  	_ =	shalt  }
0x6d: {  	_ =	shalt  }
0x6e: {  	_ =	shalt  }
0x6f: {  	_ =	shalt  }
0x70: {  	_ =	shalt  }
0x71: {  	_ =	shalt  }
0x72: {  	_ =	shalt  }
0x73: {  	_ =	shalt  }
0x74: {  	_ =	shalt  }
0x75: {  	_ =	shalt  }
0x76: {  	_ =	shalt  }
0x77: {  	_ =	shalt  }
0x78: {  	_ =	shalt  }
0x79: {  	_ =	shalt  }
0x7a: {  	_ =	shalt  }
0x7b: {  	_ =	shalt  }
0x7c: {  	_ =	shalt  }
0x7d: {  	_ =	shalt  }
0x7e: {  	_ =	shalt  }
0x7f: {  	_ =	shalt  }
0x80: {  	_ =	shalt  }
0x81: {  	_ =	shalt  }
0x82: {  	_ =	shalt  }
0x83: {  	_ =	shalt  }
0x84: {  	_ =	shalt  }
0x85: {  	_ =	shalt  }
0x86: {  	_ =	shalt  }
0x87: {  	_ =	shalt  }
.Lfunc_end0:
.L_simem_size_0:
called_computation.1_lowered:
.L_overlay_start_0:
0x88: {  	s2 =	sld [smem:$0x3FD9]  }
0x89: {  	s3 =	sld [smem:$0x3FFE];
	_ =	sdelay $0x1  }
0x8a: {  	s1 =	srdreg.scid  }
0x8b: {  	s0 =	sand.u32 $0x1, s1  }
0x8c: {  	s16 =	sshll.u32 s0, $0xA;
	s2 =	sadd.s32 s3, s2  }
0x8d: {  	s2 =	sadd.s32 s2, s16  }
0x8e: {  	[smem:$0x3FBA] =	sst s2  }
0x8f: {  	_ = 	snop  }
0x90: {  	(tm) =	ssettm $0x1  }
0x91: {  	s17 =	sld [smem:$0x3FFB];
	_ =	sdelay $0x3  }
0x92: {  	_ =	strace s17  }
0x93: {  	s2 =	sld [smem:$0x3FFC];
	_ =	sdelay $0x3  }
0x94: {  	_ =	strace s2  }
0x95: {  	s2 =	sld [smem:$0x3FFD];
	_ =	sdelay $0x3  }
0x96: {  	_ =	strace s2  }
0x97: {  	_ =	strace $0x8FFFFFFF  }
0x98: {  	s18 =	sld [smem:$0x3FDB];
	_ =	sdelay $0x1  }
0x99: {  	s19 =	simm.s32 $_scs_section_size  }
0x9a: {  	s4 =	simm.s32 $_size__tile_overlayer_lowered;
	s5 =	simm.s32 $_tile_overlayer_lowered  }
0x9b: {  	s22 =	simm.s32 $0x1BFF;
	s21 =	sshll.u32 s5, $0x1;
	s2 =	sadd.s32 s19, s18  }
0x9c: {  	s6 =	simm.s32 $0x0;
	s20 =	sshll.u32 s4, $0x1;
	s4 =	sadd.s32 s21, s2  }
0x9d: {  	[timem:s6], [sflag:s22] =	dma.local [hbm:s4], s20  }
0x9e: {  	_ =	swait.ge [sflag:s22], s20  }
0x9f: {  	s3 =	ssub.s32 $0x0, s20;
	[sflag:s22] =	ssyncset.done $0x0  }
0xa0: {  	[sflag:s22] =	ssyncadd.s32 s3;
	_ =	sdelay $0x1  }
0xa1: {  	s23 =	simm.s32 $0x1B8B  }
0xa2: {  	_ =	swait.ge [sflag:s23], $0x1  }
0xa3: {  	[sflag:s23] =	ssyncset.done $0x0  }
0xa4: {  	s25 =	simm.s32 $0x1B8E;
	s24 =	sld [smem:$0x3FFE];
	[sflag:s23] =	ssyncadd.s32 $0xFFFFFFFF  }
0xa5: {  	s26 =	simm.s32 $execute0_lowered;
	[smem:$0x3FD2] =	sst s25  }
0xa6: {  	s4 =	sshll.u32 s26, $0x1;
	_ =	strace $0x80000049;
	[dreg:$0x1] =	wrdreg $0xFFFFFFFF  }
0xa7: {  	s28 =	simm.s32 $_size_execute0_lowered;
	s2 =	sadd.s32 s2, s4;
	[dreg:$0x0] =	wrdreg $0x0  }
0xa8: {  	s4 =	sshll.u32 s28, $0x1;
	[dreg:$0x2] =	wrdreg s2  }
0xa9: {  	[dreg:$0x3] =	wrdreg s4  }
0xaa: {  	[dreg:$0x4] =	wrdreg $0xC0  }
0xab: {  	_ =	task [dreg:s6], $0x5FFFF  }
0xac: {  	[dreg:$0x1] =	wrdreg $0xFFFFFFFF  }
0xad: {  	[dreg:$0x0] =	wrdreg $0x60  }
0xae: {  	[dreg:$0x2] =	wrdreg s24  }
0xaf: {  	[dreg:$0x3] =	wrdreg $0x9F000  }
0xb0: {  	[dreg:$0x4] =	wrdreg $0x9  }
0xb1: {  	_ =	task.clear_ibuf [dreg:s6], $0x5FFFF;
	_ =	strace $0x90000049  }
0xb2: {  	s29 =	simm.s32 $0x9;
	_ =	strace $0x8000004B  }
0xb3: {  	_ =	swait.ge [sflag:s29], $0x1  }
0xb4: {  	[sflag:s29] =	ssyncadd.s32 $0xFFFFFFFF  }
0xb5: {  	_ =	strace $0x9000004B  }
0xb6: {  	_ =	sfence  }
0xb7: {  	s30 =	sld [smem:$0x0];
	_ =	sdelay $0x2  }
0xb8: {  	s31 =	sshll.u32 s1, $0xD;
	s1 =	sshrl.u32 s1, $0x2  }
0xb9: {  	s3 =	sand.u32 $0x4000, s31;
	s1 =	sadd.s32 s1, s30  }
0xba: {  	s0 =	sor.u32 s3, s0;
	s1 =	sshll.u32 s1, $0x11  }
0xbb: {  	s0 =	sor.u32 s1, s0  }
0xbc: {  	s0 =	sadd.s32 $0x8F2B, s0  }
0xbd: {  	[sflag:s0] =	ssyncadd.remote.s32 $0x1  }
0xbe: {  	_ =	sfence.sel $0xFFFF  }
0xbf: {  	[dreg:$0x0] =	wrdreg $0xFFFFFFFF;
	(pc) =	sbr.abs _section_cstart, $3  }
0xc0: {  	[dreg:$0x1] =	wrdreg $0xFFFFFFFF  }
0xc1: {  	_ =	task.clear_ibuf [dreg:s6], $0x2FFFF;
	_ =	strace $0x9FFFFFFF  }
0xc2: {  	(tm) =	ssettm $0x7FFFFFFF  }
0xc3: {  	_ =	shalt  }
tec
execute0_lowered:
.L_overlay_start_1:
0x0: {  	(tag) =	ssettag $0x1  }
0x1: {  	s0 =	rddreg [dreg:$0x0]  }
0x2: {  	s6 =	stileid.u32;
	s1 =	srdreg.scid  }
0x3: {  	s7 =	rddreg [dreg:$0x1];
	s3 =	simm.s32 $0x0;
	s15 =	simm.s32 $0xF00  }
0x4: {  	s16 =	simm.s32 $0x2300;
	s17 =	simm.s32 $0x3700;
	s18 =	simm.s32 $0x4  }
0x5: {  	s20 =	simm.s32 $0x6;
	s21 =	simm.s32 $0x4B00;
	s22 =	simm.s32 $0x7  }
0x6: {  	s28 =	simm.s32 $0x0;
	s2 =	smul.u32 $0x1400, s6;
	s1 =	sand.u32 $0x1, s1  }
0x7: {  	[smem:$0x7FF] =	sst s3;
	s8 =	sadd.s32 $0xA00, s0;
	s4 =	sshll.u32 s1, $0x4  }
0x8: {  	_ =	strace $0x8000004A;
	[dreg:$0x3] =	wrdreg s8;
	s1 =	ssub.s32 $0x2, s1  }
0x9: {  	s5 =	sshrl.u32 s2, $0x3;
	s4 =	sor.u32 s6, s4;
	s23 =	sshrl.u32 s1, $0x1  }
0xa: {  	s2 =	sadd.s32 s2, s7;
	s5 =	sadd.s32 s5, s0;
	s6 =	smul.u32 $0x30, s4  }
0xb: {  	s4 =	sshll.u32 s4, $0xB;
	[dreg:$0x9] =	wrdreg s2;
	s26 =	sadd.s32 $0x19A00, s5  }
0xc: {  	s1 =	ssub.s32 s1, s23;
	s29 =	sadd.s32 $0x1C200, s5;
	[dreg:$0x6] =	wrdreg s26  }
0xd: {  	s2 =	simm.s32 $0x5F00;
	s30 =	sadd.s32 $0x1EA00, s5;
	[dreg:$0x7] =	wrdreg s29  }
0xe: {  	s31 =	smax.u32 s1, $0x1;
	s6 =	sadd.s32 s6, s0;
	[dreg:$0x8] =	wrdreg s30  }
0xf: {  	v1 =	vlaneseq.u32;
	s23 =	simm.s32 $0x1;
	[dreg:$0xb] =	wrdreg s31;
	s24 =	sadd.s32 $0x21200, s6  }
0x10: {  	v0 =	vshrl.u32 v1, $0x3;
	s0 =	sadd.s32 s4, s0;
	s25 =	sadd.s32 $0x21800, s6;
	[dreg:$0x4] =	wrdreg s24  }
0x11: {  	v0 =	vmul.u32 $0x8, v0;
	s26 =	simm.s32 $0x3;
	s0 =	sadd.s32 $0x1200, s0;
	[dreg:$0x5] =	wrdreg s25  }
0x12: {  	vm0 =	vmmov $0xff;
	v1 =	vand.u32 $0x7, v1;
	[dreg:$0xa] =	wrdreg s0;
	s24 =	simm.s32 $0x300;
	s25 =	simm.s32 $0x2  }
.LBB2_1:
0x13: {  	s0 =	rddreg [dreg:$0x4]  }
0x14: {  	[tilespmem:s3], [sflag:$0x1] =	stream.linear.gather [hbm4b:s0+s3], $0x180, $0x38;
	[tilespmem:$0xB300] =	vst v63  }
0x15: {  	s12 =	rddreg [dreg:$0x5];
	s1 =	simm.s32 $0x180  }
0x16: {  	[tilespmem:s1], [sflag:$0x2] =	stream.linear.gather [hbm4b:s12+s3], $0x180, $0x38;
	[tilespmem:$0xB300] =	vst v63  }
0x17: {  	s13 =	rddreg [dreg:$0x3]  }
0x18: {  	[tilespmem:s2], [sflag:$0x3] =	stream.linear.gather [hbm4b:s13+s3], $0x4000, $0x38;
	[tilespmem:$0xB300] =	vst v63  }
0x19: {  	s14 =	rddreg [dreg:$0x6]  }
0x1a: {  	[tilespmem:s15], [sflag:$0x4] =	stream.linear.gather [hbm4b:s14+s3], $0x1400, $0x38;
	[tilespmem:$0xB300] =	vst v63  }
0x1b: {  	s19 =	rddreg [dreg:$0x7]  }
0x1c: {  	[tilespmem:s16], [sflag:$0x5] =	stream.linear.gather [hbm4b:s19+s3], $0x1400, $0x38;
	[tilespmem:$0xB300] =	vst v63  }
0x1d: {  	s29 =	rddreg [dreg:$0x8]  }
0x1e: {  	[tilespmem:s17], [sflag:$0x6] =	stream.linear.gather [hbm4b:s29+s3], $0x1400, $0x38;
	[tilespmem:$0xB300] =	vst v63  }
0x1f: {  	_ =	swait.ge [sflag:s18], $0x1400  }
0x20: {  	v2 =	vmov s3;
	[sflag:s18] =	ssyncset.done $0x0  }
0x21: {  	s30 =	simm.s32 $0x5;
	v2 =	vshll.u32 v2, $0x3;
	[sflag:s18] =	ssyncadd.s32 $0xFFFFEC00  }
0x22: {  	v2 =	vor.u32 v0, v2;
	_ =	swait.ge [sflag:s30], $0x1400  }
0x23: {  	v2 =	vor.u32 v1, v2;
	[sflag:s30] =	ssyncset.done $0x0  }
0x24: {  	[sflag:s30] =	ssyncadd.s32 $0xFFFFEC00  }
0x25: {  	_ =	swait.ge [sflag:s20], $0x1400  }
0x26: {  	[sflag:s20] =	ssyncset.done $0x0  }
0x27: {  	[sflag:s20] =	ssyncadd.s32 $0xFFFFEC00  }
0x28: {  	v3 =	vld.idx.msk [tilespmem:v2+s16+$0x0], $0xffff  }
0x29: {  	v4 =	vld.idx.msk [tilespmem:v2+s15+$0x0], $0xffff;
	_ =	sdelay $0x4  }
0x2a: {  	v3 =	vadd.f32 v3, v4;
	_ =	sdelay $0x1  }
0x2b: {  	v4 =	vbroadcast v3, $0x7;
	v5 =	vbroadcast v3, $0xF;
	_ =	sdelay $0x1  }
0x2c: {  	v4 =	vsel vm0, v4, v5  }
0x2d: {  	v4 =	vmax.f32 v4, $1.000000000e+00  }
0x2e: {  	(erf) = vrcp.f32 v4;
	_ =	sdelay $0x6  }
0x2f: {  	s31 =	simm.s32 $0x2;
	v4 =	vld.idx.msk [tilespmem:v2+s17+$0x0], $0xffff  }
0x30: {  	v5 =	vmov s31  }
0x31: {  	s0 =	simm.s32 $0x4;
	v5 =	vshll.u32 v5, $0x3;
	v6 =	vpop (erf)  }
.LBB2_2:
0x32: {  	p0 =	sne.s32 s0, $0x27E;
	v5 =	vor.u32 v0, v5;
	v3 =	vmul.f32 v6, v3  }
0x33: {  	v5 =	vor.u32 v1, v5  }
0x34: {  	v3 =	vadd.f32 v3, v4;
	_ =	sdelay $0x1  }
0x35: {  	v3 =	vmax.f32 v3, $0.0e+00  }
0x36: {  	[tilespmem:v2+s21+$0x0] =	vst.idx.msk $0xffff, v3;
	v2 =	vmov v5  }
0x37: {  	v3 =	vld.idx.msk [tilespmem:v5+s16+$0x0], $0xffff  }
0x38: {  	v4 =	vld.idx.msk [tilespmem:v5+s15+$0x0], $0xffff;
	_ =	sdelay $0x5  }
0x39: {  	v3 =	vadd.f32 v3, v4;
	_ =	sdelay $0x1  }
0x3a: {  	v4 =	vbroadcast v3, $0x7;
	v5 =	vbroadcast v3, $0xF;
	_ =	sdelay $0x1  }
0x3b: {  	v4 =	vsel vm0, v4, v5  }
0x3c: {  	v4 =	vmax.f32 v4, $1.000000000e+00  }
0x3d: {  	(erf) = vrcp.f32 v4;
	_ =	sdelay $0x4  }
.Ltmp0:
0x3e: {  	(pc) =	sbr.rel @p0 .LBB2_2-.Ltmp0, $3  }
0x3f: {  	v4 =	vld.idx.msk [tilespmem:v2+s17+$0x0], $0xffff;
	_ =	sdelay $0x1  }
0x40: {  	v5 =	vmov s0  }
0x41: {  	s0 =	sadd.s32 $0x2, s0;
	v5 =	vshll.u32 v5, $0x3;
	v6 =	vpop (erf)  }
0x42: {  	v5 =	vor.u32 v0, v5;
	v3 =	vmul.f32 v6, v3  }
0x43: {  	v5 =	vor.u32 v1, v5  }
0x44: {  	v3 =	vadd.f32 v3, v4;
	_ =	sdelay $0x1  }
0x45: {  	v3 =	vmax.f32 v3, $0.0e+00  }
0x46: {  	[tilespmem:v2+s21+$0x0] =	vst.idx.msk $0xffff, v3  }
0x47: {  	v2 =	vld.idx.msk [tilespmem:v5+s16+$0x0], $0xffff  }
0x48: {  	v3 =	vld.idx.msk [tilespmem:v5+s15+$0x0], $0xffff;
	_ =	sdelay $0x4  }
0x49: {  	v2 =	vadd.f32 v2, v3;
	_ =	sdelay $0x1  }
0x4a: {  	v3 =	vbroadcast v2, $0x7;
	v34 =	vbroadcast v2, $0xF;
	_ =	sdelay $0x1  }
0x4b: {  	v3 =	vsel vm0, v3, v34  }
0x4c: {  	v3 =	vmax.f32 v3, $1.000000000e+00  }
0x4d: {  	(erf) = vrcp.f32 v3;
	_ =	sdelay $0x6  }
0x4e: {  	v3 =	vld.idx.msk [tilespmem:v5+s17+$0x0], $0xffff;
	_ =	sdelay $0x1  }
0x4f: {  	v35 =	vpop (erf)  }
0x50: {  	v2 =	vmul.f32 v35, v2;
	_ =	sdelay $0x1  }
0x51: {  	v2 =	vadd.f32 v2, v3;
	_ =	sdelay $0x1  }
0x52: {  	v2 =	vmax.f32 v2, $0.0e+00  }
0x53: {  	s0 =	rddreg [dreg:$0x9];
	[tilespmem:v5+s21+$0x0] =	vst.idx.msk $0xffff, v2  }
0x54: {  	[spmem:s0] =	stream.linear.scatter [tilespmem:s21], [sflag:$0x7], $0x1400, $0x38;
	[tilespmem:$0xB300] =	vst v63  }
0x55: {  	_ =	swait.ge [sflag:s22], $0x1400  }
0x56: {  	[sflag:s22] =	ssyncset.done $0x0  }
0x57: {  	[sflag:s22] =	ssyncadd.s32 $0xFFFFEC00  }
0x58: {  	_ =	swait.ge [sflag:s23], $0x180  }
0x59: {  	[sflag:s23] =	ssyncset.done $0x0  }
0x5a: {  	[sflag:s23] =	ssyncadd.s32 $0xFFFFFE80  }
0x5b: {  	[bflag:$0x0] =	sbarrier.arrive $0xFFFF  }
0x5c: {  	s29 =	simm.s32 $0x180;
	s14 =	rddreg [dreg:$0x1]  }
0x5d: {  	[tilespmem:s24], [sflag:$0x4] =	stream.indirect.gather [spmem:s14], $0x8, s3, s29, $0xb8;
	[tilespmem:$0xB300] =	vst v63  }
0x5e: {  	_ =	swait.ge [sflag:s18], $0xC00  }
0x5f: {  	[sflag:s18] =	ssyncset.done $0x0  }
0x60: {  	[sflag:s18] =	ssyncadd.s32 $0xFFFFF400  }
0x61: {  	_ =	swait.ge [sflag:s25], $0x180  }
0x62: {  	[sflag:s25] =	ssyncset.done $0x0  }
0x63: {  	[sflag:s25] =	ssyncadd.s32 $0xFFFFFE80  }
0x64: {  	_ =	swait.ge [sflag:s26], $0x4000  }
0x65: {  	[sflag:s26] =	ssyncset.done $0x0  }
0x66: {  	[sflag:s26] =	ssyncadd.s32 $0xFFFFC000  }
0x67: {  	v2 =	vld [tilespmem:s29+$0x0];
	_ =	sdelay $0x4  }
0x68: {  	v2 =	vshll.u32 v2, $0x6  }
0x69: {  	v2 =	vshra.s32 v2, $0x2  }
0x6a: {  	v2 =	vadd.s32 $0x5F00, v2  }
0x6b: {  	(v2sf) =	vpush v2, $0x0;
	_ =	sdelay $0x7  }
0x6c: {  	(v2sf) =	vpush v2, $0x1  }
0x6d: {  	s19 =	simm.s32 $0x0  }
0x6e: {  	v3 =	vor.u32 s19, v1;
	_ =	sdelay $0x4  }
0x6f: {  	v3 =	vld.idx.msk [tilespmem:v3+s24+$0x0], $0xffff;
	s31 =	spop (v2sf)  }
0x70: {  	(v2sf) =	vpush v2, $0x2;
	v36 =	vld [tilespmem:s31+$0x0]  }
0x71: {  	s1 =	simm.s32 $0x8  }
0x72: {  	v37 =	vor.u32 s1, v1;
	_ =	sdelay $0x2  }
0x73: {  	v3 =	vmax.f32 v36, v3  }
0x74: {  	[tilespmem:s31+$0x0] =	vst v3  }
0x75: {  	s2 =	spop (v2sf);
	v3 =	vld.idx.msk [tilespmem:v37+s24+$0x0], $0xffff  }
0x76: {  	(v2sf) =	vpush v2, $0x3;
	v38 =	vld [tilespmem:s2+$0x0]  }
0x77: {  	s4 =	simm.s32 $0x10  }
0x78: {  	v39 =	vor.u32 s4, v1;
	_ =	sdelay $0x2  }
0x79: {  	v3 =	vmax.f32 v38, v3  }
0x7a: {  	[tilespmem:s2+$0x0] =	vst v3  }
0x7b: {  	v3 =	vld.idx.msk [tilespmem:v39+s24+$0x0], $0xffff;
	s5 =	spop (v2sf)  }
0x7c: {  	(v2sf) =	vpush v2, $0x4;
	v40 =	vld [tilespmem:s5+$0x0]  }
0x7d: {  	s6 =	simm.s32 $0x18  }
0x7e: {  	v41 =	vor.u32 s6, v1;
	_ =	sdelay $0x2  }
0x7f: {  	v3 =	vmax.f32 v40, v3  }
0x80: {  	[tilespmem:s5+$0x0] =	vst v3  }
0x81: {  	s7 =	spop (v2sf);
	v3 =	vld.idx.msk [tilespmem:v41+s24+$0x0], $0xffff  }
0x82: {  	(v2sf) =	vpush v2, $0x5;
	v42 =	vld [tilespmem:s7+$0x0]  }
0x83: {  	s8 =	simm.s32 $0x20  }
0x84: {  	v43 =	vor.u32 s8, v1;
	_ =	sdelay $0x2  }
0x85: {  	v3 =	vmax.f32 v42, v3  }
0x86: {  	[tilespmem:s7+$0x0] =	vst v3  }
0x87: {  	v3 =	vld.idx.msk [tilespmem:v43+s24+$0x0], $0xffff;
	s9 =	spop (v2sf)  }
0x88: {  	(v2sf) =	vpush v2, $0x6;
	v44 =	vld [tilespmem:s9+$0x0]  }
0x89: {  	s10 =	simm.s32 $0x28  }
0x8a: {  	v45 =	vor.u32 s10, v1;
	_ =	sdelay $0x2  }
0x8b: {  	v3 =	vmax.f32 v44, v3  }
0x8c: {  	[tilespmem:s9+$0x0] =	vst v3  }
0x8d: {  	s11 =	spop (v2sf);
	v3 =	vld.idx.msk [tilespmem:v45+s24+$0x0], $0xffff  }
0x8e: {  	(v2sf) =	vpush v2, $0x7;
	v46 =	vld [tilespmem:s11+$0x0]  }
0x8f: {  	s12 =	simm.s32 $0x30  }
0x90: {  	v47 =	vor.u32 s12, v1;
	_ =	sdelay $0x2  }
0x91: {  	v3 =	vmax.f32 v46, v3  }
0x92: {  	[tilespmem:s11+$0x0] =	vst v3  }
0x93: {  	v3 =	vld.idx.msk [tilespmem:v47+s24+$0x0], $0xffff;
	s13 =	spop (v2sf)  }
0x94: {  	(v2sf) =	vpush v2, $0x8;
	v48 =	vld [tilespmem:s13+$0x0]  }
0x95: {  	s14 =	simm.s32 $0x38  }
0x96: {  	v49 =	vor.u32 s14, v1;
	_ =	sdelay $0x2  }
0x97: {  	v3 =	vmax.f32 v48, v3  }
0x98: {  	[tilespmem:s13+$0x0] =	vst v3  }
0x99: {  	s19 =	spop (v2sf);
	v3 =	vld.idx.msk [tilespmem:v49+s24+$0x0], $0xffff  }
0x9a: {  	(v2sf) =	vpush v2, $0x9;
	v50 =	vld [tilespmem:s19+$0x0]  }
0x9b: {  	s31 =	simm.s32 $0x40  }
0x9c: {  	v51 =	vor.u32 s31, v1;
	_ =	sdelay $0x2  }
0x9d: {  	v3 =	vmax.f32 v50, v3  }
0x9e: {  	[tilespmem:s19+$0x0] =	vst v3  }
0x9f: {  	v3 =	vld.idx.msk [tilespmem:v51+s24+$0x0], $0xffff;
	s2 =	spop (v2sf)  }
0xa0: {  	(v2sf) =	vpush v2, $0xA;
	v52 =	vld [tilespmem:s2+$0x0]  }
0xa1: {  	s4 =	simm.s32 $0x48  }
0xa2: {  	v53 =	vor.u32 s4, v1;
	_ =	sdelay $0x2  }
0xa3: {  	v3 =	vmax.f32 v52, v3  }
0xa4: {  	[tilespmem:s2+$0x0] =	vst v3  }
0xa5: {  	s5 =	spop (v2sf);
	v3 =	vld.idx.msk [tilespmem:v53+s24+$0x0], $0xffff  }
0xa6: {  	(v2sf) =	vpush v2, $0xB;
	v54 =	vld [tilespmem:s5+$0x0]  }
0xa7: {  	s6 =	simm.s32 $0x50  }
0xa8: {  	v55 =	vor.u32 s6, v1;
	_ =	sdelay $0x2  }
0xa9: {  	v3 =	vmax.f32 v54, v3  }
0xaa: {  	[tilespmem:s5+$0x0] =	vst v3  }
0xab: {  	v3 =	vld.idx.msk [tilespmem:v55+s24+$0x0], $0xffff;
	s7 =	spop (v2sf)  }
0xac: {  	(v2sf) =	vpush v2, $0xC;
	v56 =	vld [tilespmem:s7+$0x0]  }
0xad: {  	s8 =	simm.s32 $0x58  }
0xae: {  	v57 =	vor.u32 s8, v1;
	_ =	sdelay $0x2  }
0xaf: {  	v3 =	vmax.f32 v56, v3  }
0xb0: {  	[tilespmem:s7+$0x0] =	vst v3  }
0xb1: {  	s9 =	spop (v2sf);
	v3 =	vld.idx.msk [tilespmem:v57+s24+$0x0], $0xffff  }
0xb2: {  	(v2sf) =	vpush v2, $0xD;
	v58 =	vld [tilespmem:s9+$0x0]  }
0xb3: {  	s10 =	simm.s32 $0x60  }
0xb4: {  	v59 =	vor.u32 s10, v1;
	_ =	sdelay $0x2  }
0xb5: {  	v3 =	vmax.f32 v58, v3  }
0xb6: {  	[tilespmem:s9+$0x0] =	vst v3  }
0xb7: {  	v3 =	vld.idx.msk [tilespmem:v59+s24+$0x0], $0xffff;
	s11 =	spop (v2sf)  }
0xb8: {  	(v2sf) =	vpush v2, $0xE;
	v60 =	vld [tilespmem:s11+$0x0]  }
0xb9: {  	s12 =	simm.s32 $0x68  }
0xba: {  	v61 =	vor.u32 s12, v1;
	_ =	sdelay $0x2  }
0xbb: {  	v3 =	vmax.f32 v60, v3  }
0xbc: {  	[tilespmem:s11+$0x0] =	vst v3  }
0xbd: {  	s13 =	spop (v2sf);
	v3 =	vld.idx.msk [tilespmem:v61+s24+$0x0], $0xffff  }
0xbe: {  	(v2sf) =	vpush v2, $0xF;
	v62 =	vld [tilespmem:s13+$0x0]  }
0xbf: {  	s14 =	simm.s32 $0x70  }
0xc0: {  	v2 =	vor.u32 s14, v1;
	_ =	sdelay $0x2  }
0xc1: {  	v3 =	vmax.f32 v62, v3  }
0xc2: {  	[tilespmem:s13+$0x0] =	vst v3  }
0xc3: {  	v2 =	vld.idx.msk [tilespmem:v2+s24+$0x0], $0xffff;
	s19 =	spop (v2sf)  }
0xc4: {  	v3 =	vld [tilespmem:s19+$0x0]  }
0xc5: {  	s31 =	simm.s32 $0x78  }
0xc6: {  	v63 =	vor.u32 s31, v1;
	_ =	sdelay $0x2  }
0xc7: {  	v2 =	vmax.f32 v3, v2  }
0xc8: {  	[tilespmem:s19+$0x0] =	vst v2  }
0xc9: {  	s0 =	spop (v2sf);
	v2 =	vld.idx.msk [tilespmem:v63+s24+$0x0], $0xffff  }
0xca: {  	v3 =	vld [tilespmem:s0+$0x0];
	_ =	sdelay $0x4  }
0xcb: {  	s30 =	simm.s32 $0x1F;
	v2 =	vmax.f32 v3, v2  }
.LBB2_4:
0xcc: {  	p0 =	sne.s32 s30, $0x17F  }
0xcd: {  	[tilespmem:s0+$0x0] =	vst v2;
	s29 =	sadd.s32 $0x10, s29;
	s0 =	smov.u32 s30;
	s30 =	sadd.s32 $0x10, s30  }
0xce: {  	v2 =	vld [tilespmem:s29+$0x0];
	_ =	sdelay $0x4  }
0xcf: {  	v2 =	vshll.u32 v2, $0x6  }
0xd0: {  	v2 =	vshra.s32 v2, $0x2  }
0xd1: {  	v2 =	vadd.s32 $0x5F00, v2  }
0xd2: {  	(v2sf) =	vpush v2, $0x0;
	_ =	sdelay $0x7  }
0xd3: {  	s31 =	sshll.u32 s0, $0x3;
	(v2sf) =	vpush v2, $0x1  }
0xd4: {  	s0 =	sadd.s32 $0xFFFFFF88, s31;
	s10 =	sadd.s32 $0xFFFFFF90, s31;
	s11 =	sadd.s32 $0xFFFFFF98, s31  }
0xd5: {  	s12 =	sadd.s32 $0xFFFFFFA0, s31;
	s9 =	sadd.s32 $0xFFFFFFA8, s31;
	s8 =	sadd.s32 $0xFFFFFFB0, s31;
	v3 =	vor.u32 s0, v1  }
0xd6: {  	s7 =	sadd.s32 $0xFFFFFFB8, s31;
	s6 =	sadd.s32 $0xFFFFFFC0, s31;
	s5 =	sadd.s32 $0xFFFFFFC8, s31  }
0xd7: {  	s14 =	sadd.s32 $0xFFFFFFD0, s31;
	s4 =	sadd.s32 $0xFFFFFFD8, s31;
	s13 =	sadd.s32 $0xFFFFFFE0, s31  }
0xd8: {  	s2 =	sadd.s32 $0xFFFFFFE8, s31;
	s1 =	sadd.s32 $0xFFFFFFF8, s31;
	s0 =	sadd.s32 $0xFFFFFFF0, s31  }
0xd9: {  	_ = 	snop  }
0xda: {  	v3 =	vld.idx.msk [tilespmem:v3+s24+$0x0], $0xffff;
	s19 =	spop (v2sf)  }
0xdb: {  	v4 =	vld [tilespmem:s19+$0x0];
	(v2sf) =	vpush v2, $0x2;
	_ =	sdelay $0x1  }
0xdc: {  	v5 =	vor.u32 s10, v1;
	_ =	sdelay $0x2  }
0xdd: {  	v3 =	vmax.f32 v4, v3  }
0xde: {  	[tilespmem:s19+$0x0] =	vst v3  }
0xdf: {  	v3 =	vld.idx.msk [tilespmem:v5+s24+$0x0], $0xffff;
	s10 =	spop (v2sf)  }
0xe0: {  	v4 =	vld [tilespmem:s10+$0x0];
	(v2sf) =	vpush v2, $0x3;
	_ =	sdelay $0x1  }
0xe1: {  	v5 =	vor.u32 s11, v1;
	_ =	sdelay $0x2  }
0xe2: {  	v3 =	vmax.f32 v4, v3  }
0xe3: {  	[tilespmem:s10+$0x0] =	vst v3  }
0xe4: {  	v3 =	vld.idx.msk [tilespmem:v5+s24+$0x0], $0xffff;
	s10 =	spop (v2sf)  }
0xe5: {  	v4 =	vld [tilespmem:s10+$0x0];
	(v2sf) =	vpush v2, $0x4;
	_ =	sdelay $0x1  }
0xe6: {  	v5 =	vor.u32 s12, v1;
	_ =	sdelay $0x2  }
0xe7: {  	v3 =	vmax.f32 v4, v3  }
0xe8: {  	[tilespmem:s10+$0x0] =	vst v3  }
0xe9: {  	v3 =	vld.idx.msk [tilespmem:v5+s24+$0x0], $0xffff;
	s10 =	spop (v2sf)  }
0xea: {  	v4 =	vld [tilespmem:s10+$0x0];
	(v2sf) =	vpush v2, $0x5;
	_ =	sdelay $0x1  }
0xeb: {  	v5 =	vor.u32 s9, v1;
	_ =	sdelay $0x2  }
0xec: {  	v3 =	vmax.f32 v4, v3  }
0xed: {  	[tilespmem:s10+$0x0] =	vst v3  }
0xee: {  	v3 =	vld.idx.msk [tilespmem:v5+s24+$0x0], $0xffff;
	s9 =	spop (v2sf)  }
0xef: {  	v4 =	vld [tilespmem:s9+$0x0];
	(v2sf) =	vpush v2, $0x6;
	_ =	sdelay $0x1  }
0xf0: {  	v5 =	vor.u32 s8, v1;
	_ =	sdelay $0x2  }
0xf1: {  	v3 =	vmax.f32 v4, v3  }
0xf2: {  	[tilespmem:s9+$0x0] =	vst v3  }
0xf3: {  	v3 =	vld.idx.msk [tilespmem:v5+s24+$0x0], $0xffff;
	s8 =	spop (v2sf)  }
0xf4: {  	v4 =	vld [tilespmem:s8+$0x0];
	(v2sf) =	vpush v2, $0x7;
	_ =	sdelay $0x1  }
0xf5: {  	v5 =	vor.u32 s7, v1;
	_ =	sdelay $0x2  }
0xf6: {  	v3 =	vmax.f32 v4, v3  }
0xf7: {  	[tilespmem:s8+$0x0] =	vst v3  }
0xf8: {  	v3 =	vld.idx.msk [tilespmem:v5+s24+$0x0], $0xffff;
	s7 =	spop (v2sf)  }
0xf9: {  	v4 =	vld [tilespmem:s7+$0x0];
	(v2sf) =	vpush v2, $0x8;
	_ =	sdelay $0x1  }
0xfa: {  	v5 =	vor.u32 s6, v1;
	_ =	sdelay $0x2  }
0xfb: {  	v3 =	vmax.f32 v4, v3  }
0xfc: {  	[tilespmem:s7+$0x0] =	vst v3  }
0xfd: {  	v3 =	vld.idx.msk [tilespmem:v5+s24+$0x0], $0xffff;
	s6 =	spop (v2sf)  }
0xfe: {  	v4 =	vld [tilespmem:s6+$0x0];
	(v2sf) =	vpush v2, $0x9;
	_ =	sdelay $0x1  }
0xff: {  	v5 =	vor.u32 s5, v1;
	_ =	sdelay $0x2  }
0x100: {  	v3 =	vmax.f32 v4, v3  }
0x101: {  	[tilespmem:s6+$0x0] =	vst v3  }
0x102: {  	v3 =	vld.idx.msk [tilespmem:v5+s24+$0x0], $0xffff;
	s5 =	spop (v2sf)  }
0x103: {  	v4 =	vld [tilespmem:s5+$0x0];
	(v2sf) =	vpush v2, $0xA;
	_ =	sdelay $0x1  }
0x104: {  	v5 =	vor.u32 s14, v1;
	_ =	sdelay $0x2  }
0x105: {  	v3 =	vmax.f32 v4, v3  }
0x106: {  	[tilespmem:s5+$0x0] =	vst v3  }
0x107: {  	v3 =	vld.idx.msk [tilespmem:v5+s24+$0x0], $0xffff;
	s5 =	spop (v2sf)  }
0x108: {  	v4 =	vld [tilespmem:s5+$0x0];
	(v2sf) =	vpush v2, $0xB;
	_ =	sdelay $0x1  }
0x109: {  	v5 =	vor.u32 s4, v1;
	_ =	sdelay $0x2  }
0x10a: {  	v3 =	vmax.f32 v4, v3  }
0x10b: {  	[tilespmem:s5+$0x0] =	vst v3  }
0x10c: {  	v3 =	vld.idx.msk [tilespmem:v5+s24+$0x0], $0xffff;
	s4 =	spop (v2sf)  }
0x10d: {  	v4 =	vld [tilespmem:s4+$0x0];
	(v2sf) =	vpush v2, $0xC;
	_ =	sdelay $0x1  }
0x10e: {  	v5 =	vor.u32 s13, v1;
	_ =	sdelay $0x2  }
0x10f: {  	v3 =	vmax.f32 v4, v3  }
0x110: {  	[tilespmem:s4+$0x0] =	vst v3  }
0x111: {  	v3 =	vld.idx.msk [tilespmem:v5+s24+$0x0], $0xffff;
	s4 =	spop (v2sf)  }
0x112: {  	v4 =	vld [tilespmem:s4+$0x0];
	(v2sf) =	vpush v2, $0xD;
	_ =	sdelay $0x1  }
0x113: {  	v5 =	vor.u32 s2, v1;
	_ =	sdelay $0x2  }
0x114: {  	v3 =	vmax.f32 v4, v3  }
0x115: {  	[tilespmem:s4+$0x0] =	vst v3  }
0x116: {  	v3 =	vld.idx.msk [tilespmem:v5+s24+$0x0], $0xffff;
	s2 =	spop (v2sf)  }
0x117: {  	v4 =	vld [tilespmem:s2+$0x0];
	(v2sf) =	vpush v2, $0xE;
	_ =	sdelay $0x1  }
0x118: {  	v5 =	vor.u32 s0, v1;
	_ =	sdelay $0x2  }
0x119: {  	v3 =	vmax.f32 v4, v3  }
0x11a: {  	[tilespmem:s2+$0x0] =	vst v3  }
0x11b: {  	v3 =	vld.idx.msk [tilespmem:v5+s24+$0x0], $0xffff;
	s0 =	spop (v2sf)  }
0x11c: {  	v4 =	vld [tilespmem:s0+$0x0];
	(v2sf) =	vpush v2, $0xF;
	_ =	sdelay $0x1  }
0x11d: {  	v2 =	vor.u32 s1, v1;
	_ =	sdelay $0x2  }
0x11e: {  	v3 =	vmax.f32 v4, v3  }
0x11f: {  	[tilespmem:s0+$0x0] =	vst v3  }
0x120: {  	v2 =	vld.idx.msk [tilespmem:v2+s24+$0x0], $0xffff;
	s0 =	spop (v2sf)  }
0x121: {  	v3 =	vld [tilespmem:s0+$0x0];
	_ =	sdelay $0x1  }
0x122: {  	v4 =	vor.u32 s31, v1;
	_ =	sdelay $0x2  }
0x123: {  	v2 =	vmax.f32 v3, v2  }
0x124: {  	[tilespmem:s0+$0x0] =	vst v2  }
0x125: {  	v2 =	vld.idx.msk [tilespmem:v4+s24+$0x0], $0xffff;
	s0 =	spop (v2sf)  }
0x126: {  	v3 =	vld [tilespmem:s0+$0x0]  }
.Ltmp1:
0x127: {  	(pc) =	sbr.rel @p0 .LBB2_4-.Ltmp1, $2  }
0x128: {  	_ =	sdelay $0x2  }
0x129: {  	v2 =	vmax.f32 v3, v2  }
0x12a: {  	[tilespmem:s0+$0x0] =	vst v2;
	s30 =	rddreg [dreg:$0xa];
	s2 =	simm.s32 $0x5F00  }
0x12b: {  	[hbm4b:s30+s3] =	stream.linear.scatter [tilespmem:s2], [sflag:$0x7], $0x4000, $0x38;
	[tilespmem:$0xB300] =	vst v63  }
0x12c: {  	_ =	swait.ge [sflag:s22], $0x4000  }
0x12d: {  	s28 =	sadd.s32 $0x1, s28;
	s31 =	rddreg [dreg:$0xb]  }
0x12e: {  	p0 =	sne.s32 s28, s31  }
.Ltmp2:
0x12f: {  	_ = 	snop;
	(pc) =	sbr.rel @p0 .LBB2_1-.Ltmp2, $3  }
0x130: {  	_ =	sdelay $0x1  }
0x131: {  	[sflag:s22] =	ssyncset.done $0x0  }
0x132: {  	[sflag:s22] =	ssyncadd.s32 $0xFFFFC000  }
0x133: {  	_ =	sfence.sel $0x180000  }
0x134: {  	[bflag:$0x0] =	sbarrier.arrive $0xFFFF  }
0x135: {  	_ =	strace $0x9000004A  }
0x136: {  	s0 =	stileid.u32;
	[bflag:$0x2] =	sbarrier.arrive $0xFFFF  }
0x137: {  	p0 =	sne.s32 s0, $0x0;
	s0 =	rddreg [dreg:$0x2]  }
0x138: {  	s0 =	sadd.s32 @!p0 $0x100000, s0  }
0x139: {  	[sflag:s0] =	ssyncadd.tile.s32 @!p0 $0x1;
	_ =	shalt  }
.Lfunc_end2:
_tile_overlayer_lowered:
.L_overlay_start_2:
0x13a: {  	(tag) =	ssettag $0x2  }
0x13b: {  	s0 =	rddreg [dreg:$0x0];
	s2 =	stileid.u32  }
0x13c: {  	s1 =	rddreg [dreg:$0x1];
	p0 =	sne.s32 s2, $0x0  }
0x13d: {  	s3 =	rddreg [dreg:$0x2];
	[bflag:$0x3] =	sbarrier.arrive $0xFFFF;
	s2 =	simm.s32 @!p0 $0x1C07  }
0x13e: {  	[timem:s3], [sflag:s2] =	dma.local @!p0 [hbm:s0], s1  }
0x13f: {  	s0 =	simm.s32 @!p0 $0x7  }
0x140: {  	_ =	swait.ge @!p0 [sflag:s0], s1  }
0x141: {  	s1 =	ssub.s32 @!p0 $0x0, s1;
	[sflag:s0] =	ssyncset.done @!p0 $0x0  }
0x142: {  	[sflag:s0] =	ssyncadd.s32 @!p0 s1  }
0x143: {  	[bflag:$0x3] =	sbarrier.arrive $0xFFFF  }
0x144: {  	_ =	shalt  }

// kernel: kernel.14.cloned.1.call-start
scs
__scs_entry_jumppad:
0x0: {  	(pc) =	sbr.rel $0x88, $3  }
0x1: {  	(tag) =	ssettag $0x0;
	lr =	simm.s32 $0x1  }
0x2: {  	[smem:$0x3F93] =	sst lr;
	_ =	strace $0xD0000000  }
0x3: {  	_ = 	snop  }
0x4: {  	_ = 	snop  }
0x5: {  	_ = 	snop  }
0x6: {  	_ = 	snop  }
0x7: {  	_ = 	snop  }
__scs_overlays_trampoline_lowered:
0x8: {  	[smem:$0x3FA2] =	sst s0  }
0x9: {  	[smem:$0x3FA3] =	sst s1  }
0xa: {  	[smem:$0x3FA4] =	sst s2  }
0xb: {  	[smem:$0x3FA5] =	sst s3  }
0xc: {  	[smem:$0x3FA6] =	sst s4  }
0xd: {  	[smem:$0x3FA7] =	sst s5  }
0xe: {  	[smem:$0x3FA8] =	sst s6  }
0xf: {  	[smem:$0x3FA9] =	sst s7  }
0x10: {  	[smem:$0x3FAA] =	sst s8  }
0x11: {  	[smem:$0x3FAB] =	sst s9;
	s0 =	simm.s32 @!p0 $0x0  }
0x12: {  	s1 =	sld [smem:$0x3F91];
	s0 =	simm.s32 @p0 $0x1  }
0x13: {  	[smem:$0x3FAC] =	sst s0;
	s0 =	simm.s32 @!p1 $0x0  }
0x14: {  	s2 =	sld [smem:$0x3F90];
	s0 =	simm.s32 @p1 $0x1  }
0x15: {  	[smem:$0x3FAD] =	sst s0;
	s0 =	simm.s32 @!p2 $0x0  }
0x16: {  	s3 =	sld [smem:$0x3FDB];
	s0 =	simm.s32 @p2 $0x1  }
0x17: {  	s4 =	simm.s32 $0x1BF5;
	[smem:$0x3FAF] =	sst s0  }
0x18: {  	s0 =	sld [smem:$0x3F92];
	_ =	swait.ge [sflag:s4], $0x0  }
0x19: {  	s7 =	sld [smem:$0x3F93]  }
0x1a: {  	s8 =	sadd.s32 $0xFFFFE003, lr  }
0x1b: {  	s9 =	sadd.s32 $0xFFFFFEF7, lr;
	s5 =	simm.s32 $0xFFFFFFFF;
	p2 =	slt.u32 s8, $0xFFFFF086  }
0x1c: {  	p1 =	slt.u32 s9, $0xF7A;
	s5 =	simm.s32 @!p2 $0x0  }
0x1d: {  	s5 =	simm.s32 @p1 $0x1;
	p0 =	seq.s32 s7, s2  }
0x1e: {  	s7 =	smul.u32 @!p0 $0xF7A, s2;
	p2 =	seq.s32 @!p0 s5, $0x0  }
0x1f: {  	s9 =	smul.u32 $0xF7A, s1;
	s8 =	simm.s32 @!p0 $0x1BF5;
	p2 =	por !p2, p0  }
0x20: {  	[sflag:s8] =	ssyncset.s32 @!p0 $0xFFFFF086;
	s6 =	sadd.s32 @!p0 s3, s7;
	s7 =	simm.s32 @!p0 $0x108  }
0x21: {  	s3 =	sadd.s32 s3, s9;
	s6 =	sadd.s32 @!p0 $0x88, s6;
	s7 =	simm.s32 @p2 $0x1082  }
0x22: {  	[simem:s7], [sflag:s8] =	dma.local @!p0 [hbm:s6], $0xF7A  }
0x23: {  	s9 =	sor.u32 $0xD0000000, s2;
	s6 =	simm.s32 $0x108;
	_ =	swait.ge @!p0 [sflag:s8], $0x0  }
0x24: {  	s3 =	sadd.s32 $0x88, s3;
	s6 =	simm.s32 @!p1 $0x1082;
	[sflag:s4] =	ssyncset.s32 $0xFFFFF086  }
0x25: {  	[simem:s6], [sflag:s4] =	dma.local [hbm:s3], $0xF7A  }
0x26: {  	[smem:$0x3F93] =	sst s1;
	(tag) =	ssettag s2;
	_ =	strace s9  }
0x27: {  	s1 =	sld [smem:$0x3FA3]  }
0x28: {  	s2 =	sld [smem:$0x3FA4]  }
0x29: {  	s4 =	sld [smem:$0x3FA6]  }
0x2a: {  	p0 =	seq.s32 s5, $0x0;
	s5 =	sld [smem:$0x3FA7]  }
0x2b: {  	s6 =	sld [smem:$0x3FA8]  }
0x2c: {  	s7 =	sld [smem:$0x3FA9]  }
0x2d: {  	s3 =	simm.s32 $0x108;
	s8 =	sld [smem:$0x3FAA]  }
0x2e: {  	s3 =	simm.s32 @!p0 $0x1082;
	s9 =	sld [smem:$0x3FAB]  }
0x2f: {  	lr =	sadd.s32 s0, s3;
	s0 =	sld [smem:$0x3FA2]  }
0x30: {  	s3 =	sld [smem:$0x3FA5]  }
0x31: {  	[smem:$0x3FAE] =	sst s10  }
0x32: {  	s10 =	sld [smem:$0x3FAC];
	_ =	sdelay $0x3  }
0x33: {  	p0 =	seq.s32 s10, $0x1;
	s10 =	sld [smem:$0x3FAE];
	_ =	sdelay $0x3  }
0x34: {  	[smem:$0x3FAE] =	sst s10  }
0x35: {  	s10 =	sld [smem:$0x3FAD];
	_ =	sdelay $0x3  }
0x36: {  	p1 =	seq.s32 s10, $0x1;
	s10 =	sld [smem:$0x3FAE];
	_ =	sdelay $0x3  }
0x37: {  	[smem:$0x3FAE] =	sst s10  }
0x38: {  	s10 =	sld [smem:$0x3FAF]  }
0x39: {  	_ = 	snop;
	(pc) =	sbr.ind lr, $3  }
0x3a: {  	_ = 	snop  }
0x3b: {  	_ = 	snop  }
0x3c: {  	p2 =	seq.s32 s10, $0x1;
	s10 =	sld [smem:$0x3FAE]  }
0x3d: {  	_ =	shalt  }
0x3e: {  	_ =	shalt  }
0x3f: {  	_ =	shalt  }
0x40: {  	_ =	shalt  }
0x41: {  	_ =	shalt  }
0x42: {  	_ =	shalt  }
0x43: {  	_ =	shalt  }
0x44: {  	_ =	shalt  }
0x45: {  	_ =	shalt  }
0x46: {  	_ =	shalt  }
0x47: {  	_ =	shalt  }
0x48: {  	_ =	shalt  }
0x49: {  	_ =	shalt  }
0x4a: {  	_ =	shalt  }
0x4b: {  	_ =	shalt  }
0x4c: {  	_ =	shalt  }
0x4d: {  	_ =	shalt  }
0x4e: {  	_ =	shalt  }
0x4f: {  	_ =	shalt  }
0x50: {  	_ =	shalt  }
0x51: {  	_ =	shalt  }
0x52: {  	_ =	shalt  }
0x53: {  	_ =	shalt  }
0x54: {  	_ =	shalt  }
0x55: {  	_ =	shalt  }
0x56: {  	_ =	shalt  }
0x57: {  	_ =	shalt  }
0x58: {  	_ =	shalt  }
0x59: {  	_ =	shalt  }
0x5a: {  	_ =	shalt  }
0x5b: {  	_ =	shalt  }
0x5c: {  	_ =	shalt  }
0x5d: {  	_ =	shalt  }
0x5e: {  	_ =	shalt  }
0x5f: {  	_ =	shalt  }
0x60: {  	_ =	shalt  }
0x61: {  	_ =	shalt  }
0x62: {  	_ =	shalt  }
0x63: {  	_ =	shalt  }
0x64: {  	_ =	shalt  }
0x65: {  	_ =	shalt  }
0x66: {  	_ =	shalt  }
0x67: {  	_ =	shalt  }
0x68: {  	_ =	shalt  }
0x69: {  	_ =	shalt  }
0x6a: {  	_ =	shalt  }
0x6b: {  	_ =	shalt  }
0x6c: {  	_ =	shalt  }
0x6d: {  	_ =	shalt  }
0x6e: {  	_ =	shalt  }
0x6f: {  	_ =	shalt  }
0x70: {  	_ =	shalt  }
0x71: {  	_ =	shalt  }
0x72: {  	_ =	shalt  }
0x73: {  	_ =	shalt  }
0x74: {  	_ =	shalt  }
0x75: {  	_ =	shalt  }
0x76: {  	_ =	shalt  }
0x77: {  	_ =	shalt  }
0x78: {  	_ =	shalt  }
0x79: {  	_ =	shalt  }
0x7a: {  	_ =	shalt  }
0x7b: {  	_ =	shalt  }
0x7c: {  	_ =	shalt  }
0x7d: {  	_ =	shalt  }
0x7e: {  	_ =	shalt  }
0x7f: {  	_ =	shalt  }
0x80: {  	_ =	shalt  }
0x81: {  	_ =	shalt  }
0x82: {  	_ =	shalt  }
0x83: {  	_ =	shalt  }
0x84: {  	_ =	shalt  }
0x85: {  	_ =	shalt  }
0x86: {  	_ =	shalt  }
0x87: {  	_ =	shalt  }
.Lfunc_end0:
.L_simem_size_0:
called_computation.2_lowered:
.L_overlay_start_0:
0x88: {  	s2 =	sld [smem:$0x3FD9]  }
0x89: {  	s3 =	sld [smem:$0x3FFE];
	_ =	sdelay $0x1  }
0x8a: {  	s1 =	srdreg.scid  }
0x8b: {  	s0 =	sand.u32 $0x1, s1  }
0x8c: {  	s16 =	sshll.u32 s0, $0xA;
	s2 =	sadd.s32 s3, s2  }
0x8d: {  	s2 =	sadd.s32 s2, s16  }
0x8e: {  	[smem:$0x3FBA] =	sst s2  }
0x8f: {  	_ = 	snop  }
0x90: {  	(tm) =	ssettm $0x1  }
0x91: {  	s17 =	sld [smem:$0x3FFB];
	_ =	sdelay $0x3  }
0x92: {  	_ =	strace s17  }
0x93: {  	s2 =	sld [smem:$0x3FFC];
	_ =	sdelay $0x3  }
0x94: {  	_ =	strace s2  }
0x95: {  	s2 =	sld [smem:$0x3FFD];
	_ =	sdelay $0x3  }
0x96: {  	_ =	strace s2  }
0x97: {  	_ =	strace $0x8FFFFFFF  }
0x98: {  	s18 =	sld [smem:$0x3FDB];
	_ =	sdelay $0x1  }
0x99: {  	s19 =	simm.s32 $_scs_section_size  }
0x9a: {  	s4 =	simm.s32 $_size__tile_overlayer_lowered;
	s5 =	simm.s32 $_tile_overlayer_lowered  }
0x9b: {  	s22 =	simm.s32 $0x1BFF;
	s21 =	sshll.u32 s5, $0x1;
	s2 =	sadd.s32 s19, s18  }
0x9c: {  	s6 =	simm.s32 $0x0;
	s20 =	sshll.u32 s4, $0x1;
	s4 =	sadd.s32 s21, s2  }
0x9d: {  	[timem:s6], [sflag:s22] =	dma.local [hbm:s4], s20  }
0x9e: {  	_ =	swait.ge [sflag:s22], s20  }
0x9f: {  	s3 =	ssub.s32 $0x0, s20;
	[sflag:s22] =	ssyncset.done $0x0  }
0xa0: {  	[sflag:s22] =	ssyncadd.s32 s3;
	_ =	sdelay $0x1  }
0xa1: {  	s23 =	simm.s32 $0x1B8B  }
0xa2: {  	_ =	swait.ge [sflag:s23], $0x1  }
0xa3: {  	[sflag:s23] =	ssyncset.done $0x0  }
0xa4: {  	s25 =	simm.s32 $0x1B8E;
	s24 =	sld [smem:$0x3FFE];
	[sflag:s23] =	ssyncadd.s32 $0xFFFFFFFF  }
0xa5: {  	s26 =	simm.s32 $execute0_lowered;
	[smem:$0x3FD2] =	sst s25  }
0xa6: {  	s4 =	sshll.u32 s26, $0x1;
	_ =	strace $0x8000004C;
	[dreg:$0x1] =	wrdreg $0xFFFFFFFF  }
0xa7: {  	s28 =	simm.s32 $_size_execute0_lowered;
	s2 =	sadd.s32 s2, s4;
	[dreg:$0x0] =	wrdreg $0x0  }
0xa8: {  	s4 =	sshll.u32 s28, $0x1;
	[dreg:$0x2] =	wrdreg s2  }
0xa9: {  	[dreg:$0x3] =	wrdreg s4  }
0xaa: {  	[dreg:$0x4] =	wrdreg $0xC0  }
0xab: {  	_ =	task [dreg:s6], $0x5FFFF  }
0xac: {  	[dreg:$0x1] =	wrdreg $0xFFFFFFFF  }
0xad: {  	[dreg:$0x0] =	wrdreg $0x60  }
0xae: {  	[dreg:$0x2] =	wrdreg s24  }
0xaf: {  	[dreg:$0x3] =	wrdreg $0x14000  }
0xb0: {  	[dreg:$0x4] =	wrdreg $0x16000  }
0xb1: {  	[dreg:$0x5] =	wrdreg $0x9  }
0xb2: {  	_ =	task.clear_ibuf [dreg:s6], $0x6FFFF;
	_ =	strace $0x9000004C  }
0xb3: {  	s29 =	simm.s32 $0x9;
	_ =	strace $0x8000004E  }
0xb4: {  	_ =	swait.ge [sflag:s29], $0x1  }
0xb5: {  	[sflag:s29] =	ssyncadd.s32 $0xFFFFFFFF  }
0xb6: {  	_ =	strace $0x9000004E  }
0xb7: {  	_ =	sfence  }
0xb8: {  	s30 =	sld [smem:$0x0];
	_ =	sdelay $0x2  }
0xb9: {  	s31 =	sshll.u32 s1, $0xD;
	s1 =	sshrl.u32 s1, $0x2  }
0xba: {  	s3 =	sand.u32 $0x4000, s31;
	s1 =	sadd.s32 s1, s30  }
0xbb: {  	s0 =	sor.u32 s3, s0;
	s1 =	sshll.u32 s1, $0x11  }
0xbc: {  	s0 =	sor.u32 s1, s0  }
0xbd: {  	s0 =	sadd.s32 $0x8F2B, s0  }
0xbe: {  	[sflag:s0] =	ssyncadd.remote.s32 $0x1  }
0xbf: {  	_ =	sfence.sel $0xFFFF  }
0xc0: {  	[dreg:$0x0] =	wrdreg $0xFFFFFFFF;
	(pc) =	sbr.abs _section_cstart, $3  }
0xc1: {  	[dreg:$0x1] =	wrdreg $0xFFFFFFFF  }
0xc2: {  	_ =	task.clear_ibuf [dreg:s6], $0x2FFFF;
	_ =	strace $0x9FFFFFFF  }
0xc3: {  	(tm) =	ssettm $0x7FFFFFFF  }
tec
execute0_lowered:
.L_overlay_start_1:
0x0: {  	(tag) =	ssettag $0x1  }
0x1: {  	s20 =	rddreg [dreg:$0x0];
	s1 =	srdreg.scid  }
0x2: {  	s2 =	rddreg [dreg:$0x1];
	s0 =	stileid.u32  }
0x3: {  	s3 =	rddreg [dreg:$0x2];
	s4 =	simm.s32 $0x0;
	s14 =	simm.s32 $0x3  }
0x4: {  	s19 =	sand.u32 $0x1, s1;
	s10 =	sshll.u32 s0, $0x9;
	s1 =	rddreg [dreg:$0x3]  }
0x5: {  	[smem:$0x7FF] =	sst s4;
	s21 =	sshll.u32 s0, $0x6;
	s5 =	sshll.u32 s19, $0xD  }
0x6: {  	_ =	strace $0x8000004D;
	s7 =	sadd.s32 s20, s21;
	s5 =	sor.u32 s5, s10  }
0x7: {  	s11 =	sadd.s32 s10, s2;
	s9 =	sor.u32 $0x1C04, s21;
	s5 =	sshrl.u32 s5, $0x3  }
0x8: {  	s13 =	sadd.s32 s10, s3;
	s12 =	sor.u32 $0x1C05, s21;
	s6 =	sadd.s32 s5, s20  }
0x9: {  	s8 =	sadd.s32 $0x400, s7;
	s10 =	simm.s32 $0x200;
	s5 =	sadd.s32 $0x11A00, s6  }
0xa: {  	[tilespmem:s4], [sflag:$0x3] =	stream.linear.gather [hbm4b:s5+s4], $0x200, $0x38;
	[tilespmem:$0x1800] =	vst v63  }
0xb: {  	s11 =	sshrl.u32 s11, $0x3;
	s13 =	sshrl.u32 s13, $0x3;
	s6 =	sadd.s32 $0x11200, s6  }
0xc: {  	[tilespmem:s10], [sflag:$0x3] =	stream.linear.gather [hbm4b:s6+s4], $0x200, $0x38;
	[tilespmem:$0x1800] =	vst v63  }
0xd: {  	[spmem:s11], [sflag:s9] =	dma.local [hbm:s8], $0x40  }
0xe: {  	[spmem:s13], [sflag:s12] =	dma.local [hbm:s7], $0x40  }
0xf: {  	_ =	swait.ge [sflag:s14], $0x200  }
0x10: {  	[sflag:s14] =	ssyncset.done $0x0  }
0x11: {  	[sflag:s14] =	ssyncadd.s32 $0xFFFFFE00  }
0x12: {  	_ =	swait.ge [sflag:s14], $0x200  }
0x13: {  	[sflag:s14] =	ssyncset.done $0x0  }
0x14: {  	s15 =	simm.s32 $0x4;
	[sflag:s14] =	ssyncadd.s32 $0xFFFFFE00  }
0x15: {  	_ =	swait.ge [sflag:s15], $0x40  }
0x16: {  	[sflag:s15] =	ssyncset.done $0x0  }
0x17: {  	s16 =	simm.s32 $0x5;
	[sflag:s15] =	ssyncadd.s32 $0xFFFFFFC0  }
0x18: {  	_ =	swait.ge [sflag:s16], $0x40  }
0x19: {  	[sflag:s16] =	ssyncset.done $0x0  }
0x1a: {  	[sflag:s16] =	ssyncadd.s32 $0xFFFFFFC0  }
0x1b: {  	s17 =	simm.s32 $0x400;
	s18 =	simm.s32 $0x1;
	[bflag:$0x0] =	sbarrier.arrive $0xFFFF  }
0x1c: {  	[tilespmem:s17], [sflag:$0x1] =	stream.indirect.gather [spmem:s3], $0x8, s4, s10, $0xb8;
	[tilespmem:$0x1800] =	vst v63  }
0x1d: {  	s23 =	simm.s32 $0xC00;
	s22 =	ssub.s32 $0x2, s19;
	_ =	swait.ge [sflag:s18], $0x1000  }
0x1e: {  	p0 =	seq.s32 s19, $0x0;
	s24 =	sshrl.u32 s22, $0x1;
	[sflag:s18] =	ssyncset.done $0x0  }
0x1f: {  	s19 =	simm.s32 $0x2;
	s22 =	ssub.s32 s22, s24;
	[sflag:s18] =	ssyncadd.s32 $0xFFFFF000  }
0x20: {  	[spmem:s2] =	stream.indirect.scatter.add.f32 [tilespmem:s17], [sflag:$0x2], $0x8, s10, s10, $0xb8;
	[tilespmem:$0x1800] =	vst v63  }
0x21: {  	s23 =	simm.s32 @!p0 $0x800;
	s31 =	smax.u32 s22, $0x1;
	_ =	swait.ge [sflag:s19], $0x1000  }
0x22: {  	s20 =	sadd.s32 s23, s20;
	p0 =	sne.s32 s31, $0x1;
	[sflag:s19] =	ssyncset.done $0x0  }
.Ltmp0:
0x23: {  	s22 =	sor.u32 $0x1C06, s21;
	[sflag:s19] =	ssyncadd.s32 $0xFFFFF000;
	(pc) =	sbr.rel @!p0 .LBB2_2-.Ltmp0, $4  }
0x24: {  	s20 =	sadd.s32 s20, s21;
	s21 =	simm.s32 $0x6;
	[bflag:$0x0] =	sbarrier.arrive $0xFFFF  }
0x25: {  	[hbm:s20], [sflag:s22] =	dma.local [spmem:s11], $0x40  }
0x26: {  	_ =	swait.ge [sflag:s21], $0x40  }
0x27: {  	s23 =	sadd.s32 $0xFFFFFFFF, s31;
	[sflag:s21] =	ssyncset.done $0x0  }
.LBB2_1:
0x28: {  	p0 =	sne.s32 s23, $0x1;
	s23 =	sadd.s32 $0xFFFFFFFF, s23;
	[sflag:s21] =	ssyncadd.s32 $0xFFFFFFC0  }
0x29: {  	[tilespmem:s4], [sflag:$0x3] =	stream.linear.gather [hbm4b:s5+s4], $0x200, $0x38;
	[tilespmem:$0x1800] =	vst v63  }
0x2a: {  	_ = 	snop  }
0x2b: {  	[tilespmem:s10], [sflag:$0x3] =	stream.linear.gather [hbm4b:s6+s4], $0x200, $0x38;
	[tilespmem:$0x1800] =	vst v63  }
0x2c: {  	[spmem:s11], [sflag:s9] =	dma.local [hbm:s8], $0x40  }
0x2d: {  	[spmem:s13], [sflag:s12] =	dma.local [hbm:s7], $0x40  }
0x2e: {  	_ =	swait.ge [sflag:s14], $0x200  }
0x2f: {  	[sflag:s14] =	ssyncset.done $0x0  }
0x30: {  	[sflag:s14] =	ssyncadd.s32 $0xFFFFFE00  }
0x31: {  	_ =	swait.ge [sflag:s14], $0x200  }
0x32: {  	[sflag:s14] =	ssyncset.done $0x0  }
0x33: {  	[sflag:s14] =	ssyncadd.s32 $0xFFFFFE00  }
0x34: {  	_ =	swait.ge [sflag:s15], $0x40  }
0x35: {  	[sflag:s15] =	ssyncset.done $0x0  }
0x36: {  	[sflag:s15] =	ssyncadd.s32 $0xFFFFFFC0  }
0x37: {  	_ =	swait.ge [sflag:s16], $0x40  }
0x38: {  	[sflag:s16] =	ssyncset.done $0x0  }
0x39: {  	[sflag:s16] =	ssyncadd.s32 $0xFFFFFFC0  }
0x3a: {  	[bflag:$0x0] =	sbarrier.arrive $0xFFFF  }
0x3b: {  	[tilespmem:s17], [sflag:$0x1] =	stream.indirect.gather [spmem:s3], $0x8, s4, s10, $0xb8;
	[tilespmem:$0x1800] =	vst v63  }
0x3c: {  	_ =	swait.ge [sflag:s18], $0x1000  }
0x3d: {  	[sflag:s18] =	ssyncset.done $0x0  }
0x3e: {  	[sflag:s18] =	ssyncadd.s32 $0xFFFFF000  }
0x3f: {  	[spmem:s2] =	stream.indirect.scatter.add.f32 [tilespmem:s17], [sflag:$0x2], $0x8, s10, s10, $0xb8;
	[tilespmem:$0x1800] =	vst v63  }
0x40: {  	_ =	swait.ge [sflag:s19], $0x1000  }
0x41: {  	[sflag:s19] =	ssyncset.done $0x0  }
.Ltmp1:
0x42: {  	[sflag:s19] =	ssyncadd.s32 $0xFFFFF000;
	(pc) =	sbr.rel @p0 .LBB2_1-.Ltmp1, $4  }
0x43: {  	[bflag:$0x0] =	sbarrier.arrive $0xFFFF  }
0x44: {  	[hbm:s20], [sflag:s22] =	dma.local [spmem:s11], $0x40  }
0x45: {  	_ =	swait.ge [sflag:s21], $0x40  }
0x46: {  	[sflag:s21] =	ssyncset.done $0x0  }
.LBB2_2:
0x47: {  	[sflag:s21] =	ssyncadd.s32 $0xFFFFFFC0  }
0x48: {  	_ =	sfence.sel $0x180000  }
0x49: {  	[bflag:$0x0] =	sbarrier.arrive $0xFFFF  }
0x4a: {  	p0 =	sne.s32 s0, $0x0;
	_ =	strace $0x9000004D  }
0x4b: {  	s0 =	sadd.s32 @!p0 $0x100000, s1;
	[bflag:$0x2] =	sbarrier.arrive $0xFFFF  }
0x4c: {  	[sflag:s0] =	ssyncadd.tile.s32 @!p0 $0x1;
	_ =	shalt  }
.Lfunc_end2:
_tile_overlayer_lowered:
.L_overlay_start_2:
0x4d: {  	(tag) =	ssettag $0x2  }
0x4e: {  	s0 =	rddreg [dreg:$0x0];
	s2 =	stileid.u32  }
0x4f: {  	s1 =	rddreg [dreg:$0x1];
	p0 =	sne.s32 s2, $0x0  }
0x50: {  	s3 =	rddreg [dreg:$0x2];
	[bflag:$0x3] =	sbarrier.arrive $0xFFFF;
	s2 =	simm.s32 @!p0 $0x1C06  }
0x51: {  	[timem:s3], [sflag:s2] =	dma.local @!p0 [hbm:s0], s1  }
0x52: {  	s0 =	simm.s32 @!p0 $0x6  }
0x53: {  	_ =	swait.ge @!p0 [sflag:s0], s1  }
0x54: {  	s1 =	ssub.s32 @!p0 $0x0, s1;
	[sflag:s0] =	ssyncset.done @!p0 $0x0  }
0x55: {  	[sflag:s0] =	ssyncadd.s32 @!p0 s1  }
0x56: {  	[bflag:$0x3] =	sbarrier.arrive $0xFFFF  }
0x57: {  	_ =	shalt  }

// kernel: kernel.8.cloned.1.call-start
scs
__scs_entry_jumppad:
0x0: {  	(pc) =	sbr.rel $0x88, $3  }
0x1: {  	(tag) =	ssettag $0x0;
	lr =	simm.s32 $0x1  }
0x2: {  	[smem:$0x3F93] =	sst lr;
	_ =	strace $0xD0000000  }
0x3: {  	_ = 	snop  }
0x4: {  	_ = 	snop  }
0x5: {  	_ = 	snop  }
0x6: {  	_ = 	snop  }
0x7: {  	_ = 	snop  }
__scs_overlays_trampoline_lowered:
0x8: {  	[smem:$0x3FA2] =	sst s0  }
0x9: {  	[smem:$0x3FA3] =	sst s1  }
0xa: {  	[smem:$0x3FA4] =	sst s2  }
0xb: {  	[smem:$0x3FA5] =	sst s3  }
0xc: {  	[smem:$0x3FA6] =	sst s4  }
0xd: {  	[smem:$0x3FA7] =	sst s5  }
0xe: {  	[smem:$0x3FA8] =	sst s6  }
0xf: {  	[smem:$0x3FA9] =	sst s7  }
0x10: {  	[smem:$0x3FAA] =	sst s8  }
0x11: {  	[smem:$0x3FAB] =	sst s9;
	s0 =	simm.s32 @!p0 $0x0  }
0x12: {  	s1 =	sld [smem:$0x3F91];
	s0 =	simm.s32 @p0 $0x1  }
0x13: {  	[smem:$0x3FAC] =	sst s0;
	s0 =	simm.s32 @!p1 $0x0  }
0x14: {  	s2 =	sld [smem:$0x3F90];
	s0 =	simm.s32 @p1 $0x1  }
0x15: {  	[smem:$0x3FAD] =	sst s0;
	s0 =	simm.s32 @!p2 $0x0  }
0x16: {  	s3 =	sld [smem:$0x3FDB];
	s0 =	simm.s32 @p2 $0x1  }
0x17: {  	s4 =	simm.s32 $0x1BF5;
	[smem:$0x3FAF] =	sst s0  }
0x18: {  	s0 =	sld [smem:$0x3F92];
	_ =	swait.ge [sflag:s4], $0x0  }
0x19: {  	s7 =	sld [smem:$0x3F93]  }
0x1a: {  	s8 =	sadd.s32 $0xFFFFE003, lr  }
0x1b: {  	s9 =	sadd.s32 $0xFFFFFEF7, lr;
	s5 =	simm.s32 $0xFFFFFFFF;
	p2 =	slt.u32 s8, $0xFFFFF086  }
0x1c: {  	p1 =	slt.u32 s9, $0xF7A;
	s5 =	simm.s32 @!p2 $0x0  }
0x1d: {  	s5 =	simm.s32 @p1 $0x1;
	p0 =	seq.s32 s7, s2  }
0x1e: {  	s7 =	smul.u32 @!p0 $0xF7A, s2;
	p2 =	seq.s32 @!p0 s5, $0x0  }
0x1f: {  	s9 =	smul.u32 $0xF7A, s1;
	s8 =	simm.s32 @!p0 $0x1BF5;
	p2 =	por !p2, p0  }
0x20: {  	[sflag:s8] =	ssyncset.s32 @!p0 $0xFFFFF086;
	s6 =	sadd.s32 @!p0 s3, s7;
	s7 =	simm.s32 @!p0 $0x108  }
0x21: {  	s3 =	sadd.s32 s3, s9;
	s6 =	sadd.s32 @!p0 $0x88, s6;
	s7 =	simm.s32 @p2 $0x1082  }
0x22: {  	[simem:s7], [sflag:s8] =	dma.local @!p0 [hbm:s6], $0xF7A  }
0x23: {  	s9 =	sor.u32 $0xD0000000, s2;
	s6 =	simm.s32 $0x108;
	_ =	swait.ge @!p0 [sflag:s8], $0x0  }
0x24: {  	s3 =	sadd.s32 $0x88, s3;
	s6 =	simm.s32 @!p1 $0x1082;
	[sflag:s4] =	ssyncset.s32 $0xFFFFF086  }
0x25: {  	[simem:s6], [sflag:s4] =	dma.local [hbm:s3], $0xF7A  }
0x26: {  	[smem:$0x3F93] =	sst s1;
	(tag) =	ssettag s2;
	_ =	strace s9  }
0x27: {  	s1 =	sld [smem:$0x3FA3]  }
0x28: {  	s2 =	sld [smem:$0x3FA4]  }
0x29: {  	s4 =	sld [smem:$0x3FA6]  }
0x2a: {  	p0 =	seq.s32 s5, $0x0;
	s5 =	sld [smem:$0x3FA7]  }
0x2b: {  	s6 =	sld [smem:$0x3FA8]  }
0x2c: {  	s7 =	sld [smem:$0x3FA9]  }
0x2d: {  	s3 =	simm.s32 $0x108;
	s8 =	sld [smem:$0x3FAA]  }
0x2e: {  	s3 =	simm.s32 @!p0 $0x1082;
	s9 =	sld [smem:$0x3FAB]  }
0x2f: {  	lr =	sadd.s32 s0, s3;
	s0 =	sld [smem:$0x3FA2]  }
0x30: {  	s3 =	sld [smem:$0x3FA5]  }
0x31: {  	[smem:$0x3FAE] =	sst s10  }
0x32: {  	s10 =	sld [smem:$0x3FAC];
	_ =	sdelay $0x3  }
0x33: {  	p0 =	seq.s32 s10, $0x1;
	s10 =	sld [smem:$0x3FAE];
	_ =	sdelay $0x3  }
0x34: {  	[smem:$0x3FAE] =	sst s10  }
0x35: {  	s10 =	sld [smem:$0x3FAD];
	_ =	sdelay $0x3  }
0x36: {  	p1 =	seq.s32 s10, $0x1;
	s10 =	sld [smem:$0x3FAE];
	_ =	sdelay $0x3  }
0x37: {  	[smem:$0x3FAE] =	sst s10  }
0x38: {  	s10 =	sld [smem:$0x3FAF]  }
0x39: {  	_ = 	snop;
	(pc) =	sbr.ind lr, $3  }
0x3a: {  	_ = 	snop  }
0x3b: {  	_ = 	snop  }
0x3c: {  	p2 =	seq.s32 s10, $0x1;
	s10 =	sld [smem:$0x3FAE]  }
0x3d: {  	_ =	shalt  }
0x3e: {  	_ =	shalt  }
0x3f: {  	_ =	shalt  }
0x40: {  	_ =	shalt  }
0x41: {  	_ =	shalt  }
0x42: {  	_ =	shalt  }
0x43: {  	_ =	shalt  }
0x44: {  	_ =	shalt  }
0x45: {  	_ =	shalt  }
0x46: {  	_ =	shalt  }
0x47: {  	_ =	shalt  }
0x48: {  	_ =	shalt  }
0x49: {  	_ =	shalt  }
0x4a: {  	_ =	shalt  }
0x4b: {  	_ =	shalt  }
0x4c: {  	_ =	shalt  }
0x4d: {  	_ =	shalt  }
0x4e: {  	_ =	shalt  }
0x4f: {  	_ =	shalt  }
0x50: {  	_ =	shalt  }
0x51: {  	_ =	shalt  }
0x52: {  	_ =	shalt  }
0x53: {  	_ =	shalt  }
0x54: {  	_ =	shalt  }
0x55: {  	_ =	shalt  }
0x56: {  	_ =	shalt  }
0x57: {  	_ =	shalt  }
0x58: {  	_ =	shalt  }
0x59: {  	_ =	shalt  }
0x5a: {  	_ =	shalt  }
0x5b: {  	_ =	shalt  }
0x5c: {  	_ =	shalt  }
0x5d: {  	_ =	shalt  }
0x5e: {  	_ =	shalt  }
0x5f: {  	_ =	shalt  }
0x60: {  	_ =	shalt  }
0x61: {  	_ =	shalt  }
0x62: {  	_ =	shalt  }
0x63: {  	_ =	shalt  }
0x64: {  	_ =	shalt  }
0x65: {  	_ =	shalt  }
0x66: {  	_ =	shalt  }
0x67: {  	_ =	shalt  }
0x68: {  	_ =	shalt  }
0x69: {  	_ =	shalt  }
0x6a: {  	_ =	shalt  }
0x6b: {  	_ =	shalt  }
0x6c: {  	_ =	shalt  }
0x6d: {  	_ =	shalt  }
0x6e: {  	_ =	shalt  }
0x6f: {  	_ =	shalt  }
0x70: {  	_ =	shalt  }
0x71: {  	_ =	shalt  }
0x72: {  	_ =	shalt  }
0x73: {  	_ =	shalt  }
0x74: {  	_ =	shalt  }
0x75: {  	_ =	shalt  }
0x76: {  	_ =	shalt  }
0x77: {  	_ =	shalt  }
0x78: {  	_ =	shalt  }
0x79: {  	_ =	shalt  }
0x7a: {  	_ =	shalt  }
0x7b: {  	_ =	shalt  }
0x7c: {  	_ =	shalt  }
0x7d: {  	_ =	shalt  }
0x7e: {  	_ =	shalt  }
0x7f: {  	_ =	shalt  }
0x80: {  	_ =	shalt  }
0x81: {  	_ =	shalt  }
0x82: {  	_ =	shalt  }
0x83: {  	_ =	shalt  }
0x84: {  	_ =	shalt  }
0x85: {  	_ =	shalt  }
0x86: {  	_ =	shalt  }
0x87: {  	_ =	shalt  }
.Lfunc_end0:
.L_simem_size_0:
called_computation_lowered:
.L_overlay_start_0:
0x88: {  	s2 =	sld [smem:$0x3FD9]  }
0x89: {  	s3 =	sld [smem:$0x3FFE];
	_ =	sdelay $0x1  }
0x8a: {  	s1 =	srdreg.scid  }
0x8b: {  	s0 =	sand.u32 $0x1, s1  }
0x8c: {  	s16 =	sshll.u32 s0, $0xA;
	s2 =	sadd.s32 s3, s2  }
0x8d: {  	s2 =	sadd.s32 s2, s16  }
0x8e: {  	[smem:$0x3FBA] =	sst s2  }
0x8f: {  	_ = 	snop  }
0x90: {  	(tm) =	ssettm $0x1  }
0x91: {  	s17 =	sld [smem:$0x3FFB];
	_ =	sdelay $0x3  }
0x92: {  	_ =	strace s17  }
0x93: {  	s2 =	sld [smem:$0x3FFC];
	_ =	sdelay $0x3  }
0x94: {  	_ =	strace s2  }
0x95: {  	s2 =	sld [smem:$0x3FFD];
	_ =	sdelay $0x3  }
0x96: {  	_ =	strace s2  }
0x97: {  	_ =	strace $0x8FFFFFFF  }
0x98: {  	s18 =	sld [smem:$0x3FDB];
	_ =	sdelay $0x1  }
0x99: {  	s19 =	simm.s32 $_scs_section_size  }
0x9a: {  	s4 =	simm.s32 $_size__tile_overlayer_lowered;
	s5 =	simm.s32 $_tile_overlayer_lowered  }
0x9b: {  	s22 =	simm.s32 $0x1BFF;
	s21 =	sshll.u32 s5, $0x1;
	s2 =	sadd.s32 s19, s18  }
0x9c: {  	s6 =	simm.s32 $0x0;
	s20 =	sshll.u32 s4, $0x1;
	s4 =	sadd.s32 s21, s2  }
0x9d: {  	[timem:s6], [sflag:s22] =	dma.local [hbm:s4], s20  }
0x9e: {  	_ =	swait.ge [sflag:s22], s20  }
0x9f: {  	s3 =	ssub.s32 $0x0, s20;
	[sflag:s22] =	ssyncset.done $0x0  }
0xa0: {  	[sflag:s22] =	ssyncadd.s32 s3;
	_ =	sdelay $0x1  }
0xa1: {  	s23 =	simm.s32 $0x1B8B  }
0xa2: {  	_ =	swait.ge [sflag:s23], $0x1  }
0xa3: {  	[sflag:s23] =	ssyncset.done $0x0  }
0xa4: {  	s25 =	simm.s32 $0x1B8E;
	s24 =	sld [smem:$0x3FFE];
	[sflag:s23] =	ssyncadd.s32 $0xFFFFFFFF  }
0xa5: {  	s26 =	simm.s32 $execute0_lowered;
	[smem:$0x3FD2] =	sst s25  }
0xa6: {  	s4 =	sshll.u32 s26, $0x1;
	_ =	strace $0x80000046;
	[dreg:$0x1] =	wrdreg $0xFFFFFFFF  }
0xa7: {  	s28 =	simm.s32 $_size_execute0_lowered;
	s2 =	sadd.s32 s2, s4;
	[dreg:$0x0] =	wrdreg $0x0  }
0xa8: {  	s4 =	sshll.u32 s28, $0x1;
	[dreg:$0x2] =	wrdreg s2  }
0xa9: {  	[dreg:$0x3] =	wrdreg s4  }
0xaa: {  	[dreg:$0x4] =	wrdreg $0xC0  }
0xab: {  	_ =	task [dreg:s6], $0x5FFFF  }
0xac: {  	[dreg:$0x1] =	wrdreg $0xFFFFFFFF  }
0xad: {  	[dreg:$0x0] =	wrdreg $0x60  }
0xae: {  	[dreg:$0x2] =	wrdreg s24  }
0xaf: {  	[dreg:$0x3] =	wrdreg $0x90000  }
0xb0: {  	[dreg:$0x4] =	wrdreg $0xA4000  }
0xb1: {  	[dreg:$0x5] =	wrdreg $0x9  }
0xb2: {  	_ =	task.clear_ibuf [dreg:s6], $0x6FFFF;
	_ =	strace $0x90000046  }
0xb3: {  	s29 =	simm.s32 $0x9;
	_ =	strace $0x80000048  }
0xb4: {  	_ =	swait.ge [sflag:s29], $0x1  }
0xb5: {  	[sflag:s29] =	ssyncadd.s32 $0xFFFFFFFF  }
0xb6: {  	_ =	strace $0x90000048  }
0xb7: {  	_ =	sfence  }
0xb8: {  	s30 =	sld [smem:$0x0];
	_ =	sdelay $0x2  }
0xb9: {  	s31 =	sshll.u32 s1, $0xD;
	s1 =	sshrl.u32 s1, $0x2  }
0xba: {  	s3 =	sand.u32 $0x4000, s31;
	s1 =	sadd.s32 s1, s30  }
0xbb: {  	s0 =	sor.u32 s3, s0;
	s1 =	sshll.u32 s1, $0x11  }
0xbc: {  	s0 =	sor.u32 s1, s0  }
0xbd: {  	s0 =	sadd.s32 $0x8F2B, s0  }
0xbe: {  	[sflag:s0] =	ssyncadd.remote.s32 $0x1  }
0xbf: {  	_ =	sfence.sel $0xFFFF  }
0xc0: {  	[dreg:$0x0] =	wrdreg $0xFFFFFFFF;
	(pc) =	sbr.abs _section_cstart, $3  }
0xc1: {  	[dreg:$0x1] =	wrdreg $0xFFFFFFFF  }
0xc2: {  	_ =	task.clear_ibuf [dreg:s6], $0x2FFFF;
	_ =	strace $0x9FFFFFFF  }
0xc3: {  	(tm) =	ssettm $0x7FFFFFFF  }
tec
execute0_lowered:
.L_overlay_start_1:
0x0: {  	(tag) =	ssettag $0x1  }
0x1: {  	s6 =	rddreg [dreg:$0x0]  }
0x2: {  	s2 =	rddreg [dreg:$0x1]  }
0x3: {  	s3 =	rddreg [dreg:$0x2];
	s4 =	simm.s32 $0x0  }
0x4: {  	s1 =	simm.s32 $0x400;
	[smem:$0x7FF] =	sst s4  }
0x5: {  	s14 =	simm.s32 $0xC00;
	_ =	strace $0x80000047;
	[dreg:$0xc] =	wrdreg s1  }
0x6: {  	s15 =	simm.s32 $0x3200;
	[dreg:$0x14] =	wrdreg s14  }
0x7: {  	s16 =	simm.s32 $0xE00;
	[dreg:$0x15] =	wrdreg s15  }
0x8: {  	s17 =	simm.s32 $0x3400;
	[dreg:$0x16] =	wrdreg s16  }
0x9: {  	s18 =	simm.s32 $0x1000;
	[dreg:$0x17] =	wrdreg s17  }
0xa: {  	s0 =	stileid.u32;
	s19 =	simm.s32 $0x3600;
	[dreg:$0x18] =	wrdreg s18  }
0xb: {  	s20 =	simm.s32 $0x1200;
	s30 =	sshll.u32 s0, $0x6;
	[dreg:$0x19] =	wrdreg s19  }
0xc: {  	s23 =	sor.u32 $0x1C0A, s30;
	[dreg:$0x1a] =	wrdreg s20  }
0xd: {  	s26 =	sor.u32 $0x1C0B, s30;
	[dreg:$0x7] =	wrdreg s23  }
0xe: {  	s8 =	smul.u32 $0x1388, s0;
	s1 =	simm.s32 $0x1A00;
	[dreg:$0xa] =	wrdreg s26  }
0xf: {  	s5 =	srdreg.scid;
	s14 =	simm.s32 $0x2200;
	[smem:$0x7F4] =	sst s1  }
0x10: {  	s19 =	simm.s32 $0x4800;
	s21 =	sshrl.u32 s8, $0x3;
	[smem:$0x7FC] =	sst s14  }
0x11: {  	s25 =	sadd.s32 s8, s3;
	s8 =	simm.s32 $0x600;
	[smem:$0x7FD] =	sst s19  }
0x12: {  	s7 =	smul.u32 $0x2800, s0;
	s23 =	simm.s32 $0x3A00;
	[dreg:$0xe] =	wrdreg s8  }
0x13: {  	s29 =	sand.u32 $0x1, s5;
	s26 =	simm.s32 $0x1800;
	[dreg:$0x1d] =	wrdreg s23  }
0x14: {  	s5 =	smul.u32 $0x1400, s0;
	p0 =	seq.s32 s29, $0x0;
	[smem:$0x7F2] =	sst s26  }
0x15: {  	s9 =	sadd.s32 $0x28000, s7;
	s0 =	sshrl.u32 s25, $0x3;
	s15 =	rddreg [dreg:$0x7]  }
0x16: {  	s10 =	sshrl.u32 s5, $0x3;
	s25 =	simm.s32 $0x3C00;
	[dreg:$0xb] =	wrdreg s0  }
0x17: {  	s11 =	sadd.s32 s10, s6;
	s8 =	simm.s32 $0x1C00;
	[dreg:$0x1f] =	wrdreg s25  }
0x18: {  	s9 =	smov.u32 @p0 s7;
	s22 =	sadd.s32 $0x17200, s11;
	[smem:$0x7F6] =	sst s8  }
0x19: {  	s7 =	sshrl.u32 s9, $0x3;
	s11 =	simm.s32 $0x2E00;
	[dreg:$0x6] =	wrdreg s22  }
0x1a: {  	s9 =	sadd.s32 s21, s6;
	s21 =	simm.s32 $0x3800;
	[dreg:$0x11] =	wrdreg s11  }
0x1b: {  	s0 =	simm.s32 $0x3E00;
	[dreg:$0x1b] =	wrdreg s21  }
0x1c: {  	s24 =	sadd.s32 $0xA00, s9;
	[smem:$0x7F3] =	sst s0  }
0x1d: {  	s9 =	simm.s32 $0x2C00;
	[dreg:$0x8] =	wrdreg s24  }
0x1e: {  	s22 =	simm.s32 $0x1400;
	[dreg:$0xf] =	wrdreg s9  }
0x1f: {  	s11 =	simm.s32 $0x4400;
	[dreg:$0x1c] =	wrdreg s22  }
0x20: {  	s7 =	sadd.s32 s7, s6;
	[smem:$0x7F9] =	sst s11  }
0x21: {  	s13 =	sadd.s32 $0x19A00, s6;
	s12 =	sadd.s32 $0x3200, s7;
	s17 =	rddreg [dreg:$0x6]  }
0x22: {  	s6 =	sadd.s32 $0x1C200, s6;
	s7 =	sadd.s32 $0xD200, s7;
	[dreg:$0x4] =	wrdreg s12  }
0x23: {  	s6 =	smov.u32 @p0 s13;
	s13 =	simm.s32 $0x3000;
	[dreg:$0x5] =	wrdreg s7  }
0x24: {  	s24 =	simm.s32 $0x1600;
	[dreg:$0x13] =	wrdreg s13  }
0x25: {  	s9 =	simm.s32 $0x4200;
	[dreg:$0x1e] =	wrdreg s24  }
0x26: {  	s6 =	sadd.s32 s6, s10;
	[smem:$0x7F7] =	sst s9  }
0x27: {  	s7 =	simm.s32 $0x2A00;
	[dreg:$0x9] =	wrdreg s6  }
0x28: {  	s10 =	simm.s32 $0x800;
	[dreg:$0xd] =	wrdreg s7  }
0x29: {  	s12 =	simm.s32 $0xA00;
	[dreg:$0x10] =	wrdreg s10  }
0x2a: {  	s13 =	simm.s32 $0x4600;
	[dreg:$0x12] =	wrdreg s12  }
0x2b: {  	[smem:$0x7FB] =	sst s13  }
0x2c: {  	s16 =	rddreg [dreg:$0x4]  }
0x2d: {  	s7 =	simm.s32 $0x4000;
	s20 =	rddreg [dreg:$0x5]  }
0x2e: {  	s10 =	simm.s32 $0x1E00;
	[smem:$0x7F5] =	sst s7  }
0x2f: {  	s18 =	sadd.s32 s5, s2;
	s12 =	simm.s32 $0x2000;
	[smem:$0x7F8] =	sst s10  }
0x30: {  	[tilespmem:s4], [sflag:$0x9] =	stream.linear.gather [hbm4b:s16+s4], $0x2800, $0x38;
	[tilespmem:$0xB788] =	vst v63  }
0x31: {  	s5 =	simm.s32 $0x2800;
	s6 =	sshrl.u32 s18, $0x3;
	[smem:$0x7FA] =	sst s12  }
0x32: {  	[tilespmem:s5], [sflag:$0x9] =	stream.linear.gather [hbm4b:s20+s4], $0x2800, $0x38;
	[tilespmem:$0xB788] =	vst v63  }
0x33: {  	[spmem:s6], [sflag:s15] =	dma.local [hbm:s17], $0x280  }
0x34: {  	s8 =	rddreg [dreg:$0xb]  }
0x35: {  	s21 =	rddreg [dreg:$0x8]  }
0x36: {  	s7 =	simm.s32 $0x9;
	s22 =	rddreg [dreg:$0xa]  }
0x37: {  	[spmem:s8], [sflag:s22] =	dma.local [hbm:s21], $0x271  }
0x38: {  	_ =	swait.ge [sflag:s7], $0x2800  }
0x39: {  	[sflag:s7] =	ssyncset.done $0x0  }
0x3a: {  	[sflag:s7] =	ssyncadd.s32 $0xFFFFD800  }
0x3b: {  	_ =	swait.ge [sflag:s7], $0x2800  }
0x3c: {  	[sflag:s7] =	ssyncset.done $0x0  }
0x3d: {  	s8 =	simm.s32 $0xA;
	[sflag:s7] =	ssyncadd.s32 $0xFFFFD800  }
0x3e: {  	_ =	swait.ge [sflag:s8], $0x280  }
0x3f: {  	[sflag:s8] =	ssyncset.done $0x0  }
0x40: {  	s9 =	simm.s32 $0xB;
	[sflag:s8] =	ssyncadd.s32 $0xFFFFFD80  }
0x41: {  	_ =	swait.ge [sflag:s9], $0x271  }
0x42: {  	[sflag:s9] =	ssyncset.done $0x0  }
0x43: {  	[sflag:s9] =	ssyncadd.s32 $0xFFFFFD8F  }
0x44: {  	s11 =	simm.s32 $0x5000;
	s10 =	simm.s32 $0x200;
	[bflag:$0x0] =	sbarrier.arrive $0xFFFF  }
0x45: {  	[tilespmem:s11], [sflag:$0x1] =	stream.indirect.gather [spmem:s3], $0x8, s4, s10, $0xb8;
	[tilespmem:$0xB788] =	vst v63  }
0x46: {  	s13 =	simm.s32 $0x1;
	s12 =	simm.s32 $0x6000  }
0x47: {  	[tilespmem:s12], [sflag:$0x2] =	stream.indirect.gather [spmem:s3], $0x8, s10, s10, $0xb8;
	[tilespmem:$0xB788] =	vst v63  }
0x48: {  	_ =	swait.ge [sflag:s13], $0x1000  }
0x49: {  	[sflag:s13] =	ssyncset.done $0x0  }
0x4a: {  	[sflag:s13] =	ssyncadd.s32 $0xFFFFF000  }
0x4b: {  	[spmem:s2] =	stream.indirect.scatter.add.f32 [tilespmem:s11], [sflag:$0x5], $0x8, s5, s10, $0xb8;
	[tilespmem:$0xB788] =	vst v63  }
0x4c: {  	s14 =	simm.s32 $0x7000;
	s15 =	simm.s32 $0x2;
	s16 =	rddreg [dreg:$0xc]  }
0x4d: {  	[tilespmem:s14], [sflag:$0x3] =	stream.indirect.gather [spmem:s3], $0x8, s16, s10, $0xb8;
	[tilespmem:$0xB788] =	vst v63  }
0x4e: {  	_ =	swait.ge [sflag:s15], $0x1000  }
0x4f: {  	[sflag:s15] =	ssyncset.done $0x0  }
0x50: {  	s23 =	rddreg [dreg:$0xd];
	[sflag:s15] =	ssyncadd.s32 $0xFFFFF000  }
0x51: {  	[spmem:s2] =	stream.indirect.scatter.add.f32 [tilespmem:s12], [sflag:$0x6], $0x8, s23, s10, $0xb8;
	[tilespmem:$0xB788] =	vst v63  }
0x52: {  	s17 =	simm.s32 $0x3;
	s16 =	simm.s32 $0x8000;
	s18 =	rddreg [dreg:$0xe]  }
0x53: {  	[tilespmem:s16], [sflag:$0x4] =	stream.indirect.gather [spmem:s3], $0x8, s18, s10, $0xb8;
	[tilespmem:$0xB788] =	vst v63  }
0x54: {  	_ =	swait.ge [sflag:s17], $0x1000  }
0x55: {  	[sflag:s17] =	ssyncset.done $0x0  }
0x56: {  	s18 =	simm.s32 $0x5;
	s19 =	rddreg [dreg:$0xf];
	[sflag:s17] =	ssyncadd.s32 $0xFFFFF000  }
0x57: {  	[spmem:s2] =	stream.indirect.scatter.add.f32 [tilespmem:s14], [sflag:$0x7], $0x8, s19, s10, $0xb8;
	[tilespmem:$0xB788] =	vst v63  }
0x58: {  	_ =	swait.ge [sflag:s18], $0x1000  }
0x59: {  	[sflag:s18] =	ssyncset.done $0x0  }
0x5a: {  	s19 =	simm.s32 $0x4;
	s20 =	rddreg [dreg:$0x10];
	[sflag:s18] =	ssyncadd.s32 $0xFFFFF000  }
0x5b: {  	[tilespmem:s11], [sflag:$0x1] =	stream.indirect.gather [spmem:s3], $0x8, s20, s10, $0xb8;
	[tilespmem:$0xB788] =	vst v63  }
0x5c: {  	_ =	swait.ge [sflag:s19], $0x1000  }
0x5d: {  	[sflag:s19] =	ssyncset.done $0x0  }
0x5e: {  	s20 =	simm.s32 $0x6;
	s21 =	rddreg [dreg:$0x11];
	[sflag:s19] =	ssyncadd.s32 $0xFFFFF000  }
0x5f: {  	[spmem:s2] =	stream.indirect.scatter.add.f32 [tilespmem:s16], [sflag:$0x8], $0x8, s21, s10, $0xb8;
	[tilespmem:$0xB788] =	vst v63  }
0x60: {  	_ =	swait.ge [sflag:s20], $0x1000  }
0x61: {  	[sflag:s20] =	ssyncset.done $0x0  }
0x62: {  	s24 =	rddreg [dreg:$0x12];
	[sflag:s20] =	ssyncadd.s32 $0xFFFFF000  }
0x63: {  	[tilespmem:s12], [sflag:$0x2] =	stream.indirect.gather [spmem:s3], $0x8, s24, s10, $0xb8;
	[tilespmem:$0xB788] =	vst v63  }
0x64: {  	_ =	swait.ge [sflag:s13], $0x1000  }
0x65: {  	[sflag:s13] =	ssyncset.done $0x0  }
0x66: {  	s21 =	simm.s32 $0x7;
	s22 =	rddreg [dreg:$0x13];
	[sflag:s13] =	ssyncadd.s32 $0xFFFFF000  }
0x67: {  	[spmem:s2] =	stream.indirect.scatter.add.f32 [tilespmem:s11], [sflag:$0x5], $0x8, s22, s10, $0xb8;
	[tilespmem:$0xB788] =	vst v63  }
0x68: {  	_ =	swait.ge [sflag:s21], $0x1000  }
0x69: {  	[sflag:s21] =	ssyncset.done $0x0  }
0x6a: {  	s25 =	rddreg [dreg:$0x14];
	[sflag:s21] =	ssyncadd.s32 $0xFFFFF000  }
0x6b: {  	[tilespmem:s14], [sflag:$0x3] =	stream.indirect.gather [spmem:s3], $0x8, s25, s10, $0xb8;
	[tilespmem:$0xB788] =	vst v63  }
0x6c: {  	_ =	swait.ge [sflag:s15], $0x1000  }
0x6d: {  	[sflag:s15] =	ssyncset.done $0x0  }
0x6e: {  	s22 =	simm.s32 $0x8;
	s23 =	rddreg [dreg:$0x15];
	[sflag:s15] =	ssyncadd.s32 $0xFFFFF000  }
0x6f: {  	[spmem:s2] =	stream.indirect.scatter.add.f32 [tilespmem:s12], [sflag:$0x6], $0x8, s23, s10, $0xb8;
	[tilespmem:$0xB788] =	vst v63  }
0x70: {  	_ =	swait.ge [sflag:s22], $0x1000  }
0x71: {  	[sflag:s22] =	ssyncset.done $0x0  }
0x72: {  	s26 =	rddreg [dreg:$0x16];
	[sflag:s22] =	ssyncadd.s32 $0xFFFFF000  }
0x73: {  	[tilespmem:s16], [sflag:$0x4] =	stream.indirect.gather [spmem:s3], $0x8, s26, s10, $0xb8;
	[tilespmem:$0xB788] =	vst v63  }
0x74: {  	_ =	swait.ge [sflag:s17], $0x1000  }
0x75: {  	[sflag:s17] =	ssyncset.done $0x0  }
0x76: {  	s0 =	rddreg [dreg:$0x17];
	[sflag:s17] =	ssyncadd.s32 $0xFFFFF000  }
0x77: {  	[spmem:s2] =	stream.indirect.scatter.add.f32 [tilespmem:s14], [sflag:$0x7], $0x8, s0, s10, $0xb8;
	[tilespmem:$0xB788] =	vst v63  }
0x78: {  	_ =	swait.ge [sflag:s18], $0x1000  }
0x79: {  	[sflag:s18] =	ssyncset.done $0x0  }
0x7a: {  	s1 =	rddreg [dreg:$0x18];
	[sflag:s18] =	ssyncadd.s32 $0xFFFFF000  }
0x7b: {  	[tilespmem:s11], [sflag:$0x1] =	stream.indirect.gather [spmem:s3], $0x8, s1, s10, $0xb8;
	[tilespmem:$0xB788] =	vst v63  }
0x7c: {  	_ =	swait.ge [sflag:s19], $0x1000  }
0x7d: {  	[sflag:s19] =	ssyncset.done $0x0  }
0x7e: {  	s24 =	rddreg [dreg:$0x19];
	[sflag:s19] =	ssyncadd.s32 $0xFFFFF000  }
0x7f: {  	[spmem:s2] =	stream.indirect.scatter.add.f32 [tilespmem:s16], [sflag:$0x8], $0x8, s24, s10, $0xb8;
	[tilespmem:$0xB788] =	vst v63  }
0x80: {  	_ =	swait.ge [sflag:s20], $0x1000  }
0x81: {  	[sflag:s20] =	ssyncset.done $0x0  }
0x82: {  	s25 =	rddreg [dreg:$0x1a];
	[sflag:s20] =	ssyncadd.s32 $0xFFFFF000  }
0x83: {  	[tilespmem:s12], [sflag:$0x2] =	stream.indirect.gather [spmem:s3], $0x8, s25, s10, $0xb8;
	[tilespmem:$0xB788] =	vst v63  }
0x84: {  	_ =	swait.ge [sflag:s13], $0x1000  }
0x85: {  	[sflag:s13] =	ssyncset.done $0x0  }
0x86: {  	s26 =	rddreg [dreg:$0x1b];
	[sflag:s13] =	ssyncadd.s32 $0xFFFFF000  }
0x87: {  	[spmem:s2] =	stream.indirect.scatter.add.f32 [tilespmem:s11], [sflag:$0x5], $0x8, s26, s10, $0xb8;
	[tilespmem:$0xB788] =	vst v63  }
0x88: {  	_ =	swait.ge [sflag:s21], $0x1000  }
0x89: {  	[sflag:s21] =	ssyncset.done $0x0  }
0x8a: {  	s0 =	rddreg [dreg:$0x1c];
	[sflag:s21] =	ssyncadd.s32 $0xFFFFF000  }
0x8b: {  	[tilespmem:s14], [sflag:$0x3] =	stream.indirect.gather [spmem:s3], $0x8, s0, s10, $0xb8;
	[tilespmem:$0xB788] =	vst v63  }
0x8c: {  	_ =	swait.ge [sflag:s15], $0x1000  }
0x8d: {  	[sflag:s15] =	ssyncset.done $0x0  }
0x8e: {  	s1 =	rddreg [dreg:$0x1d];
	[sflag:s15] =	ssyncadd.s32 $0xFFFFF000  }
0x8f: {  	[spmem:s2] =	stream.indirect.scatter.add.f32 [tilespmem:s12], [sflag:$0x6], $0x8, s1, s10, $0xb8;
	[tilespmem:$0xB788] =	vst v63  }
0x90: {  	_ =	swait.ge [sflag:s22], $0x1000  }
0x91: {  	[sflag:s22] =	ssyncset.done $0x0  }
0x92: {  	s24 =	rddreg [dreg:$0x1e];
	[sflag:s22] =	ssyncadd.s32 $0xFFFFF000  }
0x93: {  	[tilespmem:s16], [sflag:$0x4] =	stream.indirect.gather [spmem:s3], $0x8, s24, s10, $0xb8;
	[tilespmem:$0xB788] =	vst v63  }
0x94: {  	_ =	swait.ge [sflag:s17], $0x1000  }
0x95: {  	[sflag:s17] =	ssyncset.done $0x0  }
0x96: {  	s25 =	rddreg [dreg:$0x1f];
	[sflag:s17] =	ssyncadd.s32 $0xFFFFF000  }
0x97: {  	[spmem:s2] =	stream.indirect.scatter.add.f32 [tilespmem:s14], [sflag:$0x7], $0x8, s25, s10, $0xb8;
	[tilespmem:$0xB788] =	vst v63  }
0x98: {  	_ =	swait.ge [sflag:s18], $0x1000  }
0x99: {  	s26 =	sld [smem:$0x7F2]  }
0x9a: {  	[sflag:s18] =	ssyncset.done $0x0  }
0x9b: {  	[sflag:s18] =	ssyncadd.s32 $0xFFFFF000  }
0x9c: {  	[tilespmem:s11], [sflag:$0x1] =	stream.indirect.gather [spmem:s3], $0x8, s26, s10, $0xb8;
	[tilespmem:$0xB788] =	vst v63  }
0x9d: {  	_ =	swait.ge [sflag:s19], $0x1000  }
0x9e: {  	s0 =	sld [smem:$0x7F3]  }
0x9f: {  	[sflag:s19] =	ssyncset.done $0x0  }
0xa0: {  	[sflag:s19] =	ssyncadd.s32 $0xFFFFF000  }
0xa1: {  	[spmem:s2] =	stream.indirect.scatter.add.f32 [tilespmem:s16], [sflag:$0x8], $0x8, s0, s10, $0xb8;
	[tilespmem:$0xB788] =	vst v63  }
0xa2: {  	_ =	swait.ge [sflag:s20], $0x1000  }
0xa3: {  	s1 =	sld [smem:$0x7F4]  }
0xa4: {  	[sflag:s20] =	ssyncset.done $0x0  }
0xa5: {  	[sflag:s20] =	ssyncadd.s32 $0xFFFFF000  }
0xa6: {  	[tilespmem:s12], [sflag:$0x2] =	stream.indirect.gather [spmem:s3], $0x8, s1, s10, $0xb8;
	[tilespmem:$0xB788] =	vst v63  }
0xa7: {  	_ =	swait.ge [sflag:s13], $0x1000  }
0xa8: {  	s24 =	sld [smem:$0x7F5]  }
0xa9: {  	[sflag:s13] =	ssyncset.done $0x0  }
0xaa: {  	[sflag:s13] =	ssyncadd.s32 $0xFFFFF000  }
0xab: {  	[spmem:s2] =	stream.indirect.scatter.add.f32 [tilespmem:s11], [sflag:$0x5], $0x8, s24, s10, $0xb8;
	[tilespmem:$0xB788] =	vst v63  }
0xac: {  	_ =	swait.ge [sflag:s21], $0x1000  }
0xad: {  	s25 =	sld [smem:$0x7F6]  }
0xae: {  	[sflag:s21] =	ssyncset.done $0x0  }
0xaf: {  	[sflag:s21] =	ssyncadd.s32 $0xFFFFF000  }
0xb0: {  	[tilespmem:s14], [sflag:$0x3] =	stream.indirect.gather [spmem:s3], $0x8, s25, s10, $0xb8;
	[tilespmem:$0xB788] =	vst v63  }
0xb1: {  	_ =	swait.ge [sflag:s15], $0x1000  }
0xb2: {  	s26 =	sld [smem:$0x7F7]  }
0xb3: {  	[sflag:s15] =	ssyncset.done $0x0  }
0xb4: {  	[sflag:s15] =	ssyncadd.s32 $0xFFFFF000  }
0xb5: {  	[spmem:s2] =	stream.indirect.scatter.add.f32 [tilespmem:s12], [sflag:$0x6], $0x8, s26, s10, $0xb8;
	[tilespmem:$0xB788] =	vst v63  }
0xb6: {  	_ =	swait.ge [sflag:s22], $0x1000  }
0xb7: {  	s0 =	sld [smem:$0x7F8]  }
0xb8: {  	[sflag:s22] =	ssyncset.done $0x0  }
0xb9: {  	[sflag:s22] =	ssyncadd.s32 $0xFFFFF000  }
0xba: {  	[tilespmem:s16], [sflag:$0x4] =	stream.indirect.gather [spmem:s3], $0x8, s0, s10, $0xb8;
	[tilespmem:$0xB788] =	vst v63  }
0xbb: {  	_ =	swait.ge [sflag:s17], $0x1000  }
0xbc: {  	s1 =	sld [smem:$0x7F9]  }
0xbd: {  	[sflag:s17] =	ssyncset.done $0x0  }
0xbe: {  	[sflag:s17] =	ssyncadd.s32 $0xFFFFF000  }
0xbf: {  	[spmem:s2] =	stream.indirect.scatter.add.f32 [tilespmem:s14], [sflag:$0x7], $0x8, s1, s10, $0xb8;
	[tilespmem:$0xB788] =	vst v63  }
0xc0: {  	_ =	swait.ge [sflag:s18], $0x1000  }
0xc1: {  	s24 =	sld [smem:$0x7FA]  }
0xc2: {  	[sflag:s18] =	ssyncset.done $0x0  }
0xc3: {  	[sflag:s18] =	ssyncadd.s32 $0xFFFFF000  }
0xc4: {  	[tilespmem:s11], [sflag:$0x1] =	stream.indirect.gather [spmem:s3], $0x8, s24, s10, $0xb8;
	[tilespmem:$0xB788] =	vst v63  }
0xc5: {  	_ =	swait.ge [sflag:s19], $0x1000  }
0xc6: {  	s25 =	sld [smem:$0x7FB]  }
0xc7: {  	[sflag:s19] =	ssyncset.done $0x0  }
0xc8: {  	[sflag:s19] =	ssyncadd.s32 $0xFFFFF000  }
0xc9: {  	[spmem:s2] =	stream.indirect.scatter.add.f32 [tilespmem:s16], [sflag:$0x8], $0x8, s25, s10, $0xb8;
	[tilespmem:$0xB788] =	vst v63  }
0xca: {  	_ =	swait.ge [sflag:s20], $0x1000  }
0xcb: {  	s26 =	sld [smem:$0x7FC]  }
0xcc: {  	[sflag:s20] =	ssyncset.done $0x0  }
0xcd: {  	[sflag:s20] =	ssyncadd.s32 $0xFFFFF000  }
0xce: {  	[tilespmem:s12], [sflag:$0x2] =	stream.indirect.gather [spmem:s3], $0x8, s26, s10, $0xb8;
	[tilespmem:$0xB788] =	vst v63  }
0xcf: {  	_ =	swait.ge [sflag:s13], $0x1000  }
0xd0: {  	s0 =	sld [smem:$0x7FD]  }
0xd1: {  	[sflag:s13] =	ssyncset.done $0x0  }
0xd2: {  	[sflag:s13] =	ssyncadd.s32 $0xFFFFF000  }
0xd3: {  	[spmem:s2] =	stream.indirect.scatter.add.f32 [tilespmem:s11], [sflag:$0x5], $0x8, s0, s10, $0xb8;
	[tilespmem:$0xB788] =	vst v63  }
0xd4: {  	_ =	swait.ge [sflag:s21], $0x1000  }
0xd5: {  	[sflag:s21] =	ssyncset.done $0x0  }
0xd6: {  	s1 =	simm.s32 $0x2400;
	[sflag:s21] =	ssyncadd.s32 $0xFFFFF000  }
0xd7: {  	[tilespmem:s14], [sflag:$0x3] =	stream.indirect.gather [spmem:s3], $0x8, s1, s10, $0xb8;
	[tilespmem:$0xB788] =	vst v63  }
0xd8: {  	_ =	swait.ge [sflag:s15], $0x1000  }
0xd9: {  	[sflag:s15] =	ssyncset.done $0x0  }
0xda: {  	s23 =	simm.s32 $0x4A00;
	[sflag:s15] =	ssyncadd.s32 $0xFFFFF000  }
0xdb: {  	[spmem:s2] =	stream.indirect.scatter.add.f32 [tilespmem:s12], [sflag:$0x6], $0x8, s23, s10, $0xb8;
	[tilespmem:$0xB788] =	vst v63  }
0xdc: {  	_ =	swait.ge [sflag:s22], $0x1000  }
0xdd: {  	[sflag:s22] =	ssyncset.done $0x0  }
0xde: {  	s25 =	simm.s32 $0x2600;
	[sflag:s22] =	ssyncadd.s32 $0xFFFFF000  }
0xdf: {  	[tilespmem:s16], [sflag:$0x4] =	stream.indirect.gather [spmem:s3], $0x8, s25, s10, $0xb8;
	[tilespmem:$0xB788] =	vst v63  }
0xe0: {  	_ =	swait.ge [sflag:s17], $0x1000  }
0xe1: {  	[sflag:s17] =	ssyncset.done $0x0  }
0xe2: {  	s26 =	simm.s32 $0x4C00;
	[sflag:s17] =	ssyncadd.s32 $0xFFFFF000  }
0xe3: {  	[spmem:s2] =	stream.indirect.scatter.add.f32 [tilespmem:s14], [sflag:$0x7], $0x8, s26, s10, $0xb8;
	[tilespmem:$0xB788] =	vst v63  }
0xe4: {  	_ =	swait.ge [sflag:s18], $0x1000  }
0xe5: {  	[sflag:s18] =	ssyncset.done $0x0  }
0xe6: {  	[sflag:s18] =	ssyncadd.s32 $0xFFFFF000  }
0xe7: {  	_ =	swait.ge [sflag:s19], $0x1000  }
0xe8: {  	[sflag:s19] =	ssyncset.done $0x0  }
0xe9: {  	s28 =	simm.s32 $0x4E00;
	[sflag:s19] =	ssyncadd.s32 $0xFFFFF000  }
0xea: {  	[spmem:s2] =	stream.indirect.scatter.add.f32 [tilespmem:s16], [sflag:$0x8], $0x8, s28, s10, $0xb8;
	[tilespmem:$0xB788] =	vst v63  }
0xeb: {  	_ =	swait.ge [sflag:s20], $0x1000  }
0xec: {  	[sflag:s20] =	ssyncset.done $0x0  }
0xed: {  	[sflag:s20] =	ssyncadd.s32 $0xFFFFF000  }
0xee: {  	s29 =	ssub.s32 $0x2, s29;
	_ =	swait.ge [sflag:s21], $0x1000  }
0xef: {  	s24 =	sshrl.u32 s29, $0x1;
	[sflag:s21] =	ssyncset.done $0x0  }
0xf0: {  	s0 =	ssub.s32 s29, s24;
	[sflag:s21] =	ssyncadd.s32 $0xFFFFF000  }
0xf1: {  	s0 =	smax.u32 s0, $0x1;
	_ =	swait.ge [sflag:s22], $0x1000  }
0xf2: {  	p0 =	sne.s32 s0, $0x1;
	[sflag:s22] =	ssyncset.done $0x0  }
.Ltmp0:
0xf3: {  	[sflag:s22] =	ssyncadd.s32 $0xFFFFF000;
	(pc) =	sbr.rel @!p0 .LBB2_2-.Ltmp0, $4  }
0xf4: {  	[bflag:$0x0] =	sbarrier.arrive $0xFFFF  }
0xf5: {  	s29 =	sor.u32 $0x1C0C, s30;
	s31 =	rddreg [dreg:$0x9]  }
0xf6: {  	[hbm:s31], [sflag:s29] =	dma.local [spmem:s6], $0x280  }
0xf7: {  	s30 =	simm.s32 $0xC;
	s31 =	sadd.s32 $0xFFFFFFFF, s0  }
.LBB2_1:
0xf8: {  	_ =	swait.ge [sflag:s30], $0x280  }
0xf9: {  	s0 =	rddreg [dreg:$0x7]  }
0xfa: {  	[sflag:s30] =	ssyncset.done $0x0;
	s1 =	rddreg [dreg:$0x4]  }
0xfb: {  	s23 =	rddreg [dreg:$0x6];
	[sflag:s30] =	ssyncadd.s32 $0xFFFFFD80  }
0xfc: {  	[tilespmem:s4], [sflag:$0x9] =	stream.linear.gather [hbm4b:s1+s4], $0x2800, $0x38;
	[tilespmem:$0xB788] =	vst v63  }
0xfd: {  	s24 =	rddreg [dreg:$0x5]  }
0xfe: {  	[tilespmem:s5], [sflag:$0x9] =	stream.linear.gather [hbm4b:s24+s4], $0x2800, $0x38;
	[tilespmem:$0xB788] =	vst v63  }
0xff: {  	[spmem:s6], [sflag:s0] =	dma.local [hbm:s23], $0x280  }
0x100: {  	s0 =	rddreg [dreg:$0xb]  }
0x101: {  	s24 =	rddreg [dreg:$0x8]  }
0x102: {  	s23 =	rddreg [dreg:$0xa]  }
0x103: {  	[spmem:s0], [sflag:s23] =	dma.local [hbm:s24], $0x271  }
0x104: {  	_ =	swait.ge [sflag:s7], $0x2800  }
0x105: {  	[sflag:s7] =	ssyncset.done $0x0  }
0x106: {  	[sflag:s7] =	ssyncadd.s32 $0xFFFFD800  }
0x107: {  	_ =	swait.ge [sflag:s7], $0x2800  }
0x108: {  	[sflag:s7] =	ssyncset.done $0x0  }
0x109: {  	[sflag:s7] =	ssyncadd.s32 $0xFFFFD800  }
0x10a: {  	_ =	swait.ge [sflag:s8], $0x280  }
0x10b: {  	[sflag:s8] =	ssyncset.done $0x0  }
0x10c: {  	[sflag:s8] =	ssyncadd.s32 $0xFFFFFD80  }
0x10d: {  	_ =	swait.ge [sflag:s9], $0x271  }
0x10e: {  	[sflag:s9] =	ssyncset.done $0x0  }
0x10f: {  	[sflag:s9] =	ssyncadd.s32 $0xFFFFFD8F  }
0x110: {  	[bflag:$0x0] =	sbarrier.arrive $0xFFFF  }
0x111: {  	[tilespmem:s11], [sflag:$0x1] =	stream.indirect.gather [spmem:s3], $0x8, s4, s10, $0xb8;
	[tilespmem:$0xB788] =	vst v63  }
0x112: {  	_ = 	snop  }
0x113: {  	[tilespmem:s12], [sflag:$0x2] =	stream.indirect.gather [spmem:s3], $0x8, s10, s10, $0xb8;
	[tilespmem:$0xB788] =	vst v63  }
0x114: {  	_ =	swait.ge [sflag:s13], $0x1000  }
0x115: {  	[sflag:s13] =	ssyncset.done $0x0  }
0x116: {  	[sflag:s13] =	ssyncadd.s32 $0xFFFFF000  }
0x117: {  	[spmem:s2] =	stream.indirect.scatter.add.f32 [tilespmem:s11], [sflag:$0x5], $0x8, s5, s10, $0xb8;
	[tilespmem:$0xB788] =	vst v63  }
0x118: {  	s1 =	rddreg [dreg:$0xc]  }
0x119: {  	[tilespmem:s14], [sflag:$0x3] =	stream.indirect.gather [spmem:s3], $0x8, s1, s10, $0xb8;
	[tilespmem:$0xB788] =	vst v63  }
0x11a: {  	_ =	swait.ge [sflag:s15], $0x1000  }
0x11b: {  	[sflag:s15] =	ssyncset.done $0x0  }
0x11c: {  	s23 =	rddreg [dreg:$0xd];
	[sflag:s15] =	ssyncadd.s32 $0xFFFFF000  }
0x11d: {  	[spmem:s2] =	stream.indirect.scatter.add.f32 [tilespmem:s12], [sflag:$0x6], $0x8, s23, s10, $0xb8;
	[tilespmem:$0xB788] =	vst v63  }
0x11e: {  	s24 =	rddreg [dreg:$0xe]  }
0x11f: {  	[tilespmem:s16], [sflag:$0x4] =	stream.indirect.gather [spmem:s3], $0x8, s24, s10, $0xb8;
	[tilespmem:$0xB788] =	vst v63  }
0x120: {  	_ =	swait.ge [sflag:s17], $0x1000  }
0x121: {  	[sflag:s17] =	ssyncset.done $0x0  }
0x122: {  	s23 =	rddreg [dreg:$0xf];
	[sflag:s17] =	ssyncadd.s32 $0xFFFFF000  }
0x123: {  	[spmem:s2] =	stream.indirect.scatter.add.f32 [tilespmem:s14], [sflag:$0x7], $0x8, s23, s10, $0xb8;
	[tilespmem:$0xB788] =	vst v63  }
0x124: {  	_ =	swait.ge [sflag:s18], $0x1000  }
0x125: {  	[sflag:s18] =	ssyncset.done $0x0  }
0x126: {  	s24 =	rddreg [dreg:$0x10];
	[sflag:s18] =	ssyncadd.s32 $0xFFFFF000  }
0x127: {  	[tilespmem:s11], [sflag:$0x1] =	stream.indirect.gather [spmem:s3], $0x8, s24, s10, $0xb8;
	[tilespmem:$0xB788] =	vst v63  }
0x128: {  	_ =	swait.ge [sflag:s19], $0x1000  }
0x129: {  	[sflag:s19] =	ssyncset.done $0x0  }
0x12a: {  	s1 =	rddreg [dreg:$0x11];
	[sflag:s19] =	ssyncadd.s32 $0xFFFFF000  }
0x12b: {  	[spmem:s2] =	stream.indirect.scatter.add.f32 [tilespmem:s16], [sflag:$0x8], $0x8, s1, s10, $0xb8;
	[tilespmem:$0xB788] =	vst v63  }
0x12c: {  	_ =	swait.ge [sflag:s20], $0x1000  }
0x12d: {  	[sflag:s20] =	ssyncset.done $0x0  }
0x12e: {  	s23 =	rddreg [dreg:$0x12];
	[sflag:s20] =	ssyncadd.s32 $0xFFFFF000  }
0x12f: {  	[tilespmem:s12], [sflag:$0x2] =	stream.indirect.gather [spmem:s3], $0x8, s23, s10, $0xb8;
	[tilespmem:$0xB788] =	vst v63  }
0x130: {  	_ =	swait.ge [sflag:s13], $0x1000  }
0x131: {  	[sflag:s13] =	ssyncset.done $0x0  }
0x132: {  	s24 =	rddreg [dreg:$0x13];
	[sflag:s13] =	ssyncadd.s32 $0xFFFFF000  }
0x133: {  	[spmem:s2] =	stream.indirect.scatter.add.f32 [tilespmem:s11], [sflag:$0x5], $0x8, s24, s10, $0xb8;
	[tilespmem:$0xB788] =	vst v63  }
0x134: {  	_ =	swait.ge [sflag:s21], $0x1000  }
0x135: {  	[sflag:s21] =	ssyncset.done $0x0  }
0x136: {  	s1 =	rddreg [dreg:$0x14];
	[sflag:s21] =	ssyncadd.s32 $0xFFFFF000  }
0x137: {  	[tilespmem:s14], [sflag:$0x3] =	stream.indirect.gather [spmem:s3], $0x8, s1, s10, $0xb8;
	[tilespmem:$0xB788] =	vst v63  }
0x138: {  	_ =	swait.ge [sflag:s15], $0x1000  }
0x139: {  	[sflag:s15] =	ssyncset.done $0x0  }
0x13a: {  	s23 =	rddreg [dreg:$0x15];
	[sflag:s15] =	ssyncadd.s32 $0xFFFFF000  }
0x13b: {  	[spmem:s2] =	stream.indirect.scatter.add.f32 [tilespmem:s12], [sflag:$0x6], $0x8, s23, s10, $0xb8;
	[tilespmem:$0xB788] =	vst v63  }
0x13c: {  	_ =	swait.ge [sflag:s22], $0x1000  }
0x13d: {  	[sflag:s22] =	ssyncset.done $0x0  }
0x13e: {  	s24 =	rddreg [dreg:$0x16];
	[sflag:s22] =	ssyncadd.s32 $0xFFFFF000  }
0x13f: {  	[tilespmem:s16], [sflag:$0x4] =	stream.indirect.gather [spmem:s3], $0x8, s24, s10, $0xb8;
	[tilespmem:$0xB788] =	vst v63  }
0x140: {  	_ =	swait.ge [sflag:s17], $0x1000  }
0x141: {  	[sflag:s17] =	ssyncset.done $0x0  }
0x142: {  	s1 =	rddreg [dreg:$0x17];
	[sflag:s17] =	ssyncadd.s32 $0xFFFFF000  }
0x143: {  	[spmem:s2] =	stream.indirect.scatter.add.f32 [tilespmem:s14], [sflag:$0x7], $0x8, s1, s10, $0xb8;
	[tilespmem:$0xB788] =	vst v63  }
0x144: {  	_ =	swait.ge [sflag:s18], $0x1000  }
0x145: {  	[sflag:s18] =	ssyncset.done $0x0  }
0x146: {  	s23 =	rddreg [dreg:$0x18];
	[sflag:s18] =	ssyncadd.s32 $0xFFFFF000  }
0x147: {  	[tilespmem:s11], [sflag:$0x1] =	stream.indirect.gather [spmem:s3], $0x8, s23, s10, $0xb8;
	[tilespmem:$0xB788] =	vst v63  }
0x148: {  	_ =	swait.ge [sflag:s19], $0x1000  }
0x149: {  	[sflag:s19] =	ssyncset.done $0x0  }
0x14a: {  	s24 =	rddreg [dreg:$0x19];
	[sflag:s19] =	ssyncadd.s32 $0xFFFFF000  }
0x14b: {  	[spmem:s2] =	stream.indirect.scatter.add.f32 [tilespmem:s16], [sflag:$0x8], $0x8, s24, s10, $0xb8;
	[tilespmem:$0xB788] =	vst v63  }
0x14c: {  	_ =	swait.ge [sflag:s20], $0x1000  }
0x14d: {  	[sflag:s20] =	ssyncset.done $0x0  }
0x14e: {  	s1 =	rddreg [dreg:$0x1a];
	[sflag:s20] =	ssyncadd.s32 $0xFFFFF000  }
0x14f: {  	[tilespmem:s12], [sflag:$0x2] =	stream.indirect.gather [spmem:s3], $0x8, s1, s10, $0xb8;
	[tilespmem:$0xB788] =	vst v63  }
0x150: {  	_ =	swait.ge [sflag:s13], $0x1000  }
0x151: {  	[sflag:s13] =	ssyncset.done $0x0  }
0x152: {  	s23 =	rddreg [dreg:$0x1b];
	[sflag:s13] =	ssyncadd.s32 $0xFFFFF000  }
0x153: {  	[spmem:s2] =	stream.indirect.scatter.add.f32 [tilespmem:s11], [sflag:$0x5], $0x8, s23, s10, $0xb8;
	[tilespmem:$0xB788] =	vst v63  }
0x154: {  	_ =	swait.ge [sflag:s21], $0x1000  }
0x155: {  	[sflag:s21] =	ssyncset.done $0x0  }
0x156: {  	s24 =	rddreg [dreg:$0x1c];
	[sflag:s21] =	ssyncadd.s32 $0xFFFFF000  }
0x157: {  	[tilespmem:s14], [sflag:$0x3] =	stream.indirect.gather [spmem:s3], $0x8, s24, s10, $0xb8;
	[tilespmem:$0xB788] =	vst v63  }
0x158: {  	_ =	swait.ge [sflag:s15], $0x1000  }
0x159: {  	[sflag:s15] =	ssyncset.done $0x0  }
0x15a: {  	s1 =	rddreg [dreg:$0x1d];
	[sflag:s15] =	ssyncadd.s32 $0xFFFFF000  }
0x15b: {  	[spmem:s2] =	stream.indirect.scatter.add.f32 [tilespmem:s12], [sflag:$0x6], $0x8, s1, s10, $0xb8;
	[tilespmem:$0xB788] =	vst v63  }
0x15c: {  	_ =	swait.ge [sflag:s22], $0x1000  }
0x15d: {  	[sflag:s22] =	ssyncset.done $0x0  }
0x15e: {  	s23 =	rddreg [dreg:$0x1e];
	[sflag:s22] =	ssyncadd.s32 $0xFFFFF000  }
0x15f: {  	[tilespmem:s16], [sflag:$0x4] =	stream.indirect.gather [spmem:s3], $0x8, s23, s10, $0xb8;
	[tilespmem:$0xB788] =	vst v63  }
0x160: {  	_ =	swait.ge [sflag:s17], $0x1000  }
0x161: {  	[sflag:s17] =	ssyncset.done $0x0  }
0x162: {  	s24 =	rddreg [dreg:$0x1f];
	[sflag:s17] =	ssyncadd.s32 $0xFFFFF000  }
0x163: {  	[spmem:s2] =	stream.indirect.scatter.add.f32 [tilespmem:s14], [sflag:$0x7], $0x8, s24, s10, $0xb8;
	[tilespmem:$0xB788] =	vst v63  }
0x164: {  	_ =	swait.ge [sflag:s18], $0x1000  }
0x165: {  	s1 =	sld [smem:$0x7F2]  }
0x166: {  	[sflag:s18] =	ssyncset.done $0x0  }
0x167: {  	[sflag:s18] =	ssyncadd.s32 $0xFFFFF000  }
0x168: {  	[tilespmem:s11], [sflag:$0x1] =	stream.indirect.gather [spmem:s3], $0x8, s1, s10, $0xb8;
	[tilespmem:$0xB788] =	vst v63  }
0x169: {  	_ =	swait.ge [sflag:s19], $0x1000  }
0x16a: {  	s23 =	sld [smem:$0x7F3]  }
0x16b: {  	[sflag:s19] =	ssyncset.done $0x0  }
0x16c: {  	[sflag:s19] =	ssyncadd.s32 $0xFFFFF000  }
0x16d: {  	[spmem:s2] =	stream.indirect.scatter.add.f32 [tilespmem:s16], [sflag:$0x8], $0x8, s23, s10, $0xb8;
	[tilespmem:$0xB788] =	vst v63  }
0x16e: {  	_ =	swait.ge [sflag:s20], $0x1000  }
0x16f: {  	s24 =	sld [smem:$0x7F4]  }
0x170: {  	[sflag:s20] =	ssyncset.done $0x0  }
0x171: {  	[sflag:s20] =	ssyncadd.s32 $0xFFFFF000  }
0x172: {  	[tilespmem:s12], [sflag:$0x2] =	stream.indirect.gather [spmem:s3], $0x8, s24, s10, $0xb8;
	[tilespmem:$0xB788] =	vst v63  }
0x173: {  	_ =	swait.ge [sflag:s13], $0x1000  }
0x174: {  	s1 =	sld [smem:$0x7F5]  }
0x175: {  	[sflag:s13] =	ssyncset.done $0x0  }
0x176: {  	[sflag:s13] =	ssyncadd.s32 $0xFFFFF000  }
0x177: {  	[spmem:s2] =	stream.indirect.scatter.add.f32 [tilespmem:s11], [sflag:$0x5], $0x8, s1, s10, $0xb8;
	[tilespmem:$0xB788] =	vst v63  }
0x178: {  	_ =	swait.ge [sflag:s21], $0x1000  }
0x179: {  	s23 =	sld [smem:$0x7F6]  }
0x17a: {  	[sflag:s21] =	ssyncset.done $0x0  }
0x17b: {  	[sflag:s21] =	ssyncadd.s32 $0xFFFFF000  }
0x17c: {  	[tilespmem:s14], [sflag:$0x3] =	stream.indirect.gather [spmem:s3], $0x8, s23, s10, $0xb8;
	[tilespmem:$0xB788] =	vst v63  }
0x17d: {  	_ =	swait.ge [sflag:s15], $0x1000  }
0x17e: {  	s24 =	sld [smem:$0x7F7]  }
0x17f: {  	[sflag:s15] =	ssyncset.done $0x0  }
0x180: {  	[sflag:s15] =	ssyncadd.s32 $0xFFFFF000  }
0x181: {  	[spmem:s2] =	stream.indirect.scatter.add.f32 [tilespmem:s12], [sflag:$0x6], $0x8, s24, s10, $0xb8;
	[tilespmem:$0xB788] =	vst v63  }
0x182: {  	_ =	swait.ge [sflag:s22], $0x1000  }
0x183: {  	s1 =	sld [smem:$0x7F8]  }
0x184: {  	[sflag:s22] =	ssyncset.done $0x0  }
0x185: {  	[sflag:s22] =	ssyncadd.s32 $0xFFFFF000  }
0x186: {  	[tilespmem:s16], [sflag:$0x4] =	stream.indirect.gather [spmem:s3], $0x8, s1, s10, $0xb8;
	[tilespmem:$0xB788] =	vst v63  }
0x187: {  	_ =	swait.ge [sflag:s17], $0x1000  }
0x188: {  	s23 =	sld [smem:$0x7F9]  }
0x189: {  	[sflag:s17] =	ssyncset.done $0x0  }
0x18a: {  	[sflag:s17] =	ssyncadd.s32 $0xFFFFF000  }
0x18b: {  	[spmem:s2] =	stream.indirect.scatter.add.f32 [tilespmem:s14], [sflag:$0x7], $0x8, s23, s10, $0xb8;
	[tilespmem:$0xB788] =	vst v63  }
0x18c: {  	_ =	swait.ge [sflag:s18], $0x1000  }
0x18d: {  	s24 =	sld [smem:$0x7FA]  }
0x18e: {  	[sflag:s18] =	ssyncset.done $0x0  }
0x18f: {  	[sflag:s18] =	ssyncadd.s32 $0xFFFFF000  }
0x190: {  	[tilespmem:s11], [sflag:$0x1] =	stream.indirect.gather [spmem:s3], $0x8, s24, s10, $0xb8;
	[tilespmem:$0xB788] =	vst v63  }
0x191: {  	_ =	swait.ge [sflag:s19], $0x1000  }
0x192: {  	s1 =	sld [smem:$0x7FB]  }
0x193: {  	[sflag:s19] =	ssyncset.done $0x0  }
0x194: {  	[sflag:s19] =	ssyncadd.s32 $0xFFFFF000  }
0x195: {  	[spmem:s2] =	stream.indirect.scatter.add.f32 [tilespmem:s16], [sflag:$0x8], $0x8, s1, s10, $0xb8;
	[tilespmem:$0xB788] =	vst v63  }
0x196: {  	_ =	swait.ge [sflag:s20], $0x1000  }
0x197: {  	s23 =	sld [smem:$0x7FC]  }
0x198: {  	[sflag:s20] =	ssyncset.done $0x0  }
0x199: {  	[sflag:s20] =	ssyncadd.s32 $0xFFFFF000  }
0x19a: {  	[tilespmem:s12], [sflag:$0x2] =	stream.indirect.gather [spmem:s3], $0x8, s23, s10, $0xb8;
	[tilespmem:$0xB788] =	vst v63  }
0x19b: {  	_ =	swait.ge [sflag:s13], $0x1000  }
0x19c: {  	s24 =	sld [smem:$0x7FD]  }
0x19d: {  	[sflag:s13] =	ssyncset.done $0x0  }
0x19e: {  	[sflag:s13] =	ssyncadd.s32 $0xFFFFF000  }
0x19f: {  	[spmem:s2] =	stream.indirect.scatter.add.f32 [tilespmem:s11], [sflag:$0x5], $0x8, s24, s10, $0xb8;
	[tilespmem:$0xB788] =	vst v63  }
0x1a0: {  	_ =	swait.ge [sflag:s21], $0x1000  }
0x1a1: {  	[sflag:s21] =	ssyncset.done $0x0  }
0x1a2: {  	s1 =	simm.s32 $0x2400;
	[sflag:s21] =	ssyncadd.s32 $0xFFFFF000  }
0x1a3: {  	[tilespmem:s14], [sflag:$0x3] =	stream.indirect.gather [spmem:s3], $0x8, s1, s10, $0xb8;
	[tilespmem:$0xB788] =	vst v63  }
0x1a4: {  	_ =	swait.ge [sflag:s15], $0x1000  }
0x1a5: {  	[sflag:s15] =	ssyncset.done $0x0  }
0x1a6: {  	s23 =	simm.s32 $0x4A00;
	[sflag:s15] =	ssyncadd.s32 $0xFFFFF000  }
0x1a7: {  	[spmem:s2] =	stream.indirect.scatter.add.f32 [tilespmem:s12], [sflag:$0x6], $0x8, s23, s10, $0xb8;
	[tilespmem:$0xB788] =	vst v63  }
0x1a8: {  	_ =	swait.ge [sflag:s22], $0x1000  }
0x1a9: {  	[sflag:s22] =	ssyncset.done $0x0  }
0x1aa: {  	[sflag:s22] =	ssyncadd.s32 $0xFFFFF000  }
0x1ab: {  	[tilespmem:s16], [sflag:$0x4] =	stream.indirect.gather [spmem:s3], $0x8, s25, s10, $0xb8;
	[tilespmem:$0xB788] =	vst v63  }
0x1ac: {  	_ =	swait.ge [sflag:s17], $0x1000  }
0x1ad: {  	[sflag:s17] =	ssyncset.done $0x0  }
0x1ae: {  	[sflag:s17] =	ssyncadd.s32 $0xFFFFF000  }
0x1af: {  	[spmem:s2] =	stream.indirect.scatter.add.f32 [tilespmem:s14], [sflag:$0x7], $0x8, s26, s10, $0xb8;
	[tilespmem:$0xB788] =	vst v63  }
0x1b0: {  	_ =	swait.ge [sflag:s18], $0x1000  }
0x1b1: {  	[sflag:s18] =	ssyncset.done $0x0  }
0x1b2: {  	[sflag:s18] =	ssyncadd.s32 $0xFFFFF000  }
0x1b3: {  	_ =	swait.ge [sflag:s19], $0x1000  }
0x1b4: {  	[sflag:s19] =	ssyncset.done $0x0  }
0x1b5: {  	[sflag:s19] =	ssyncadd.s32 $0xFFFFF000  }
0x1b6: {  	[spmem:s2] =	stream.indirect.scatter.add.f32 [tilespmem:s16], [sflag:$0x8], $0x8, s28, s10, $0xb8;
	[tilespmem:$0xB788] =	vst v63  }
0x1b7: {  	_ =	swait.ge [sflag:s20], $0x1000  }
0x1b8: {  	[sflag:s20] =	ssyncset.done $0x0  }
0x1b9: {  	[sflag:s20] =	ssyncadd.s32 $0xFFFFF000  }
0x1ba: {  	_ =	swait.ge [sflag:s21], $0x1000  }
0x1bb: {  	[sflag:s21] =	ssyncset.done $0x0  }
0x1bc: {  	[sflag:s21] =	ssyncadd.s32 $0xFFFFF000  }
0x1bd: {  	p0 =	sne.s32 s31, $0x1;
	_ =	swait.ge [sflag:s22], $0x1000  }
.Ltmp1:
0x1be: {  	[sflag:s22] =	ssyncset.done $0x0;
	(pc) =	sbr.rel @p0 .LBB2_1-.Ltmp1, $4  }
0x1bf: {  	[sflag:s22] =	ssyncadd.s32 $0xFFFFF000  }
0x1c0: {  	[bflag:$0x0] =	sbarrier.arrive $0xFFFF  }
0x1c1: {  	s31 =	sadd.s32 $0xFFFFFFFF, s31;
	s24 =	rddreg [dreg:$0x9]  }
0x1c2: {  	[hbm:s24], [sflag:s29] =	dma.local [spmem:s6], $0x280  }
.LBB2_2:
0x1c3: {  	_ =	swait.ge [sflag:s30], $0x280  }
0x1c4: {  	[sflag:s30] =	ssyncset.done $0x0  }
0x1c5: {  	[sflag:s30] =	ssyncadd.s32 $0xFFFFFD80  }
0x1c6: {  	_ =	sfence.sel $0x180000  }
0x1c7: {  	[bflag:$0x0] =	sbarrier.arrive $0xFFFF  }
0x1c8: {  	_ =	strace $0x90000047  }
0x1c9: {  	s0 =	stileid.u32;
	[bflag:$0x2] =	sbarrier.arrive $0xFFFF  }
0x1ca: {  	p0 =	sne.s32 s0, $0x0;
	s0 =	rddreg [dreg:$0x3]  }
0x1cb: {  	s0 =	sadd.s32 @!p0 $0x100000, s0  }
0x1cc: {  	[sflag:s0] =	ssyncadd.tile.s32 @!p0 $0x1;
	_ =	shalt  }
.Lfunc_end2:
_tile_overlayer_lowered:
.L_overlay_start_2:
0x1cd: {  	(tag) =	ssettag $0x2  }
0x1ce: {  	s0 =	rddreg [dreg:$0x0];
	s2 =	stileid.u32  }
0x1cf: {  	s1 =	rddreg [dreg:$0x1];
	p0 =	sne.s32 s2, $0x0  }
0x1d0: {  	s3 =	rddreg [dreg:$0x2];
	[bflag:$0x3] =	sbarrier.arrive $0xFFFF;
	s2 =	simm.s32 @!p0 $0x1C0C  }
0x1d1: {  	[timem:s3], [sflag:s2] =	dma.local @!p0 [hbm:s0], s1  }
0x1d2: {  	s0 =	simm.s32 @!p0 $0xC  }
0x1d3: {  	_ =	swait.ge @!p0 [sflag:s0], s1  }
0x1d4: {  	s1 =	ssub.s32 @!p0 $0x0, s1;
	[sflag:s0] =	ssyncset.done @!p0 $0x0  }
0x1d5: {  	[sflag:s0] =	ssyncadd.s32 @!p0 s1  }
0x1d6: {  	[bflag:$0x3] =	sbarrier.arrive $0xFFFF  }
0x1d7: {  	_ =	shalt  }

</sc_bundles>
